<compile_context>
chip_gen: v7x
topology: tpu7x:2x2x1
jax: 0.10.2.dev20260603
libtpu: 0.0.44.dev20260713+nightly
codegen_flags: <defaults>
</compile_context>

<pallas_src>
import functools

import jax
import jax.numpy as jnp
from jax import lax
from jax.experimental import pallas as pl
from jax.experimental.pallas import tpu as pltpu
from jax.experimental.pallas import tpu_sc as plsc

N = 10000
E = 320000
D = 128
HD = D // 2
L = 16
CH = 128
EPT = E // 16
SEG = 78
SEGE = SEG * CH
TAIL = EPT - 2 * SEGE
EPC = EPT // 2
DCH = EPC // CH
NP = 10112
RPT = NP // 16
YPT = N // 16
YC = YPT // 5
TCB = 1000


def _deg_body(eix_hbm, ones_hbm, zeros_hbm, deg_out, deg_sh, dstbuf, ones_v,
              d0s, d1s):
    c = lax.axis_index("c")
    s = lax.axis_index("s")
    pltpu.sync_copy(ones_hbm, ones_v)
    pltpu.sync_copy(zeros_hbm, deg_sh.at[pl.ds(s * RPT, RPT)])
    plsc.subcore_barrier()

    pltpu.sync_copy(eix_hbm.at[1, pl.ds(s * EPT + c * EPC, EPC)], dstbuf)
    dsems = (d0s, d1s)
    pltpu.async_copy(ones_v, deg_sh.at[dstbuf.at[pl.ds(0, CH)]], d0s,
                     add=True)
    pltpu.async_copy(ones_v, deg_sh.at[dstbuf.at[pl.ds(CH, CH)]], d1s,
                     add=True)

    def body(i, _):
        for p in range(2):
            k = 2 * i + p
            pltpu.make_async_copy(
                ones_v, deg_sh.at[dstbuf.at[pl.ds(k * CH, CH)]],
                dsems[p]).wait()
            pltpu.async_copy(
                ones_v, deg_sh.at[dstbuf.at[pl.ds((k + 2) * CH, CH)]],
                dsems[p], add=True)
        return 0

    lax.fori_loop(0, DCH // 2 - 1, body, 0)
    for p in range(2):
        k = DCH - 2 + p
        pltpu.make_async_copy(
            ones_v, deg_sh.at[dstbuf.at[pl.ds(k * CH, CH)]], dsems[p]).wait()
    pltpu.sync_copy(ones_v.at[pl.ds(0, EPC - DCH * CH)],
                    deg_sh.at[dstbuf.at[pl.ds(DCH * CH, EPC - DCH * CH)]],
                    add=True)
    plsc.subcore_barrier()
    pltpu.sync_copy(deg_sh.at[pl.ds(s * RPT, RPT)],
                    deg_out.at[c, pl.ds(s * RPT, RPT)])


def _edge_body(eix_hbm, y2_hbm, zrows_hbm, z_out,
               z_sh, y_sh, srcbuf, dstbuf, rb0, rb1, rb2,
               g0, g1, g2, t0, t1, t2):
    c = lax.axis_index("c")
    s = lax.axis_index("s")
    rbufs = (rb0, rb1, rb2)
    gsems = (g0, g1, g2)
    ssems = (t0, t1, t2)

    zb = rb0.at[pl.ds(0, YC)]
    pltpu.sync_copy(zrows_hbm, zb)
    for t in range(5):
        pltpu.async_copy(zb, z_sh.at[pl.ds(s * YPT + t * YC, YC)], g0)

    yb = rb1.at[pl.ds(0, YC)]
    for t in range(5):
        off = s * YPT + t * YC
        pltpu.sync_copy(y2_hbm.at[c, pl.ds(off, YC)], yb)
        pltpu.sync_copy(yb, y_sh.at[pl.ds(off, YC)])
    for t in range(5):
        pltpu.make_async_copy(zb, z_sh.at[pl.ds(s * YPT + t * YC, YC)],
                              g0).wait()

    plsc.subcore_barrier()

    for h in range(2):
        base_e = s * EPT + h * SEGE
        pltpu.sync_copy(eix_hbm.at[0, pl.ds(base_e, SEGE)],
                        srcbuf.at[pl.ds(0, SEGE)])
        pltpu.sync_copy(eix_hbm.at[1, pl.ds(base_e, SEGE)],
                        dstbuf.at[pl.ds(0, SEGE)])
        if h == 1:
            pltpu.sync_copy(eix_hbm.at[0, pl.ds(base_e + SEGE, TAIL)],
                            srcbuf.at[pl.ds(SEGE, TAIL)])
            pltpu.sync_copy(eix_hbm.at[1, pl.ds(base_e + SEGE, TAIL)],
                            dstbuf.at[pl.ds(SEGE, TAIL)])

        pltpu.async_copy(y_sh.at[srcbuf.at[pl.ds(0, CH)]], rbufs[0], gsems[0])
        pltpu.async_copy(y_sh.at[srcbuf.at[pl.ds(CH, CH)]], rbufs[1], gsems[1])

        def body(i, _):
            for d in range(3):
                k = 3 * i + d
                b = d
                bn = (d + 2) % 3
                if d == 0:
                    @pl.when(i > 0)
                    def _():
                        pltpu.make_async_copy(
                            rbufs[bn],
                            z_sh.at[dstbuf.at[pl.ds((k - 1) * CH, CH)]],
                            ssems[bn]).wait()

                    pltpu.async_copy(y_sh.at[srcbuf.at[pl.ds((k + 2) * CH, CH)]],
                                     rbufs[bn], gsems[bn])
                else:
                    pltpu.make_async_copy(
                        rbufs[bn],
                        z_sh.at[dstbuf.at[pl.ds((k - 1) * CH, CH)]],
                        ssems[bn]).wait()

                    @pl.when(i < SEG // 3 - 1)
                    def _():
                        pltpu.async_copy(
                            y_sh.at[srcbuf.at[pl.ds((k + 2) * CH, CH)]],
                            rbufs[bn], gsems[bn])

                pltpu.make_async_copy(y_sh.at[srcbuf.at[pl.ds(k * CH, CH)]],
                                      rbufs[b], gsems[b]).wait()
                pltpu.async_copy(rbufs[b],
                                 z_sh.at[dstbuf.at[pl.ds(k * CH, CH)]],
                                 ssems[b], add=True)
            return 0

        lax.fori_loop(0, SEG // 3, body, 0)
        pltpu.make_async_copy(
            rbufs[(SEG - 1) % 3],
            z_sh.at[dstbuf.at[pl.ds((SEG - 1) * CH, CH)]],
            ssems[(SEG - 1) % 3]).wait()
        if h == 1:
            tb = rbufs[0].at[pl.ds(0, TAIL)]
            pltpu.async_copy(y_sh.at[srcbuf.at[pl.ds(SEGE, TAIL)]],
                             tb, gsems[0]).wait()
            pltpu.async_copy(tb, z_sh.at[dstbuf.at[pl.ds(SEGE, TAIL)]],
                             ssems[0], add=True).wait()

    plsc.subcore_barrier()
    for t in range(5):
        off = s * YPT + t * YC
        pltpu.sync_copy(z_sh.at[pl.ds(off, YC)], zb)
        pltpu.sync_copy(zb, z_out.at[c, pl.ds(off, YC)])


@functools.cache
def _build_sc_kernels():
    mesh = plsc.VectorSubcoreMesh(core_axis_name="c", subcore_axis_name="s",
                                  num_cores=2, num_subcores=16)
    params = pltpu.CompilerParams(use_tc_tiling_on_sc=False)
    deg_kernel = pl.kernel(
        _deg_body,
        out_type=jax.ShapeDtypeStruct((2, NP, L), jnp.float32),
        mesh=mesh,
        compiler_params=params,
        scratch_types=[
            pltpu.VMEM_SHARED((NP, L), jnp.float32),
            pltpu.VMEM((EPC,), jnp.int32),
            pltpu.VMEM((CH, L), jnp.float32),
            pltpu.SemaphoreType.DMA,
            pltpu.SemaphoreType.DMA,
        ],
    )
    edge_kernel = pl.kernel(
        _edge_body,
        out_type=jax.ShapeDtypeStruct((2, N, HD), jnp.float32),
        mesh=mesh,
        compiler_params=params,
        scratch_types=[
            pltpu.VMEM_SHARED((N, HD), jnp.float32),
            pltpu.VMEM_SHARED((N, HD), jnp.float32),
            pltpu.VMEM((SEGE + TAIL,), jnp.int32),
            pltpu.VMEM((SEGE + TAIL,), jnp.int32),
            pltpu.VMEM((CH, HD), jnp.float32),
            pltpu.VMEM((CH, HD), jnp.float32),
            pltpu.VMEM((CH, HD), jnp.float32),
            pltpu.SemaphoreType.DMA,
            pltpu.SemaphoreType.DMA,
            pltpu.SemaphoreType.DMA,
            pltpu.SemaphoreType.DMA,
            pltpu.SemaphoreType.DMA,
            pltpu.SemaphoreType.DMA,
        ],
    )
    return deg_kernel, edge_kernel


def _tc_mm_body(x_ref, h_ref, w_ref, xw_ref):
    comb = x_ref[...] + h_ref[...]
    xw_ref[...] = lax.dot_general(comb, w_ref[...], (((1,), (0,)), ((), ())),
                                  precision=lax.Precision.HIGHEST,
                                  preferred_element_type=jnp.float32)


def _tc_scale_body(xw_ref, d0_ref, d1_ref, b_ref, y2_ref, base_ref):
    xw = xw_ref[...]
    deg = d0_ref[0, :, 0:1] + d1_ref[0, :, 0:1] + 1.0
    dis = lax.rsqrt(deg)
    y = xw * dis
    y2_ref[0] = y[:, :HD]
    y2_ref[1] = y[:, HD:]
    base_ref[...] = xw * (dis * dis) + b_ref[...]


def _tc_fin_body(z0_ref, z1_ref, d0_ref, d1_ref, base_ref, o_ref):
    deg = d0_ref[0, :, 0:1] + d1_ref[0, :, 0:1] + 1.0
    dis = lax.rsqrt(deg)
    z = jnp.concatenate([z0_ref[0], z1_ref[0]], axis=1)
    o_ref[...] = z * dis + base_ref[...]


def kernel(x, edge_index, h_cur, c_cur, W, b):
    eix = edge_index.astype(jnp.int32)
    W128 = W[:, :D]
    b128 = b[:D].reshape(1, D)

    deg_kernel, edge_kernel = _build_sc_kernels()
    ones16 = jnp.ones((CH, L), jnp.float32)
    zeros16 = jnp.zeros((RPT, L), jnp.float32)
    zrows = jnp.zeros((YC, HD), jnp.float32)
    deg2 = deg_kernel(eix, ones16, zeros16)

    row_spec = pl.BlockSpec((TCB, D), lambda i: (i, 0))
    half2_spec = pl.BlockSpec((2, TCB, HD), lambda i: (0, i, 0))
    deg0_spec = pl.BlockSpec((1, TCB, L), lambda i: (0, i, 0))
    deg1_spec = pl.BlockSpec((1, TCB, L), lambda i: (1, i, 0))
    xw = pl.pallas_call(
        _tc_mm_body,
        grid=(N // TCB,),
        in_specs=[row_spec, row_spec, pl.BlockSpec((D, D), lambda i: (0, 0))],
        out_specs=row_spec,
        out_shape=jax.ShapeDtypeStruct((N, D), jnp.float32),
    )(x, h_cur, W128)

    y2, base = pl.pallas_call(
        _tc_scale_body,
        grid=(N // TCB,),
        in_specs=[
            row_spec,
            deg0_spec,
            deg1_spec,
            pl.BlockSpec((1, D), lambda i: (0, 0)),
        ],
        out_specs=[half2_spec, row_spec],
        out_shape=[jax.ShapeDtypeStruct((2, N, HD), jnp.float32),
                   jax.ShapeDtypeStruct((N, D), jnp.float32)],
    )(xw, deg2, deg2, b128)

    z2 = edge_kernel(eix, y2, zrows)

    z0_spec = pl.BlockSpec((1, TCB, HD), lambda i: (0, i, 0))
    z1_spec = pl.BlockSpec((1, TCB, HD), lambda i: (1, i, 0))
    out = pl.pallas_call(
        _tc_fin_body,
        grid=(N // TCB,),
        in_specs=[z0_spec, z1_spec, deg0_spec, deg1_spec, row_spec],
        out_specs=row_spec,
        out_shape=jax.ShapeDtypeStruct((N, D), jnp.float32),
    )(z2, z2, deg2, deg2, base)
    return out

# --- scband reference (transcript-rebuilt; emitter-appended) ---
"""Pipeline reference for scband-gconv-lstmcell-55877524521590 (READ-ONLY COPY).

The authoritative reference and input builder live on the scoring server;
editing this copy changes nothing except your own understanding.
"""

import jax, jax.numpy as jnp
import numpy as np

NUM_NODES = 10000
NUM_EDGES = 320000
IN_DIM = 128
HIDDEN_DIM = 128
OUT_DIM = 4 * HIDDEN_DIM


def setup_inputs(seed: int = 0) -> dict:
    key = jax.random.key(seed)
    k1, k2, k3, k4, k5, k6 = jax.random.split(key, 6)
    x = jax.random.normal(k1, (NUM_NODES, IN_DIM), dtype=jnp.float32)
    edge_index = jax.random.randint(k2, (2, NUM_EDGES), 0, NUM_NODES, dtype=jnp.int64)
    h_cur = jax.random.normal(k3, (NUM_NODES, IN_DIM), dtype=jnp.float32)
    c_cur = jax.random.normal(k4, (NUM_NODES, IN_DIM), dtype=jnp.float32)
    # GCNConv parameters (glorot-ish init)
    W = jax.random.normal(k5, (IN_DIM, OUT_DIM), dtype=jnp.float32) * (1.0 / np.sqrt(IN_DIM))
    b = jnp.zeros((OUT_DIM,), dtype=jnp.float32)
    return {"x": x, "edge_index": edge_index, "h_cur": h_cur, "c_cur": c_cur, "W": W, "b": b}


def _gcn_conv(x, edge_index, W, b):
    # PyG GCNConv: add self-loops, symmetric normalization D^-1/2 (A+I) D^-1/2 X W + b
    src = edge_index[0]
    dst = edge_index[1]
    loop = jnp.arange(NUM_NODES, dtype=edge_index.dtype)
    src = jnp.concatenate([src, loop])
    dst = jnp.concatenate([dst, loop])
    ones = jnp.ones(src.shape[0], dtype=x.dtype)
    deg = jnp.zeros((NUM_NODES,), dtype=x.dtype).at[dst].add(ones)
    deg_inv_sqrt = jnp.where(deg > 0, jax.lax.rsqrt(deg), 0.0)
    norm = deg_inv_sqrt[src] * deg_inv_sqrt[dst]
    xw = x @ W
    msg = jnp.take(xw, src, axis=0) * norm[:, None]
    out = jnp.zeros((NUM_NODES, xw.shape[1]), dtype=x.dtype).at[dst].add(msg)
    return out + b


def reference(x, edge_index, h_cur, c_cur, W, b):
    combined = x + h_cur
    combined_conv = _gcn_conv(combined, edge_index, W, b)
    cc_f = combined_conv[:, 0:HIDDEN_DIM]
    return cc_f

if __name__ == "__main__":
    import jax
    _d = setup_inputs()
    print(jax.jit(kernel)(*tuple(_d.values())))

</pallas_src>

<mosaic_0001>
#map = affine_map<(d0, d1) -> (0, 0)>
#map1 = affine_map<(d0, d1) -> (0, 0, 0)>
module attributes {stable_mosaic.version = 14 : i64} {
  func.func @_deg_body(%arg0: i32, %arg1: i32, %arg2: memref<2x320000xi32, #tpu.memory_space<hbm>>, %arg3: memref<128x16xf32, #tpu.memory_space<hbm>>, %arg4: memref<632x16xf32, #tpu.memory_space<hbm>>, %arg5: memref<2x10112x16xf32, #tpu.memory_space<hbm>>, %arg6: memref<10112x16xf32, #tpu.memory_space<vmem_shared>>, %arg7: memref<10000xi32, #tpu.memory_space<vmem>>, %arg8: memref<128x16xf32, #tpu.memory_space<vmem>>, %arg9: memref<!tpu.dma_semaphore, #tpu.memory_space<semaphore_mem>>, %arg10: memref<!tpu.dma_semaphore, #tpu.memory_space<semaphore_mem>>) attributes {dimension_semantics = [#tpu.dimension_semantics<core_parallel>, #tpu.dimension_semantics<subcore_parallel>], iteration_bounds = array<i64: 2, 16>, scalar_prefetch = 0 : i64, scratch_operands = 5 : i64, tpu.core_type = #tpu.core_type<sc_vector_subcore>, window_params = [{transform_indices = #map}, {transform_indices = #map}, {transform_indices = #map}, {transform_indices = #map1}]} {
    "tpu.region"() ({
      %run_scoped3A_34 = tpu.sem_alloc : memref<!tpu.dma_semaphore, #tpu.memory_space<semaphore_mem>>
      tpu.enqueue_dma source(%arg3 : memref<128x16xf32, #tpu.memory_space<hbm>>) target(%arg8 : memref<128x16xf32, #tpu.memory_space<vmem>>) target_semaphore(%run_scoped3A_34 : memref<!tpu.dma_semaphore, #tpu.memory_space<semaphore_mem>>)
      tpu.wait_dma2 semaphore(%run_scoped3A_34 : memref<!tpu.dma_semaphore, #tpu.memory_space<semaphore_mem>>) src(%arg3 : memref<128x16xf32, #tpu.memory_space<hbm>>) dst(%arg8 : memref<128x16xf32, #tpu.memory_space<vmem>>)
      tpu.yield
    }) : () -> ()
    %mul3A = arith.constant 632 : i32
    %mul3A_0 = arith.muli %arg1, %mul3A : i32
    "tpu.region"() ({
      %run_scoped3A_34 = tpu.sem_alloc : memref<!tpu.dma_semaphore, #tpu.memory_space<semaphore_mem>>
      %dma_start3A_35 = arith.constant 0 : i32
      %dma_start3A_36 = tpu.memref_slice %arg6[%mul3A_0, %dma_start3A_35] : memref<10112x16xf32, #tpu.memory_space<vmem_shared>> -> memref<632x16xf32, #tpu.memory_space<vmem_shared>>
      tpu.enqueue_dma source(%arg4 : memref<632x16xf32, #tpu.memory_space<hbm>>) target(%dma_start3A_36 : memref<632x16xf32, #tpu.memory_space<vmem_shared>>) target_semaphore(%run_scoped3A_34 : memref<!tpu.dma_semaphore, #tpu.memory_space<semaphore_mem>>)
      %dma_wait3A_37 = arith.constant 0 : i32
      %dma_wait3A_38 = tpu.memref_slice %arg6[%mul3A_0, %dma_wait3A_37] : memref<10112x16xf32, #tpu.memory_space<vmem_shared>> -> memref<632x16xf32, #tpu.memory_space<vmem_shared>>
      tpu.wait_dma2 semaphore(%run_scoped3A_34 : memref<!tpu.dma_semaphore, #tpu.memory_space<semaphore_mem>>) src(%arg4 : memref<632x16xf32, #tpu.memory_space<hbm>>) dst(%dma_wait3A_38 : memref<632x16xf32, #tpu.memory_space<vmem_shared>>)
      tpu.yield
    }) : () -> ()
    %barrier3A = arith.constant 0 : index
    tpu.barrier barrier_id(%barrier3A)
    %mul3A_1 = arith.constant 20000 : i32
    %mul3A_2 = arith.muli %arg1, %mul3A_1 : i32
    %mul3A_3 = arith.constant 10000 : i32
    %mul3A_4 = arith.muli %arg0, %mul3A_3 : i32
    %add3A = arith.addi %mul3A_2, %mul3A_4 : i32
    %run_scoped3A = arith.constant 1 : i32
    "tpu.region"() ({
      %run_scoped3A_34 = tpu.sem_alloc : memref<!tpu.dma_semaphore, #tpu.memory_space<semaphore_mem>>
      %dma_start3A_35 = tpu.memref_slice %arg2[%run_scoped3A, %add3A] : memref<2x320000xi32, #tpu.memory_space<hbm>> -> memref<1x10000xi32, #tpu.memory_space<hbm>>
      %dma_start3A_36 = tpu.memref_squeeze %dma_start3A_35 : memref<1x10000xi32, #tpu.memory_space<hbm>> -> memref<10000xi32, #tpu.memory_space<hbm>>
      %dma_start3A_37 = tpu.memref_slice %arg2[%run_scoped3A, %add3A] : memref<2x320000xi32, #tpu.memory_space<hbm>> -> memref<1x10000xi32, #tpu.memory_space<hbm>>
      %dma_start3A_38 = tpu.memref_squeeze %dma_start3A_37 : memref<1x10000xi32, #tpu.memory_space<hbm>> -> memref<10000xi32, #tpu.memory_space<hbm>>
      tpu.enqueue_dma source(%dma_start3A_38 : memref<10000xi32, #tpu.memory_space<hbm>>) target(%arg7 : memref<10000xi32, #tpu.memory_space<vmem>>) target_semaphore(%run_scoped3A_34 : memref<!tpu.dma_semaphore, #tpu.memory_space<semaphore_mem>>)
      %dma_wait3A_39 = tpu.memref_slice %arg2[%run_scoped3A, %add3A] : memref<2x320000xi32, #tpu.memory_space<hbm>> -> memref<1x10000xi32, #tpu.memory_space<hbm>>
      %dma_wait3A_40 = tpu.memref_squeeze %dma_wait3A_39 : memref<1x10000xi32, #tpu.memory_space<hbm>> -> memref<10000xi32, #tpu.memory_space<hbm>>
      %dma_wait3A_41 = tpu.memref_slice %arg2[%run_scoped3A, %add3A] : memref<2x320000xi32, #tpu.memory_space<hbm>> -> memref<1x10000xi32, #tpu.memory_space<hbm>>
      %dma_wait3A_42 = tpu.memref_squeeze %dma_wait3A_41 : memref<1x10000xi32, #tpu.memory_space<hbm>> -> memref<10000xi32, #tpu.memory_space<hbm>>
      tpu.wait_dma2 semaphore(%run_scoped3A_34 : memref<!tpu.dma_semaphore, #tpu.memory_space<semaphore_mem>>) src(%dma_wait3A_42 : memref<10000xi32, #tpu.memory_space<hbm>>) dst(%arg7 : memref<10000xi32, #tpu.memory_space<vmem>>)
      tpu.yield
    }) : () -> ()
    %dma_start3A = arith.constant 0 : i32
    %dma_start3A_5 = tpu.memref_slice %arg7[%dma_start3A] : memref<10000xi32, #tpu.memory_space<vmem>> -> memref<128xi32, #tpu.memory_space<vmem>>
    %dma_start3A_6 = arith.constant 0 : i32
    %dma_start3A_7 = arith.constant 0 : i32
    %dma_start3A_8 = tpu.memref_slice %arg6[%dma_start3A_6, %dma_start3A_7] : memref<10112x16xf32, #tpu.memory_space<vmem_shared>> -> memref<10112x16xf32, #tpu.memory_space<vmem_shared>>
    tpu.enqueue_indirect_dma source(%arg8 : memref<128x16xf32, #tpu.memory_space<vmem>>) target(%dma_start3A_8 : memref<10112x16xf32, #tpu.memory_space<vmem_shared>>) offsets(%dma_start3A_5 : memref<128xi32, #tpu.memory_space<vmem>>) semaphore(%arg9 : memref<!tpu.dma_semaphore, #tpu.memory_space<semaphore_mem>>) {add = true}
    %dma_start3A_9 = arith.constant 128 : i32
    %dma_start3A_10 = tpu.memref_slice %arg7[%dma_start3A_9] : memref<10000xi32, #tpu.memory_space<vmem>> -> memref<128xi32, #tpu.memory_space<vmem>>
    %dma_start3A_11 = arith.constant 0 : i32
    %dma_start3A_12 = arith.constant 0 : i32
    %dma_start3A_13 = tpu.memref_slice %arg6[%dma_start3A_11, %dma_start3A_12] : memref<10112x16xf32, #tpu.memory_space<vmem_shared>> -> memref<10112x16xf32, #tpu.memory_space<vmem_shared>>
    tpu.enqueue_indirect_dma source(%arg8 : memref<128x16xf32, #tpu.memory_space<vmem>>) target(%dma_start3A_13 : memref<10112x16xf32, #tpu.memory_space<vmem_shared>>) offsets(%dma_start3A_10 : memref<128xi32, #tpu.memory_space<vmem>>) semaphore(%arg10 : memref<!tpu.dma_semaphore, #tpu.memory_space<semaphore_mem>>) {add = true}
    %scan3A = arith.constant 0 : i32
    %scan3A_14 = arith.constant 0 : i32
    %scan3A_15 = arith.constant 38 : i32
    %scan3A_16 = arith.addi %scan3A_14, %scan3A_15 : i32
    %scan3A_17 = arith.constant 1 : i32
    %scan3A_18 = scf.for %scan3A_34 = %scan3A_14 to %scan3A_16 step %scan3A_17 iter_args(%scan3A_35 = %scan3A) -> (i32)  : i32 {
      %mul3A_36 = arith.constant 2 : i32
      %mul3A_37 = arith.muli %mul3A_36, %scan3A_34 : i32
      %add3A_38 = arith.constant 0 : i32
      %add3A_39 = arith.addi %mul3A_37, %add3A_38 : i32
      %mul3A_40 = arith.constant 128 : i32
      %mul3A_41 = arith.muli %add3A_39, %mul3A_40 : i32
      %dma_wait3A_42 = tpu.memref_slice %arg7[%mul3A_41] : memref<10000xi32, #tpu.memory_space<vmem>> -> memref<128xi32, #tpu.memory_space<vmem>>
      %dma_wait3A_43 = arith.constant 0 : i32
      %dma_wait3A_44 = arith.constant 0 : i32
      %dma_wait3A_45 = tpu.memref_slice %arg6[%dma_wait3A_43, %dma_wait3A_44] : memref<10112x16xf32, #tpu.memory_space<vmem_shared>> -> memref<10112x16xf32, #tpu.memory_space<vmem_shared>>
      tpu.wait_indirect_dma semaphore(%arg9 : memref<!tpu.dma_semaphore, #tpu.memory_space<semaphore_mem>>) src(%arg8 : memref<128x16xf32, #tpu.memory_space<vmem>>) dst(%dma_wait3A_45 : memref<10112x16xf32, #tpu.memory_space<vmem_shared>>)
      %add3A_46 = arith.constant 2 : i32
      %add3A_47 = arith.addi %add3A_39, %add3A_46 : i32
      %mul3A_48 = arith.constant 128 : i32
      %mul3A_49 = arith.muli %add3A_47, %mul3A_48 : i32
      %dma_start3A_50 = tpu.memref_slice %arg7[%mul3A_49] : memref<10000xi32, #tpu.memory_space<vmem>> -> memref<128xi32, #tpu.memory_space<vmem>>
      %dma_start3A_51 = arith.constant 0 : i32
      %dma_start3A_52 = arith.constant 0 : i32
      %dma_start3A_53 = tpu.memref_slice %arg6[%dma_start3A_51, %dma_start3A_52] : memref<10112x16xf32, #tpu.memory_space<vmem_shared>> -> memref<10112x16xf32, #tpu.memory_space<vmem_shared>>
      tpu.enqueue_indirect_dma source(%arg8 : memref<128x16xf32, #tpu.memory_space<vmem>>) target(%dma_start3A_53 : memref<10112x16xf32, #tpu.memory_space<vmem_shared>>) offsets(%dma_start3A_50 : memref<128xi32, #tpu.memory_space<vmem>>) semaphore(%arg9 : memref<!tpu.dma_semaphore, #tpu.memory_space<semaphore_mem>>) {add = true}
      %mul3A_54 = arith.constant 2 : i32
      %mul3A_55 = arith.muli %mul3A_54, %scan3A_34 : i32
      %add3A_56 = arith.constant 1 : i32
      %add3A_57 = arith.addi %mul3A_55, %add3A_56 : i32
      %mul3A_58 = arith.constant 128 : i32
      %mul3A_59 = arith.muli %add3A_57, %mul3A_58 : i32
      %dma_wait3A_60 = tpu.memref_slice %arg7[%mul3A_59] : memref<10000xi32, #tpu.memory_space<vmem>> -> memref<128xi32, #tpu.memory_space<vmem>>
      %dma_wait3A_61 = arith.constant 0 : i32
      %dma_wait3A_62 = arith.constant 0 : i32
      %dma_wait3A_63 = tpu.memref_slice %arg6[%dma_wait3A_61, %dma_wait3A_62] : memref<10112x16xf32, #tpu.memory_space<vmem_shared>> -> memref<10112x16xf32, #tpu.memory_space<vmem_shared>>
      tpu.wait_indirect_dma semaphore(%arg10 : memref<!tpu.dma_semaphore, #tpu.memory_space<semaphore_mem>>) src(%arg8 : memref<128x16xf32, #tpu.memory_space<vmem>>) dst(%dma_wait3A_63 : memref<10112x16xf32, #tpu.memory_space<vmem_shared>>)
      %add3A_64 = arith.constant 2 : i32
      %add3A_65 = arith.addi %add3A_57, %add3A_64 : i32
      %mul3A_66 = arith.constant 128 : i32
      %mul3A_67 = arith.muli %add3A_65, %mul3A_66 : i32
      %dma_start3A_68 = tpu.memref_slice %arg7[%mul3A_67] : memref<10000xi32, #tpu.memory_space<vmem>> -> memref<128xi32, #tpu.memory_space<vmem>>
      %dma_start3A_69 = arith.constant 0 : i32
      %dma_start3A_70 = arith.constant 0 : i32
      %dma_start3A_71 = tpu.memref_slice %arg6[%dma_start3A_69, %dma_start3A_70] : memref<10112x16xf32, #tpu.memory_space<vmem_shared>> -> memref<10112x16xf32, #tpu.memory_space<vmem_shared>>
      tpu.enqueue_indirect_dma source(%arg8 : memref<128x16xf32, #tpu.memory_space<vmem>>) target(%dma_start3A_71 : memref<10112x16xf32, #tpu.memory_space<vmem_shared>>) offsets(%dma_start3A_68 : memref<128xi32, #tpu.memory_space<vmem>>) semaphore(%arg10 : memref<!tpu.dma_semaphore, #tpu.memory_space<semaphore_mem>>) {add = true}
      %scan3A_72 = arith.constant 0 : i32
      scf.yield %scan3A_72 : i32
    }
    %scan3A_19 = arith.constant 38 : i32
    %dma_wait3A = arith.constant 9728 : i32
    %dma_wait3A_20 = tpu.memref_slice %arg7[%dma_wait3A] : memref<10000xi32, #tpu.memory_space<vmem>> -> memref<128xi32, #tpu.memory_space<vmem>>
    %dma_wait3A_21 = arith.constant 0 : i32
    %dma_wait3A_22 = arith.constant 0 : i32
    %dma_wait3A_23 = tpu.memref_slice %arg6[%dma_wait3A_21, %dma_wait3A_22] : memref<10112x16xf32, #tpu.memory_space<vmem_shared>> -> memref<10112x16xf32, #tpu.memory_space<vmem_shared>>
    tpu.wait_indirect_dma semaphore(%arg9 : memref<!tpu.dma_semaphore, #tpu.memory_space<semaphore_mem>>) src(%arg8 : memref<128x16xf32, #tpu.memory_space<vmem>>) dst(%dma_wait3A_23 : memref<10112x16xf32, #tpu.memory_space<vmem_shared>>)
    %dma_wait3A_24 = arith.constant 9856 : i32
    %dma_wait3A_25 = tpu.memref_slice %arg7[%dma_wait3A_24] : memref<10000xi32, #tpu.memory_space<vmem>> -> memref<128xi32, #tpu.memory_space<vmem>>
    %dma_wait3A_26 = arith.constant 0 : i32
    %dma_wait3A_27 = arith.constant 0 : i32
    %dma_wait3A_28 = tpu.memref_slice %arg6[%dma_wait3A_26, %dma_wait3A_27] : memref<10112x16xf32, #tpu.memory_space<vmem_shared>> -> memref<10112x16xf32, #tpu.memory_space<vmem_shared>>
    tpu.wait_indirect_dma semaphore(%arg10 : memref<!tpu.dma_semaphore, #tpu.memory_space<semaphore_mem>>) src(%arg8 : memref<128x16xf32, #tpu.memory_space<vmem>>) dst(%dma_wait3A_28 : memref<10112x16xf32, #tpu.memory_space<vmem_shared>>)
    "tpu.region"() ({
      %run_scoped3A_34 = tpu.sem_alloc : memref<!tpu.dma_semaphore, #tpu.memory_space<semaphore_mem>>
      %dma_start3A_35 = arith.constant 0 : i32
      %dma_start3A_36 = arith.constant 0 : i32
      %dma_start3A_37 = tpu.memref_slice %arg8[%dma_start3A_35, %dma_start3A_36] : memref<128x16xf32, #tpu.memory_space<vmem>> -> memref<16x16xf32, #tpu.memory_space<vmem>>
      %dma_start3A_38 = arith.constant 9984 : i32
      %dma_start3A_39 = tpu.memref_slice %arg7[%dma_start3A_38] : memref<10000xi32, #tpu.memory_space<vmem>> -> memref<16xi32, #tpu.memory_space<vmem>>
      %dma_start3A_40 = arith.constant 0 : i32
      %dma_start3A_41 = arith.constant 0 : i32
      %dma_start3A_42 = tpu.memref_slice %arg6[%dma_start3A_40, %dma_start3A_41] : memref<10112x16xf32, #tpu.memory_space<vmem_shared>> -> memref<10112x16xf32, #tpu.memory_space<vmem_shared>>
      tpu.enqueue_indirect_dma source(%dma_start3A_37 : memref<16x16xf32, #tpu.memory_space<vmem>>) target(%dma_start3A_42 : memref<10112x16xf32, #tpu.memory_space<vmem_shared>>) offsets(%dma_start3A_39 : memref<16xi32, #tpu.memory_space<vmem>>) semaphore(%run_scoped3A_34 : memref<!tpu.dma_semaphore, #tpu.memory_space<semaphore_mem>>) {add = true}
      %dma_wait3A_43 = arith.constant 0 : i32
      %dma_wait3A_44 = arith.constant 0 : i32
      %dma_wait3A_45 = tpu.memref_slice %arg8[%dma_wait3A_43, %dma_wait3A_44] : memref<128x16xf32, #tpu.memory_space<vmem>> -> memref<16x16xf32, #tpu.memory_space<vmem>>
      %dma_wait3A_46 = arith.constant 9984 : i32
      %dma_wait3A_47 = tpu.memref_slice %arg7[%dma_wait3A_46] : memref<10000xi32, #tpu.memory_space<vmem>> -> memref<16xi32, #tpu.memory_space<vmem>>
      %dma_wait3A_48 = arith.constant 0 : i32
      %dma_wait3A_49 = arith.constant 0 : i32
      %dma_wait3A_50 = tpu.memref_slice %arg6[%dma_wait3A_48, %dma_wait3A_49] : memref<10112x16xf32, #tpu.memory_space<vmem_shared>> -> memref<10112x16xf32, #tpu.memory_space<vmem_shared>>
      tpu.wait_indirect_dma semaphore(%run_scoped3A_34 : memref<!tpu.dma_semaphore, #tpu.memory_space<semaphore_mem>>) src(%dma_wait3A_45 : memref<16x16xf32, #tpu.memory_space<vmem>>) dst(%dma_wait3A_50 : memref<10112x16xf32, #tpu.memory_space<vmem_shared>>)
      tpu.yield
    }) : () -> ()
    %barrier3A_29 = arith.constant 0 : index
    tpu.barrier barrier_id(%barrier3A_29)
    %mul3A_30 = arith.constant 632 : i32
    %mul3A_31 = arith.muli %arg1, %mul3A_30 : i32
    %mul3A_32 = arith.constant 632 : i32
    %mul3A_33 = arith.muli %arg1, %mul3A_32 : i32
    "tpu.region"() ({
      %run_scoped3A_34 = tpu.sem_alloc : memref<!tpu.dma_semaphore, #tpu.memory_space<semaphore_mem>>
      %dma_start3A_35 = arith.constant 0 : i32
      %dma_start3A_36 = tpu.memref_slice %arg5[%arg0, %mul3A_33, %dma_start3A_35] : memref<2x10112x16xf32, #tpu.memory_space<hbm>> -> memref<1x632x16xf32, #tpu.memory_space<hbm>>
      %dma_start3A_37 = tpu.memref_squeeze %dma_start3A_36 : memref<1x632x16xf32, #tpu.memory_space<hbm>> -> memref<632x16xf32, #tpu.memory_space<hbm>>
      %dma_start3A_38 = arith.constant 0 : i32
      %dma_start3A_39 = tpu.memref_slice %arg6[%mul3A_31, %dma_start3A_38] : memref<10112x16xf32, #tpu.memory_space<vmem_shared>> -> memref<632x16xf32, #tpu.memory_space<vmem_shared>>
      tpu.enqueue_dma source(%dma_start3A_39 : memref<632x16xf32, #tpu.memory_space<vmem_shared>>) target(%dma_start3A_37 : memref<632x16xf32, #tpu.memory_space<hbm>>) target_semaphore(%run_scoped3A_34 : memref<!tpu.dma_semaphore, #tpu.memory_space<semaphore_mem>>)
      %dma_wait3A_40 = arith.constant 0 : i32
      %dma_wait3A_41 = tpu.memref_slice %arg5[%arg0, %mul3A_33, %dma_wait3A_40] : memref<2x10112x16xf32, #tpu.memory_space<hbm>> -> memref<1x632x16xf32, #tpu.memory_space<hbm>>
      %dma_wait3A_42 = tpu.memref_squeeze %dma_wait3A_41 : memref<1x632x16xf32, #tpu.memory_space<hbm>> -> memref<632x16xf32, #tpu.memory_space<hbm>>
      %dma_wait3A_43 = arith.constant 0 : i32
      %dma_wait3A_44 = tpu.memref_slice %arg6[%mul3A_31, %dma_wait3A_43] : memref<10112x16xf32, #tpu.memory_space<vmem_shared>> -> memref<632x16xf32, #tpu.memory_space<vmem_shared>>
      tpu.wait_dma2 semaphore(%run_scoped3A_34 : memref<!tpu.dma_semaphore, #tpu.memory_space<semaphore_mem>>) src(%dma_wait3A_44 : memref<632x16xf32, #tpu.memory_space<vmem_shared>>) dst(%dma_wait3A_42 : memref<632x16xf32, #tpu.memory_space<hbm>>)
      tpu.yield
    }) : () -> ()
    return
  }
}

#map = affine_map<(d0, d1) -> (0, 0)>
#map1 = affine_map<(d0, d1) -> (0, 0, 0)>
module attributes {stable_mosaic.version = 14 : i64} {
  func.func @_edge_body(%arg0: i32, %arg1: i32, %arg2: memref<2x320000xi32, #tpu.memory_space<hbm>>, %arg3: memref<2x10000x64xf32, #tpu.memory_space<hbm>>, %arg4: memref<125x64xf32, #tpu.memory_space<hbm>>, %arg5: memref<2x10000x64xf32, #tpu.memory_space<hbm>>, %arg6: memref<10000x64xf32, #tpu.memory_space<vmem_shared>>, %arg7: memref<10000x64xf32, #tpu.memory_space<vmem_shared>>, %arg8: memref<10016xi32, #tpu.memory_space<vmem>>, %arg9: memref<10016xi32, #tpu.memory_space<vmem>>, %arg10: memref<128x64xf32, #tpu.memory_space<vmem>>, %arg11: memref<128x64xf32, #tpu.memory_space<vmem>>, %arg12: memref<128x64xf32, #tpu.memory_space<vmem>>, %arg13: memref<!tpu.dma_semaphore, #tpu.memory_space<semaphore_mem>>, %arg14: memref<!tpu.dma_semaphore, #tpu.memory_space<semaphore_mem>>, %arg15: memref<!tpu.dma_semaphore, #tpu.memory_space<semaphore_mem>>, %arg16: memref<!tpu.dma_semaphore, #tpu.memory_space<semaphore_mem>>, %arg17: memref<!tpu.dma_semaphore, #tpu.memory_space<semaphore_mem>>, %arg18: memref<!tpu.dma_semaphore, #tpu.memory_space<semaphore_mem>>) attributes {dimension_semantics = [#tpu.dimension_semantics<core_parallel>, #tpu.dimension_semantics<subcore_parallel>], iteration_bounds = array<i64: 2, 16>, scalar_prefetch = 0 : i64, scratch_operands = 13 : i64, tpu.core_type = #tpu.core_type<sc_vector_subcore>, window_params = [{transform_indices = #map}, {transform_indices = #map1}, {transform_indices = #map}, {transform_indices = #map1}]} {
    "tpu.region"() ({
      %run_scoped3A_269 = tpu.sem_alloc : memref<!tpu.dma_semaphore, #tpu.memory_space<semaphore_mem>>
      %dma_start3A_270 = arith.constant 0 : i32
      %dma_start3A_271 = arith.constant 0 : i32
      %dma_start3A_272 = tpu.memref_slice %arg10[%dma_start3A_270, %dma_start3A_271] : memref<128x64xf32, #tpu.memory_space<vmem>> -> memref<125x64xf32, #tpu.memory_space<vmem>>
      %dma_start3A_273 = arith.constant 0 : i32
      %dma_start3A_274 = arith.constant 0 : i32
      %dma_start3A_275 = tpu.memref_slice %arg10[%dma_start3A_273, %dma_start3A_274] : memref<128x64xf32, #tpu.memory_space<vmem>> -> memref<125x64xf32, #tpu.memory_space<vmem>>
      tpu.enqueue_dma source(%arg4 : memref<125x64xf32, #tpu.memory_space<hbm>>) target(%dma_start3A_275 : memref<125x64xf32, #tpu.memory_space<vmem>>) target_semaphore(%run_scoped3A_269 : memref<!tpu.dma_semaphore, #tpu.memory_space<semaphore_mem>>)
      %dma_wait3A_276 = arith.constant 0 : i32
      %dma_wait3A_277 = arith.constant 0 : i32
      %dma_wait3A_278 = tpu.memref_slice %arg10[%dma_wait3A_276, %dma_wait3A_277] : memref<128x64xf32, #tpu.memory_space<vmem>> -> memref<125x64xf32, #tpu.memory_space<vmem>>
      %dma_wait3A_279 = arith.constant 0 : i32
      %dma_wait3A_280 = arith.constant 0 : i32
      %dma_wait3A_281 = tpu.memref_slice %arg10[%dma_wait3A_279, %dma_wait3A_280] : memref<128x64xf32, #tpu.memory_space<vmem>> -> memref<125x64xf32, #tpu.memory_space<vmem>>
      tpu.wait_dma2 semaphore(%run_scoped3A_269 : memref<!tpu.dma_semaphore, #tpu.memory_space<semaphore_mem>>) src(%arg4 : memref<125x64xf32, #tpu.memory_space<hbm>>) dst(%dma_wait3A_281 : memref<125x64xf32, #tpu.memory_space<vmem>>)
      tpu.yield
    }) : () -> ()
    %mul3A = arith.constant 625 : i32
    %mul3A_0 = arith.muli %arg1, %mul3A : i32
    %add3A = arith.constant 0 : i32
    %add3A_1 = arith.addi %mul3A_0, %add3A : i32
    %dma_start3A = arith.constant 0 : i32
    %dma_start3A_2 = arith.constant 0 : i32
    %dma_start3A_3 = tpu.memref_slice %arg10[%dma_start3A, %dma_start3A_2] : memref<128x64xf32, #tpu.memory_space<vmem>> -> memref<125x64xf32, #tpu.memory_space<vmem>>
    %dma_start3A_4 = arith.constant 0 : i32
    %dma_start3A_5 = tpu.memref_slice %arg6[%add3A_1, %dma_start3A_4] : memref<10000x64xf32, #tpu.memory_space<vmem_shared>> -> memref<125x64xf32, #tpu.memory_space<vmem_shared>>
    %dma_start3A_6 = arith.constant 0 : i32
    %dma_start3A_7 = tpu.memref_slice %arg6[%add3A_1, %dma_start3A_6] : memref<10000x64xf32, #tpu.memory_space<vmem_shared>> -> memref<125x64xf32, #tpu.memory_space<vmem_shared>>
    %dma_start3A_8 = arith.constant 0 : i32
    %dma_start3A_9 = arith.constant 0 : i32
    %dma_start3A_10 = tpu.memref_slice %arg10[%dma_start3A_8, %dma_start3A_9] : memref<128x64xf32, #tpu.memory_space<vmem>> -> memref<125x64xf32, #tpu.memory_space<vmem>>
    tpu.enqueue_dma source(%dma_start3A_10 : memref<125x64xf32, #tpu.memory_space<vmem>>) target(%dma_start3A_7 : memref<125x64xf32, #tpu.memory_space<vmem_shared>>) target_semaphore(%arg13 : memref<!tpu.dma_semaphore, #tpu.memory_space<semaphore_mem>>)
    %mul3A_11 = arith.constant 625 : i32
    %mul3A_12 = arith.muli %arg1, %mul3A_11 : i32
    %add3A_13 = arith.constant 125 : i32
    %add3A_14 = arith.addi %mul3A_12, %add3A_13 : i32
    %dma_start3A_15 = arith.constant 0 : i32
    %dma_start3A_16 = arith.constant 0 : i32
    %dma_start3A_17 = tpu.memref_slice %arg10[%dma_start3A_15, %dma_start3A_16] : memref<128x64xf32, #tpu.memory_space<vmem>> -> memref<125x64xf32, #tpu.memory_space<vmem>>
    %dma_start3A_18 = arith.constant 0 : i32
    %dma_start3A_19 = tpu.memref_slice %arg6[%add3A_14, %dma_start3A_18] : memref<10000x64xf32, #tpu.memory_space<vmem_shared>> -> memref<125x64xf32, #tpu.memory_space<vmem_shared>>
    %dma_start3A_20 = arith.constant 0 : i32
    %dma_start3A_21 = tpu.memref_slice %arg6[%add3A_14, %dma_start3A_20] : memref<10000x64xf32, #tpu.memory_space<vmem_shared>> -> memref<125x64xf32, #tpu.memory_space<vmem_shared>>
    %dma_start3A_22 = arith.constant 0 : i32
    %dma_start3A_23 = arith.constant 0 : i32
    %dma_start3A_24 = tpu.memref_slice %arg10[%dma_start3A_22, %dma_start3A_23] : memref<128x64xf32, #tpu.memory_space<vmem>> -> memref<125x64xf32, #tpu.memory_space<vmem>>
    tpu.enqueue_dma source(%dma_start3A_24 : memref<125x64xf32, #tpu.memory_space<vmem>>) target(%dma_start3A_21 : memref<125x64xf32, #tpu.memory_space<vmem_shared>>) target_semaphore(%arg13 : memref<!tpu.dma_semaphore, #tpu.memory_space<semaphore_mem>>)
    %mul3A_25 = arith.constant 625 : i32
    %mul3A_26 = arith.muli %arg1, %mul3A_25 : i32
    %add3A_27 = arith.constant 250 : i32
    %add3A_28 = arith.addi %mul3A_26, %add3A_27 : i32
    %dma_start3A_29 = arith.constant 0 : i32
    %dma_start3A_30 = arith.constant 0 : i32
    %dma_start3A_31 = tpu.memref_slice %arg10[%dma_start3A_29, %dma_start3A_30] : memref<128x64xf32, #tpu.memory_space<vmem>> -> memref<125x64xf32, #tpu.memory_space<vmem>>
    %dma_start3A_32 = arith.constant 0 : i32
    %dma_start3A_33 = tpu.memref_slice %arg6[%add3A_28, %dma_start3A_32] : memref<10000x64xf32, #tpu.memory_space<vmem_shared>> -> memref<125x64xf32, #tpu.memory_space<vmem_shared>>
    %dma_start3A_34 = arith.constant 0 : i32
    %dma_start3A_35 = tpu.memref_slice %arg6[%add3A_28, %dma_start3A_34] : memref<10000x64xf32, #tpu.memory_space<vmem_shared>> -> memref<125x64xf32, #tpu.memory_space<vmem_shared>>
    %dma_start3A_36 = arith.constant 0 : i32
    %dma_start3A_37 = arith.constant 0 : i32
    %dma_start3A_38 = tpu.memref_slice %arg10[%dma_start3A_36, %dma_start3A_37] : memref<128x64xf32, #tpu.memory_space<vmem>> -> memref<125x64xf32, #tpu.memory_space<vmem>>
    tpu.enqueue_dma source(%dma_start3A_38 : memref<125x64xf32, #tpu.memory_space<vmem>>) target(%dma_start3A_35 : memref<125x64xf32, #tpu.memory_space<vmem_shared>>) target_semaphore(%arg13 : memref<!tpu.dma_semaphore, #tpu.memory_space<semaphore_mem>>)
    %mul3A_39 = arith.constant 625 : i32
    %mul3A_40 = arith.muli %arg1, %mul3A_39 : i32
    %add3A_41 = arith.constant 375 : i32
    %add3A_42 = arith.addi %mul3A_40, %add3A_41 : i32
    %dma_start3A_43 = arith.constant 0 : i32
    %dma_start3A_44 = arith.constant 0 : i32
    %dma_start3A_45 = tpu.memref_slice %arg10[%dma_start3A_43, %dma_start3A_44] : memref<128x64xf32, #tpu.memory_space<vmem>> -> memref<125x64xf32, #tpu.memory_space<vmem>>
    %dma_start3A_46 = arith.constant 0 : i32
    %dma_start3A_47 = tpu.memref_slice %arg6[%add3A_42, %dma_start3A_46] : memref<10000x64xf32, #tpu.memory_space<vmem_shared>> -> memref<125x64xf32, #tpu.memory_space<vmem_shared>>
    %dma_start3A_48 = arith.constant 0 : i32
    %dma_start3A_49 = tpu.memref_slice %arg6[%add3A_42, %dma_start3A_48] : memref<10000x64xf32, #tpu.memory_space<vmem_shared>> -> memref<125x64xf32, #tpu.memory_space<vmem_shared>>
    %dma_start3A_50 = arith.constant 0 : i32
    %dma_start3A_51 = arith.constant 0 : i32
    %dma_start3A_52 = tpu.memref_slice %arg10[%dma_start3A_50, %dma_start3A_51] : memref<128x64xf32, #tpu.memory_space<vmem>> -> memref<125x64xf32, #tpu.memory_space<vmem>>
    tpu.enqueue_dma source(%dma_start3A_52 : memref<125x64xf32, #tpu.memory_space<vmem>>) target(%dma_start3A_49 : memref<125x64xf32, #tpu.memory_space<vmem_shared>>) target_semaphore(%arg13 : memref<!tpu.dma_semaphore, #tpu.memory_space<semaphore_mem>>)
    %mul3A_53 = arith.constant 625 : i32
    %mul3A_54 = arith.muli %arg1, %mul3A_53 : i32
    %add3A_55 = arith.constant 500 : i32
    %add3A_56 = arith.addi %mul3A_54, %add3A_55 : i32
    %dma_start3A_57 = arith.constant 0 : i32
    %dma_start3A_58 = arith.constant 0 : i32
    %dma_start3A_59 = tpu.memref_slice %arg10[%dma_start3A_57, %dma_start3A_58] : memref<128x64xf32, #tpu.memory_space<vmem>> -> memref<125x64xf32, #tpu.memory_space<vmem>>
    %dma_start3A_60 = arith.constant 0 : i32
    %dma_start3A_61 = tpu.memref_slice %arg6[%add3A_56, %dma_start3A_60] : memref<10000x64xf32, #tpu.memory_space<vmem_shared>> -> memref<125x64xf32, #tpu.memory_space<vmem_shared>>
    %dma_start3A_62 = arith.constant 0 : i32
    %dma_start3A_63 = tpu.memref_slice %arg6[%add3A_56, %dma_start3A_62] : memref<10000x64xf32, #tpu.memory_space<vmem_shared>> -> memref<125x64xf32, #tpu.memory_space<vmem_shared>>
    %dma_start3A_64 = arith.constant 0 : i32
    %dma_start3A_65 = arith.constant 0 : i32
    %dma_start3A_66 = tpu.memref_slice %arg10[%dma_start3A_64, %dma_start3A_65] : memref<128x64xf32, #tpu.memory_space<vmem>> -> memref<125x64xf32, #tpu.memory_space<vmem>>
    tpu.enqueue_dma source(%dma_start3A_66 : memref<125x64xf32, #tpu.memory_space<vmem>>) target(%dma_start3A_63 : memref<125x64xf32, #tpu.memory_space<vmem_shared>>) target_semaphore(%arg13 : memref<!tpu.dma_semaphore, #tpu.memory_space<semaphore_mem>>)
    %mul3A_67 = arith.constant 625 : i32
    %mul3A_68 = arith.muli %arg1, %mul3A_67 : i32
    %add3A_69 = arith.constant 0 : i32
    %add3A_70 = arith.addi %mul3A_68, %add3A_69 : i32
    "tpu.region"() ({
      %run_scoped3A_269 = tpu.sem_alloc : memref<!tpu.dma_semaphore, #tpu.memory_space<semaphore_mem>>
      %dma_start3A_270 = arith.constant 0 : i32
      %dma_start3A_271 = arith.constant 0 : i32
      %dma_start3A_272 = tpu.memref_slice %arg11[%dma_start3A_270, %dma_start3A_271] : memref<128x64xf32, #tpu.memory_space<vmem>> -> memref<125x64xf32, #tpu.memory_space<vmem>>
      %dma_start3A_273 = arith.constant 0 : i32
      %dma_start3A_274 = tpu.memref_slice %arg3[%arg0, %add3A_70, %dma_start3A_273] : memref<2x10000x64xf32, #tpu.memory_space<hbm>> -> memref<1x125x64xf32, #tpu.memory_space<hbm>>
      %dma_start3A_275 = tpu.memref_squeeze %dma_start3A_274 : memref<1x125x64xf32, #tpu.memory_space<hbm>> -> memref<125x64xf32, #tpu.memory_space<hbm>>
      %dma_start3A_276 = arith.constant 0 : i32
      %dma_start3A_277 = arith.constant 0 : i32
      %dma_start3A_278 = tpu.memref_slice %arg11[%dma_start3A_276, %dma_start3A_277] : memref<128x64xf32, #tpu.memory_space<vmem>> -> memref<125x64xf32, #tpu.memory_space<vmem>>
      %dma_start3A_279 = arith.constant 0 : i32
      %dma_start3A_280 = tpu.memref_slice %arg3[%arg0, %add3A_70, %dma_start3A_279] : memref<2x10000x64xf32, #tpu.memory_space<hbm>> -> memref<1x125x64xf32, #tpu.memory_space<hbm>>
      %dma_start3A_281 = tpu.memref_squeeze %dma_start3A_280 : memref<1x125x64xf32, #tpu.memory_space<hbm>> -> memref<125x64xf32, #tpu.memory_space<hbm>>
      tpu.enqueue_dma source(%dma_start3A_281 : memref<125x64xf32, #tpu.memory_space<hbm>>) target(%dma_start3A_278 : memref<125x64xf32, #tpu.memory_space<vmem>>) target_semaphore(%run_scoped3A_269 : memref<!tpu.dma_semaphore, #tpu.memory_space<semaphore_mem>>)
      %dma_wait3A_282 = arith.constant 0 : i32
      %dma_wait3A_283 = arith.constant 0 : i32
      %dma_wait3A_284 = tpu.memref_slice %arg11[%dma_wait3A_282, %dma_wait3A_283] : memref<128x64xf32, #tpu.memory_space<vmem>> -> memref<125x64xf32, #tpu.memory_space<vmem>>
      %dma_wait3A_285 = arith.constant 0 : i32
      %dma_wait3A_286 = tpu.memref_slice %arg3[%arg0, %add3A_70, %dma_wait3A_285] : memref<2x10000x64xf32, #tpu.memory_space<hbm>> -> memref<1x125x64xf32, #tpu.memory_space<hbm>>
      %dma_wait3A_287 = tpu.memref_squeeze %dma_wait3A_286 : memref<1x125x64xf32, #tpu.memory_space<hbm>> -> memref<125x64xf32, #tpu.memory_space<hbm>>
      %dma_wait3A_288 = arith.constant 0 : i32
      %dma_wait3A_289 = arith.constant 0 : i32
      %dma_wait3A_290 = tpu.memref_slice %arg11[%dma_wait3A_288, %dma_wait3A_289] : memref<128x64xf32, #tpu.memory_space<vmem>> -> memref<125x64xf32, #tpu.memory_space<vmem>>
      %dma_wait3A_291 = arith.constant 0 : i32
      %dma_wait3A_292 = tpu.memref_slice %arg3[%arg0, %add3A_70, %dma_wait3A_291] : memref<2x10000x64xf32, #tpu.memory_space<hbm>> -> memref<1x125x64xf32, #tpu.memory_space<hbm>>
      %dma_wait3A_293 = tpu.memref_squeeze %dma_wait3A_292 : memref<1x125x64xf32, #tpu.memory_space<hbm>> -> memref<125x64xf32, #tpu.memory_space<hbm>>
      tpu.wait_dma2 semaphore(%run_scoped3A_269 : memref<!tpu.dma_semaphore, #tpu.memory_space<semaphore_mem>>) src(%dma_wait3A_293 : memref<125x64xf32, #tpu.memory_space<hbm>>) dst(%dma_wait3A_290 : memref<125x64xf32, #tpu.memory_space<vmem>>)
      tpu.yield
    }) : () -> ()
    "tpu.region"() ({
      %run_scoped3A_269 = tpu.sem_alloc : memref<!tpu.dma_semaphore, #tpu.memory_space<semaphore_mem>>
      %dma_start3A_270 = arith.constant 0 : i32
      %dma_start3A_271 = arith.constant 0 : i32
      %dma_start3A_272 = tpu.memref_slice %arg11[%dma_start3A_270, %dma_start3A_271] : memref<128x64xf32, #tpu.memory_space<vmem>> -> memref<125x64xf32, #tpu.memory_space<vmem>>
      %dma_start3A_273 = arith.constant 0 : i32
      %dma_start3A_274 = tpu.memref_slice %arg7[%add3A_70, %dma_start3A_273] : memref<10000x64xf32, #tpu.memory_space<vmem_shared>> -> memref<125x64xf32, #tpu.memory_space<vmem_shared>>
      %dma_start3A_275 = arith.constant 0 : i32
      %dma_start3A_276 = tpu.memref_slice %arg7[%add3A_70, %dma_start3A_275] : memref<10000x64xf32, #tpu.memory_space<vmem_shared>> -> memref<125x64xf32, #tpu.memory_space<vmem_shared>>
      %dma_start3A_277 = arith.constant 0 : i32
      %dma_start3A_278 = arith.constant 0 : i32
      %dma_start3A_279 = tpu.memref_slice %arg11[%dma_start3A_277, %dma_start3A_278] : memref<128x64xf32, #tpu.memory_space<vmem>> -> memref<125x64xf32, #tpu.memory_space<vmem>>
      tpu.enqueue_dma source(%dma_start3A_279 : memref<125x64xf32, #tpu.memory_space<vmem>>) target(%dma_start3A_276 : memref<125x64xf32, #tpu.memory_space<vmem_shared>>) target_semaphore(%run_scoped3A_269 : memref<!tpu.dma_semaphore, #tpu.memory_space<semaphore_mem>>)
      %dma_wait3A_280 = arith.constant 0 : i32
      %dma_wait3A_281 = arith.constant 0 : i32
      %dma_wait3A_282 = tpu.memref_slice %arg11[%dma_wait3A_280, %dma_wait3A_281] : memref<128x64xf32, #tpu.memory_space<vmem>> -> memref<125x64xf32, #tpu.memory_space<vmem>>
      %dma_wait3A_283 = arith.constant 0 : i32
      %dma_wait3A_284 = tpu.memref_slice %arg7[%add3A_70, %dma_wait3A_283] : memref<10000x64xf32, #tpu.memory_space<vmem_shared>> -> memref<125x64xf32, #tpu.memory_space<vmem_shared>>
      %dma_wait3A_285 = arith.constant 0 : i32
      %dma_wait3A_286 = tpu.memref_slice %arg7[%add3A_70, %dma_wait3A_285] : memref<10000x64xf32, #tpu.memory_space<vmem_shared>> -> memref<125x64xf32, #tpu.memory_space<vmem_shared>>
      %dma_wait3A_287 = arith.constant 0 : i32
      %dma_wait3A_288 = arith.constant 0 : i32
      %dma_wait3A_289 = tpu.memref_slice %arg11[%dma_wait3A_287, %dma_wait3A_288] : memref<128x64xf32, #tpu.memory_space<vmem>> -> memref<125x64xf32, #tpu.memory_space<vmem>>
      tpu.wait_dma2 semaphore(%run_scoped3A_269 : memref<!tpu.dma_semaphore, #tpu.memory_space<semaphore_mem>>) src(%dma_wait3A_289 : memref<125x64xf32, #tpu.memory_space<vmem>>) dst(%dma_wait3A_286 : memref<125x64xf32, #tpu.memory_space<vmem_shared>>)
      tpu.yield
    }) : () -> ()
    %mul3A_71 = arith.constant 625 : i32
    %mul3A_72 = arith.muli %arg1, %mul3A_71 : i32
    %add3A_73 = arith.constant 125 : i32
    %add3A_74 = arith.addi %mul3A_72, %add3A_73 : i32
    "tpu.region"() ({
      %run_scoped3A_269 = tpu.sem_alloc : memref<!tpu.dma_semaphore, #tpu.memory_space<semaphore_mem>>
      %dma_start3A_270 = arith.constant 0 : i32
      %dma_start3A_271 = arith.constant 0 : i32
      %dma_start3A_272 = tpu.memref_slice %arg11[%dma_start3A_270, %dma_start3A_271] : memref<128x64xf32, #tpu.memory_space<vmem>> -> memref<125x64xf32, #tpu.memory_space<vmem>>
      %dma_start3A_273 = arith.constant 0 : i32
      %dma_start3A_274 = tpu.memref_slice %arg3[%arg0, %add3A_74, %dma_start3A_273] : memref<2x10000x64xf32, #tpu.memory_space<hbm>> -> memref<1x125x64xf32, #tpu.memory_space<hbm>>
      %dma_start3A_275 = tpu.memref_squeeze %dma_start3A_274 : memref<1x125x64xf32, #tpu.memory_space<hbm>> -> memref<125x64xf32, #tpu.memory_space<hbm>>
      %dma_start3A_276 = arith.constant 0 : i32
      %dma_start3A_277 = arith.constant 0 : i32
      %dma_start3A_278 = tpu.memref_slice %arg11[%dma_start3A_276, %dma_start3A_277] : memref<128x64xf32, #tpu.memory_space<vmem>> -> memref<125x64xf32, #tpu.memory_space<vmem>>
      %dma_start3A_279 = arith.constant 0 : i32
      %dma_start3A_280 = tpu.memref_slice %arg3[%arg0, %add3A_74, %dma_start3A_279] : memref<2x10000x64xf32, #tpu.memory_space<hbm>> -> memref<1x125x64xf32, #tpu.memory_space<hbm>>
      %dma_start3A_281 = tpu.memref_squeeze %dma_start3A_280 : memref<1x125x64xf32, #tpu.memory_space<hbm>> -> memref<125x64xf32, #tpu.memory_space<hbm>>
      tpu.enqueue_dma source(%dma_start3A_281 : memref<125x64xf32, #tpu.memory_space<hbm>>) target(%dma_start3A_278 : memref<125x64xf32, #tpu.memory_space<vmem>>) target_semaphore(%run_scoped3A_269 : memref<!tpu.dma_semaphore, #tpu.memory_space<semaphore_mem>>)
      %dma_wait3A_282 = arith.constant 0 : i32
      %dma_wait3A_283 = arith.constant 0 : i32
      %dma_wait3A_284 = tpu.memref_slice %arg11[%dma_wait3A_282, %dma_wait3A_283] : memref<128x64xf32, #tpu.memory_space<vmem>> -> memref<125x64xf32, #tpu.memory_space<vmem>>
      %dma_wait3A_285 = arith.constant 0 : i32
      %dma_wait3A_286 = tpu.memref_slice %arg3[%arg0, %add3A_74, %dma_wait3A_285] : memref<2x10000x64xf32, #tpu.memory_space<hbm>> -> memref<1x125x64xf32, #tpu.memory_space<hbm>>
      %dma_wait3A_287 = tpu.memref_squeeze %dma_wait3A_286 : memref<1x125x64xf32, #tpu.memory_space<hbm>> -> memref<125x64xf32, #tpu.memory_space<hbm>>
      %dma_wait3A_288 = arith.constant 0 : i32
      %dma_wait3A_289 = arith.constant 0 : i32
      %dma_wait3A_290 = tpu.memref_slice %arg11[%dma_wait3A_288, %dma_wait3A_289] : memref<128x64xf32, #tpu.memory_space<vmem>> -> memref<125x64xf32, #tpu.memory_space<vmem>>
      %dma_wait3A_291 = arith.constant 0 : i32
      %dma_wait3A_292 = tpu.memref_slice %arg3[%arg0, %add3A_74, %dma_wait3A_291] : memref<2x10000x64xf32, #tpu.memory_space<hbm>> -> memref<1x125x64xf32, #tpu.memory_space<hbm>>
      %dma_wait3A_293 = tpu.memref_squeeze %dma_wait3A_292 : memref<1x125x64xf32, #tpu.memory_space<hbm>> -> memref<125x64xf32, #tpu.memory_space<hbm>>
      tpu.wait_dma2 semaphore(%run_scoped3A_269 : memref<!tpu.dma_semaphore, #tpu.memory_space<semaphore_mem>>) src(%dma_wait3A_293 : memref<125x64xf32, #tpu.memory_space<hbm>>) dst(%dma_wait3A_290 : memref<125x64xf32, #tpu.memory_space<vmem>>)
      tpu.yield
    }) : () -> ()
    "tpu.region"() ({
      %run_scoped3A_269 = tpu.sem_alloc : memref<!tpu.dma_semaphore, #tpu.memory_space<semaphore_mem>>
      %dma_start3A_270 = arith.constant 0 : i32
      %dma_start3A_271 = arith.constant 0 : i32
      %dma_start3A_272 = tpu.memref_slice %arg11[%dma_start3A_270, %dma_start3A_271] : memref<128x64xf32, #tpu.memory_space<vmem>> -> memref<125x64xf32, #tpu.memory_space<vmem>>
      %dma_start3A_273 = arith.constant 0 : i32
      %dma_start3A_274 = tpu.memref_slice %arg7[%add3A_74, %dma_start3A_273] : memref<10000x64xf32, #tpu.memory_space<vmem_shared>> -> memref<125x64xf32, #tpu.memory_space<vmem_shared>>
      %dma_start3A_275 = arith.constant 0 : i32
      %dma_start3A_276 = tpu.memref_slice %arg7[%add3A_74, %dma_start3A_275] : memref<10000x64xf32, #tpu.memory_space<vmem_shared>> -> memref<125x64xf32, #tpu.memory_space<vmem_shared>>
      %dma_start3A_277 = arith.constant 0 : i32
      %dma_start3A_278 = arith.constant 0 : i32
      %dma_start3A_279 = tpu.memref_slice %arg11[%dma_start3A_277, %dma_start3A_278] : memref<128x64xf32, #tpu.memory_space<vmem>> -> memref<125x64xf32, #tpu.memory_space<vmem>>
      tpu.enqueue_dma source(%dma_start3A_279 : memref<125x64xf32, #tpu.memory_space<vmem>>) target(%dma_start3A_276 : memref<125x64xf32, #tpu.memory_space<vmem_shared>>) target_semaphore(%run_scoped3A_269 : memref<!tpu.dma_semaphore, #tpu.memory_space<semaphore_mem>>)
      %dma_wait3A_280 = arith.constant 0 : i32
      %dma_wait3A_281 = arith.constant 0 : i32
      %dma_wait3A_282 = tpu.memref_slice %arg11[%dma_wait3A_280, %dma_wait3A_281] : memref<128x64xf32, #tpu.memory_space<vmem>> -> memref<125x64xf32, #tpu.memory_space<vmem>>
      %dma_wait3A_283 = arith.constant 0 : i32
      %dma_wait3A_284 = tpu.memref_slice %arg7[%add3A_74, %dma_wait3A_283] : memref<10000x64xf32, #tpu.memory_space<vmem_shared>> -> memref<125x64xf32, #tpu.memory_space<vmem_shared>>
      %dma_wait3A_285 = arith.constant 0 : i32
      %dma_wait3A_286 = tpu.memref_slice %arg7[%add3A_74, %dma_wait3A_285] : memref<10000x64xf32, #tpu.memory_space<vmem_shared>> -> memref<125x64xf32, #tpu.memory_space<vmem_shared>>
      %dma_wait3A_287 = arith.constant 0 : i32
      %dma_wait3A_288 = arith.constant 0 : i32
      %dma_wait3A_289 = tpu.memref_slice %arg11[%dma_wait3A_287, %dma_wait3A_288] : memref<128x64xf32, #tpu.memory_space<vmem>> -> memref<125x64xf32, #tpu.memory_space<vmem>>
      tpu.wait_dma2 semaphore(%run_scoped3A_269 : memref<!tpu.dma_semaphore, #tpu.memory_space<semaphore_mem>>) src(%dma_wait3A_289 : memref<125x64xf32, #tpu.memory_space<vmem>>) dst(%dma_wait3A_286 : memref<125x64xf32, #tpu.memory_space<vmem_shared>>)
      tpu.yield
    }) : () -> ()
    %mul3A_75 = arith.constant 625 : i32
    %mul3A_76 = arith.muli %arg1, %mul3A_75 : i32
    %add3A_77 = arith.constant 250 : i32
    %add3A_78 = arith.addi %mul3A_76, %add3A_77 : i32
    "tpu.region"() ({
      %run_scoped3A_269 = tpu.sem_alloc : memref<!tpu.dma_semaphore, #tpu.memory_space<semaphore_mem>>
      %dma_start3A_270 = arith.constant 0 : i32
      %dma_start3A_271 = arith.constant 0 : i32
      %dma_start3A_272 = tpu.memref_slice %arg11[%dma_start3A_270, %dma_start3A_271] : memref<128x64xf32, #tpu.memory_space<vmem>> -> memref<125x64xf32, #tpu.memory_space<vmem>>
      %dma_start3A_273 = arith.constant 0 : i32
      %dma_start3A_274 = tpu.memref_slice %arg3[%arg0, %add3A_78, %dma_start3A_273] : memref<2x10000x64xf32, #tpu.memory_space<hbm>> -> memref<1x125x64xf32, #tpu.memory_space<hbm>>
      %dma_start3A_275 = tpu.memref_squeeze %dma_start3A_274 : memref<1x125x64xf32, #tpu.memory_space<hbm>> -> memref<125x64xf32, #tpu.memory_space<hbm>>
      %dma_start3A_276 = arith.constant 0 : i32
      %dma_start3A_277 = arith.constant 0 : i32
      %dma_start3A_278 = tpu.memref_slice %arg11[%dma_start3A_276, %dma_start3A_277] : memref<128x64xf32, #tpu.memory_space<vmem>> -> memref<125x64xf32, #tpu.memory_space<vmem>>
      %dma_start3A_279 = arith.constant 0 : i32
      %dma_start3A_280 = tpu.memref_slice %arg3[%arg0, %add3A_78, %dma_start3A_279] : memref<2x10000x64xf32, #tpu.memory_space<hbm>> -> memref<1x125x64xf32, #tpu.memory_space<hbm>>
      %dma_start3A_281 = tpu.memref_squeeze %dma_start3A_280 : memref<1x125x64xf32, #tpu.memory_space<hbm>> -> memref<125x64xf32, #tpu.memory_space<hbm>>
      tpu.enqueue_dma source(%dma_start3A_281 : memref<125x64xf32, #tpu.memory_space<hbm>>) target(%dma_start3A_278 : memref<125x64xf32, #tpu.memory_space<vmem>>) target_semaphore(%run_scoped3A_269 : memref<!tpu.dma_semaphore, #tpu.memory_space<semaphore_mem>>)
      %dma_wait3A_282 = arith.constant 0 : i32
      %dma_wait3A_283 = arith.constant 0 : i32
      %dma_wait3A_284 = tpu.memref_slice %arg11[%dma_wait3A_282, %dma_wait3A_283] : memref<128x64xf32, #tpu.memory_space<vmem>> -> memref<125x64xf32, #tpu.memory_space<vmem>>
      %dma_wait3A_285 = arith.constant 0 : i32
      %dma_wait3A_286 = tpu.memref_slice %arg3[%arg0, %add3A_78, %dma_wait3A_285] : memref<2x10000x64xf32, #tpu.memory_space<hbm>> -> memref<1x125x64xf32, #tpu.memory_space<hbm>>
      %dma_wait3A_287 = tpu.memref_squeeze %dma_wait3A_286 : memref<1x125x64xf32, #tpu.memory_space<hbm>> -> memref<125x64xf32, #tpu.memory_space<hbm>>
      %dma_wait3A_288 = arith.constant 0 : i32
      %dma_wait3A_289 = arith.constant 0 : i32
      %dma_wait3A_290 = tpu.memref_slice %arg11[%dma_wait3A_288, %dma_wait3A_289] : memref<128x64xf32, #tpu.memory_space<vmem>> -> memref<125x64xf32, #tpu.memory_space<vmem>>
      %dma_wait3A_291 = arith.constant 0 : i32
      %dma_wait3A_292 = tpu.memref_slice %arg3[%arg0, %add3A_78, %dma_wait3A_291] : memref<2x10000x64xf32, #tpu.memory_space<hbm>> -> memref<1x125x64xf32, #tpu.memory_space<hbm>>
      %dma_wait3A_293 = tpu.memref_squeeze %dma_wait3A_292 : memref<1x125x64xf32, #tpu.memory_space<hbm>> -> memref<125x64xf32, #tpu.memory_space<hbm>>
      tpu.wait_dma2 semaphore(%run_scoped3A_269 : memref<!tpu.dma_semaphore, #tpu.memory_space<semaphore_mem>>) src(%dma_wait3A_293 : memref<125x64xf32, #tpu.memory_space<hbm>>) dst(%dma_wait3A_290 : memref<125x64xf32, #tpu.memory_space<vmem>>)
      tpu.yield
    }) : () -> ()
    "tpu.region"() ({
      %run_scoped3A_269 = tpu.sem_alloc : memref<!tpu.dma_semaphore, #tpu.memory_space<semaphore_mem>>
      %dma_start3A_270 = arith.constant 0 : i32
      %dma_start3A_271 = arith.constant 0 : i32
      %dma_start3A_272 = tpu.memref_slice %arg11[%dma_start3A_270, %dma_start3A_271] : memref<128x64xf32, #tpu.memory_space<vmem>> -> memref<125x64xf32, #tpu.memory_space<vmem>>
      %dma_start3A_273 = arith.constant 0 : i32
      %dma_start3A_274 = tpu.memref_slice %arg7[%add3A_78, %dma_start3A_273] : memref<10000x64xf32, #tpu.memory_space<vmem_shared>> -> memref<125x64xf32, #tpu.memory_space<vmem_shared>>
      %dma_start3A_275 = arith.constant 0 : i32
      %dma_start3A_276 = tpu.memref_slice %arg7[%add3A_78, %dma_start3A_275] : memref<10000x64xf32, #tpu.memory_space<vmem_shared>> -> memref<125x64xf32, #tpu.memory_space<vmem_shared>>
      %dma_start3A_277 = arith.constant 0 : i32
      %dma_start3A_278 = arith.constant 0 : i32
      %dma_start3A_279 = tpu.memref_slice %arg11[%dma_start3A_277, %dma_start3A_278] : memref<128x64xf32, #tpu.memory_space<vmem>> -> memref<125x64xf32, #tpu.memory_space<vmem>>
      tpu.enqueue_dma source(%dma_start3A_279 : memref<125x64xf32, #tpu.memory_space<vmem>>) target(%dma_start3A_276 : memref<125x64xf32, #tpu.memory_space<vmem_shared>>) target_semaphore(%run_scoped3A_269 : memref<!tpu.dma_semaphore, #tpu.memory_space<semaphore_mem>>)
      %dma_wait3A_280 = arith.constant 0 : i32
      %dma_wait3A_281 = arith.constant 0 : i32
      %dma_wait3A_282 = tpu.memref_slice %arg11[%dma_wait3A_280, %dma_wait3A_281] : memref<128x64xf32, #tpu.memory_space<vmem>> -> memref<125x64xf32, #tpu.memory_space<vmem>>
      %dma_wait3A_283 = arith.constant 0 : i32
      %dma_wait3A_284 = tpu.memref_slice %arg7[%add3A_78, %dma_wait3A_283] : memref<10000x64xf32, #tpu.memory_space<vmem_shared>> -> memref<125x64xf32, #tpu.memory_space<vmem_shared>>
      %dma_wait3A_285 = arith.constant 0 : i32
      %dma_wait3A_286 = tpu.memref_slice %arg7[%add3A_78, %dma_wait3A_285] : memref<10000x64xf32, #tpu.memory_space<vmem_shared>> -> memref<125x64xf32, #tpu.memory_space<vmem_shared>>
      %dma_wait3A_287 = arith.constant 0 : i32
      %dma_wait3A_288 = arith.constant 0 : i32
      %dma_wait3A_289 = tpu.memref_slice %arg11[%dma_wait3A_287, %dma_wait3A_288] : memref<128x64xf32, #tpu.memory_space<vmem>> -> memref<125x64xf32, #tpu.memory_space<vmem>>
      tpu.wait_dma2 semaphore(%run_scoped3A_269 : memref<!tpu.dma_semaphore, #tpu.memory_space<semaphore_mem>>) src(%dma_wait3A_289 : memref<125x64xf32, #tpu.memory_space<vmem>>) dst(%dma_wait3A_286 : memref<125x64xf32, #tpu.memory_space<vmem_shared>>)
      tpu.yield
    }) : () -> ()
    %mul3A_79 = arith.constant 625 : i32
    %mul3A_80 = arith.muli %arg1, %mul3A_79 : i32
    %add3A_81 = arith.constant 375 : i32
    %add3A_82 = arith.addi %mul3A_80, %add3A_81 : i32
    "tpu.region"() ({
      %run_scoped3A_269 = tpu.sem_alloc : memref<!tpu.dma_semaphore, #tpu.memory_space<semaphore_mem>>
      %dma_start3A_270 = arith.constant 0 : i32
      %dma_start3A_271 = arith.constant 0 : i32
      %dma_start3A_272 = tpu.memref_slice %arg11[%dma_start3A_270, %dma_start3A_271] : memref<128x64xf32, #tpu.memory_space<vmem>> -> memref<125x64xf32, #tpu.memory_space<vmem>>
      %dma_start3A_273 = arith.constant 0 : i32
      %dma_start3A_274 = tpu.memref_slice %arg3[%arg0, %add3A_82, %dma_start3A_273] : memref<2x10000x64xf32, #tpu.memory_space<hbm>> -> memref<1x125x64xf32, #tpu.memory_space<hbm>>
      %dma_start3A_275 = tpu.memref_squeeze %dma_start3A_274 : memref<1x125x64xf32, #tpu.memory_space<hbm>> -> memref<125x64xf32, #tpu.memory_space<hbm>>
      %dma_start3A_276 = arith.constant 0 : i32
      %dma_start3A_277 = arith.constant 0 : i32
      %dma_start3A_278 = tpu.memref_slice %arg11[%dma_start3A_276, %dma_start3A_277] : memref<128x64xf32, #tpu.memory_space<vmem>> -> memref<125x64xf32, #tpu.memory_space<vmem>>
      %dma_start3A_279 = arith.constant 0 : i32
      %dma_start3A_280 = tpu.memref_slice %arg3[%arg0, %add3A_82, %dma_start3A_279] : memref<2x10000x64xf32, #tpu.memory_space<hbm>> -> memref<1x125x64xf32, #tpu.memory_space<hbm>>
      %dma_start3A_281 = tpu.memref_squeeze %dma_start3A_280 : memref<1x125x64xf32, #tpu.memory_space<hbm>> -> memref<125x64xf32, #tpu.memory_space<hbm>>
      tpu.enqueue_dma source(%dma_start3A_281 : memref<125x64xf32, #tpu.memory_space<hbm>>) target(%dma_start3A_278 : memref<125x64xf32, #tpu.memory_space<vmem>>) target_semaphore(%run_scoped3A_269 : memref<!tpu.dma_semaphore, #tpu.memory_space<semaphore_mem>>)
      %dma_wait3A_282 = arith.constant 0 : i32
      %dma_wait3A_283 = arith.constant 0 : i32
      %dma_wait3A_284 = tpu.memref_slice %arg11[%dma_wait3A_282, %dma_wait3A_283] : memref<128x64xf32, #tpu.memory_space<vmem>> -> memref<125x64xf32, #tpu.memory_space<vmem>>
      %dma_wait3A_285 = arith.constant 0 : i32
      %dma_wait3A_286 = tpu.memref_slice %arg3[%arg0, %add3A_82, %dma_wait3A_285] : memref<2x10000x64xf32, #tpu.memory_space<hbm>> -> memref<1x125x64xf32, #tpu.memory_space<hbm>>
      %dma_wait3A_287 = tpu.memref_squeeze %dma_wait3A_286 : memref<1x125x64xf32, #tpu.memory_space<hbm>> -> memref<125x64xf32, #tpu.memory_space<hbm>>
      %dma_wait3A_288 = arith.constant 0 : i32
      %dma_wait3A_289 = arith.constant 0 : i32
      %dma_wait3A_290 = tpu.memref_slice %arg11[%dma_wait3A_288, %dma_wait3A_289] : memref<128x64xf32, #tpu.memory_space<vmem>> -> memref<125x64xf32, #tpu.memory_space<vmem>>
      %dma_wait3A_291 = arith.constant 0 : i32
      %dma_wait3A_292 = tpu.memref_slice %arg3[%arg0, %add3A_82, %dma_wait3A_291] : memref<2x10000x64xf32, #tpu.memory_space<hbm>> -> memref<1x125x64xf32, #tpu.memory_space<hbm>>
      %dma_wait3A_293 = tpu.memref_squeeze %dma_wait3A_292 : memref<1x125x64xf32, #tpu.memory_space<hbm>> -> memref<125x64xf32, #tpu.memory_space<hbm>>
      tpu.wait_dma2 semaphore(%run_scoped3A_269 : memref<!tpu.dma_semaphore, #tpu.memory_space<semaphore_mem>>) src(%dma_wait3A_293 : memref<125x64xf32, #tpu.memory_space<hbm>>) dst(%dma_wait3A_290 : memref<125x64xf32, #tpu.memory_space<vmem>>)
      tpu.yield
    }) : () -> ()
    "tpu.region"() ({
      %run_scoped3A_269 = tpu.sem_alloc : memref<!tpu.dma_semaphore, #tpu.memory_space<semaphore_mem>>
      %dma_start3A_270 = arith.constant 0 : i32
      %dma_start3A_271 = arith.constant 0 : i32
      %dma_start3A_272 = tpu.memref_slice %arg11[%dma_start3A_270, %dma_start3A_271] : memref<128x64xf32, #tpu.memory_space<vmem>> -> memref<125x64xf32, #tpu.memory_space<vmem>>
      %dma_start3A_273 = arith.constant 0 : i32
      %dma_start3A_274 = tpu.memref_slice %arg7[%add3A_82, %dma_start3A_273] : memref<10000x64xf32, #tpu.memory_space<vmem_shared>> -> memref<125x64xf32, #tpu.memory_space<vmem_shared>>
      %dma_start3A_275 = arith.constant 0 : i32
      %dma_start3A_276 = tpu.memref_slice %arg7[%add3A_82, %dma_start3A_275] : memref<10000x64xf32, #tpu.memory_space<vmem_shared>> -> memref<125x64xf32, #tpu.memory_space<vmem_shared>>
      %dma_start3A_277 = arith.constant 0 : i32
      %dma_start3A_278 = arith.constant 0 : i32
      %dma_start3A_279 = tpu.memref_slice %arg11[%dma_start3A_277, %dma_start3A_278] : memref<128x64xf32, #tpu.memory_space<vmem>> -> memref<125x64xf32, #tpu.memory_space<vmem>>
      tpu.enqueue_dma source(%dma_start3A_279 : memref<125x64xf32, #tpu.memory_space<vmem>>) target(%dma_start3A_276 : memref<125x64xf32, #tpu.memory_space<vmem_shared>>) target_semaphore(%run_scoped3A_269 : memref<!tpu.dma_semaphore, #tpu.memory_space<semaphore_mem>>)
      %dma_wait3A_280 = arith.constant 0 : i32
      %dma_wait3A_281 = arith.constant 0 : i32
      %dma_wait3A_282 = tpu.memref_slice %arg11[%dma_wait3A_280, %dma_wait3A_281] : memref<128x64xf32, #tpu.memory_space<vmem>> -> memref<125x64xf32, #tpu.memory_space<vmem>>
      %dma_wait3A_283 = arith.constant 0 : i32
      %dma_wait3A_284 = tpu.memref_slice %arg7[%add3A_82, %dma_wait3A_283] : memref<10000x64xf32, #tpu.memory_space<vmem_shared>> -> memref<125x64xf32, #tpu.memory_space<vmem_shared>>
      %dma_wait3A_285 = arith.constant 0 : i32
      %dma_wait3A_286 = tpu.memref_slice %arg7[%add3A_82, %dma_wait3A_285] : memref<10000x64xf32, #tpu.memory_space<vmem_shared>> -> memref<125x64xf32, #tpu.memory_space<vmem_shared>>
      %dma_wait3A_287 = arith.constant 0 : i32
      %dma_wait3A_288 = arith.constant 0 : i32
      %dma_wait3A_289 = tpu.memref_slice %arg11[%dma_wait3A_287, %dma_wait3A_288] : memref<128x64xf32, #tpu.memory_space<vmem>> -> memref<125x64xf32, #tpu.memory_space<vmem>>
      tpu.wait_dma2 semaphore(%run_scoped3A_269 : memref<!tpu.dma_semaphore, #tpu.memory_space<semaphore_mem>>) src(%dma_wait3A_289 : memref<125x64xf32, #tpu.memory_space<vmem>>) dst(%dma_wait3A_286 : memref<125x64xf32, #tpu.memory_space<vmem_shared>>)
      tpu.yield
    }) : () -> ()
    %mul3A_83 = arith.constant 625 : i32
    %mul3A_84 = arith.muli %arg1, %mul3A_83 : i32
    %add3A_85 = arith.constant 500 : i32
    %add3A_86 = arith.addi %mul3A_84, %add3A_85 : i32
    "tpu.region"() ({
      %run_scoped3A_269 = tpu.sem_alloc : memref<!tpu.dma_semaphore, #tpu.memory_space<semaphore_mem>>
      %dma_start3A_270 = arith.constant 0 : i32
      %dma_start3A_271 = arith.constant 0 : i32
      %dma_start3A_272 = tpu.memref_slice %arg11[%dma_start3A_270, %dma_start3A_271] : memref<128x64xf32, #tpu.memory_space<vmem>> -> memref<125x64xf32, #tpu.memory_space<vmem>>
      %dma_start3A_273 = arith.constant 0 : i32
      %dma_start3A_274 = tpu.memref_slice %arg3[%arg0, %add3A_86, %dma_start3A_273] : memref<2x10000x64xf32, #tpu.memory_space<hbm>> -> memref<1x125x64xf32, #tpu.memory_space<hbm>>
      %dma_start3A_275 = tpu.memref_squeeze %dma_start3A_274 : memref<1x125x64xf32, #tpu.memory_space<hbm>> -> memref<125x64xf32, #tpu.memory_space<hbm>>
      %dma_start3A_276 = arith.constant 0 : i32
      %dma_start3A_277 = arith.constant 0 : i32
      %dma_start3A_278 = tpu.memref_slice %arg11[%dma_start3A_276, %dma_start3A_277] : memref<128x64xf32, #tpu.memory_space<vmem>> -> memref<125x64xf32, #tpu.memory_space<vmem>>
      %dma_start3A_279 = arith.constant 0 : i32
      %dma_start3A_280 = tpu.memref_slice %arg3[%arg0, %add3A_86, %dma_start3A_279] : memref<2x10000x64xf32, #tpu.memory_space<hbm>> -> memref<1x125x64xf32, #tpu.memory_space<hbm>>
      %dma_start3A_281 = tpu.memref_squeeze %dma_start3A_280 : memref<1x125x64xf32, #tpu.memory_space<hbm>> -> memref<125x64xf32, #tpu.memory_space<hbm>>
      tpu.enqueue_dma source(%dma_start3A_281 : memref<125x64xf32, #tpu.memory_space<hbm>>) target(%dma_start3A_278 : memref<125x64xf32, #tpu.memory_space<vmem>>) target_semaphore(%run_scoped3A_269 : memref<!tpu.dma_semaphore, #tpu.memory_space<semaphore_mem>>)
      %dma_wait3A_282 = arith.constant 0 : i32
      %dma_wait3A_283 = arith.constant 0 : i32
      %dma_wait3A_284 = tpu.memref_slice %arg11[%dma_wait3A_282, %dma_wait3A_283] : memref<128x64xf32, #tpu.memory_space<vmem>> -> memref<125x64xf32, #tpu.memory_space<vmem>>
      %dma_wait3A_285 = arith.constant 0 : i32
      %dma_wait3A_286 = tpu.memref_slice %arg3[%arg0, %add3A_86, %dma_wait3A_285] : memref<2x10000x64xf32, #tpu.memory_space<hbm>> -> memref<1x125x64xf32, #tpu.memory_space<hbm>>
      %dma_wait3A_287 = tpu.memref_squeeze %dma_wait3A_286 : memref<1x125x64xf32, #tpu.memory_space<hbm>> -> memref<125x64xf32, #tpu.memory_space<hbm>>
      %dma_wait3A_288 = arith.constant 0 : i32
      %dma_wait3A_289 = arith.constant 0 : i32
      %dma_wait3A_290 = tpu.memref_slice %arg11[%dma_wait3A_288, %dma_wait3A_289] : memref<128x64xf32, #tpu.memory_space<vmem>> -> memref<125x64xf32, #tpu.memory_space<vmem>>
      %dma_wait3A_291 = arith.constant 0 : i32
      %dma_wait3A_292 = tpu.memref_slice %arg3[%arg0, %add3A_86, %dma_wait3A_291] : memref<2x10000x64xf32, #tpu.memory_space<hbm>> -> memref<1x125x64xf32, #tpu.memory_space<hbm>>
      %dma_wait3A_293 = tpu.memref_squeeze %dma_wait3A_292 : memref<1x125x64xf32, #tpu.memory_space<hbm>> -> memref<125x64xf32, #tpu.memory_space<hbm>>
      tpu.wait_dma2 semaphore(%run_scoped3A_269 : memref<!tpu.dma_semaphore, #tpu.memory_space<semaphore_mem>>) src(%dma_wait3A_293 : memref<125x64xf32, #tpu.memory_space<hbm>>) dst(%dma_wait3A_290 : memref<125x64xf32, #tpu.memory_space<vmem>>)
      tpu.yield
    }) : () -> ()
    "tpu.region"() ({
      %run_scoped3A_269 = tpu.sem_alloc : memref<!tpu.dma_semaphore, #tpu.memory_space<semaphore_mem>>
      %dma_start3A_270 = arith.constant 0 : i32
      %dma_start3A_271 = arith.constant 0 : i32
      %dma_start3A_272 = tpu.memref_slice %arg11[%dma_start3A_270, %dma_start3A_271] : memref<128x64xf32, #tpu.memory_space<vmem>> -> memref<125x64xf32, #tpu.memory_space<vmem>>
      %dma_start3A_273 = arith.constant 0 : i32
      %dma_start3A_274 = tpu.memref_slice %arg7[%add3A_86, %dma_start3A_273] : memref<10000x64xf32, #tpu.memory_space<vmem_shared>> -> memref<125x64xf32, #tpu.memory_space<vmem_shared>>
      %dma_start3A_275 = arith.constant 0 : i32
      %dma_start3A_276 = tpu.memref_slice %arg7[%add3A_86, %dma_start3A_275] : memref<10000x64xf32, #tpu.memory_space<vmem_shared>> -> memref<125x64xf32, #tpu.memory_space<vmem_shared>>
      %dma_start3A_277 = arith.constant 0 : i32
      %dma_start3A_278 = arith.constant 0 : i32
      %dma_start3A_279 = tpu.memref_slice %arg11[%dma_start3A_277, %dma_start3A_278] : memref<128x64xf32, #tpu.memory_space<vmem>> -> memref<125x64xf32, #tpu.memory_space<vmem>>
      tpu.enqueue_dma source(%dma_start3A_279 : memref<125x64xf32, #tpu.memory_space<vmem>>) target(%dma_start3A_276 : memref<125x64xf32, #tpu.memory_space<vmem_shared>>) target_semaphore(%run_scoped3A_269 : memref<!tpu.dma_semaphore, #tpu.memory_space<semaphore_mem>>)
      %dma_wait3A_280 = arith.constant 0 : i32
      %dma_wait3A_281 = arith.constant 0 : i32
      %dma_wait3A_282 = tpu.memref_slice %arg11[%dma_wait3A_280, %dma_wait3A_281] : memref<128x64xf32, #tpu.memory_space<vmem>> -> memref<125x64xf32, #tpu.memory_space<vmem>>
      %dma_wait3A_283 = arith.constant 0 : i32
      %dma_wait3A_284 = tpu.memref_slice %arg7[%add3A_86, %dma_wait3A_283] : memref<10000x64xf32, #tpu.memory_space<vmem_shared>> -> memref<125x64xf32, #tpu.memory_space<vmem_shared>>
      %dma_wait3A_285 = arith.constant 0 : i32
      %dma_wait3A_286 = tpu.memref_slice %arg7[%add3A_86, %dma_wait3A_285] : memref<10000x64xf32, #tpu.memory_space<vmem_shared>> -> memref<125x64xf32, #tpu.memory_space<vmem_shared>>
      %dma_wait3A_287 = arith.constant 0 : i32
      %dma_wait3A_288 = arith.constant 0 : i32
      %dma_wait3A_289 = tpu.memref_slice %arg11[%dma_wait3A_287, %dma_wait3A_288] : memref<128x64xf32, #tpu.memory_space<vmem>> -> memref<125x64xf32, #tpu.memory_space<vmem>>
      tpu.wait_dma2 semaphore(%run_scoped3A_269 : memref<!tpu.dma_semaphore, #tpu.memory_space<semaphore_mem>>) src(%dma_wait3A_289 : memref<125x64xf32, #tpu.memory_space<vmem>>) dst(%dma_wait3A_286 : memref<125x64xf32, #tpu.memory_space<vmem_shared>>)
      tpu.yield
    }) : () -> ()
    %mul3A_87 = arith.constant 625 : i32
    %mul3A_88 = arith.muli %arg1, %mul3A_87 : i32
    %add3A_89 = arith.constant 0 : i32
    %add3A_90 = arith.addi %mul3A_88, %add3A_89 : i32
    %dma_wait3A = arith.constant 0 : i32
    %dma_wait3A_91 = arith.constant 0 : i32
    %dma_wait3A_92 = tpu.memref_slice %arg10[%dma_wait3A, %dma_wait3A_91] : memref<128x64xf32, #tpu.memory_space<vmem>> -> memref<125x64xf32, #tpu.memory_space<vmem>>
    %dma_wait3A_93 = arith.constant 0 : i32
    %dma_wait3A_94 = tpu.memref_slice %arg6[%add3A_90, %dma_wait3A_93] : memref<10000x64xf32, #tpu.memory_space<vmem_shared>> -> memref<125x64xf32, #tpu.memory_space<vmem_shared>>
    %dma_wait3A_95 = arith.constant 0 : i32
    %dma_wait3A_96 = tpu.memref_slice %arg6[%add3A_90, %dma_wait3A_95] : memref<10000x64xf32, #tpu.memory_space<vmem_shared>> -> memref<125x64xf32, #tpu.memory_space<vmem_shared>>
    %dma_wait3A_97 = arith.constant 0 : i32
    %dma_wait3A_98 = arith.constant 0 : i32
    %dma_wait3A_99 = tpu.memref_slice %arg10[%dma_wait3A_97, %dma_wait3A_98] : memref<128x64xf32, #tpu.memory_space<vmem>> -> memref<125x64xf32, #tpu.memory_space<vmem>>
    tpu.wait_dma2 semaphore(%arg13 : memref<!tpu.dma_semaphore, #tpu.memory_space<semaphore_mem>>) src(%dma_wait3A_99 : memref<125x64xf32, #tpu.memory_space<vmem>>) dst(%dma_wait3A_96 : memref<125x64xf32, #tpu.memory_space<vmem_shared>>)
    %mul3A_100 = arith.constant 625 : i32
    %mul3A_101 = arith.muli %arg1, %mul3A_100 : i32
    %add3A_102 = arith.constant 125 : i32
    %add3A_103 = arith.addi %mul3A_101, %add3A_102 : i32
    %dma_wait3A_104 = arith.constant 0 : i32
    %dma_wait3A_105 = arith.constant 0 : i32
    %dma_wait3A_106 = tpu.memref_slice %arg10[%dma_wait3A_104, %dma_wait3A_105] : memref<128x64xf32, #tpu.memory_space<vmem>> -> memref<125x64xf32, #tpu.memory_space<vmem>>
    %dma_wait3A_107 = arith.constant 0 : i32
    %dma_wait3A_108 = tpu.memref_slice %arg6[%add3A_103, %dma_wait3A_107] : memref<10000x64xf32, #tpu.memory_space<vmem_shared>> -> memref<125x64xf32, #tpu.memory_space<vmem_shared>>
    %dma_wait3A_109 = arith.constant 0 : i32
    %dma_wait3A_110 = tpu.memref_slice %arg6[%add3A_103, %dma_wait3A_109] : memref<10000x64xf32, #tpu.memory_space<vmem_shared>> -> memref<125x64xf32, #tpu.memory_space<vmem_shared>>
    %dma_wait3A_111 = arith.constant 0 : i32
    %dma_wait3A_112 = arith.constant 0 : i32
    %dma_wait3A_113 = tpu.memref_slice %arg10[%dma_wait3A_111, %dma_wait3A_112] : memref<128x64xf32, #tpu.memory_space<vmem>> -> memref<125x64xf32, #tpu.memory_space<vmem>>
    tpu.wait_dma2 semaphore(%arg13 : memref<!tpu.dma_semaphore, #tpu.memory_space<semaphore_mem>>) src(%dma_wait3A_113 : memref<125x64xf32, #tpu.memory_space<vmem>>) dst(%dma_wait3A_110 : memref<125x64xf32, #tpu.memory_space<vmem_shared>>)
    %mul3A_114 = arith.constant 625 : i32
    %mul3A_115 = arith.muli %arg1, %mul3A_114 : i32
    %add3A_116 = arith.constant 250 : i32
    %add3A_117 = arith.addi %mul3A_115, %add3A_116 : i32
    %dma_wait3A_118 = arith.constant 0 : i32
    %dma_wait3A_119 = arith.constant 0 : i32
    %dma_wait3A_120 = tpu.memref_slice %arg10[%dma_wait3A_118, %dma_wait3A_119] : memref<128x64xf32, #tpu.memory_space<vmem>> -> memref<125x64xf32, #tpu.memory_space<vmem>>
    %dma_wait3A_121 = arith.constant 0 : i32
    %dma_wait3A_122 = tpu.memref_slice %arg6[%add3A_117, %dma_wait3A_121] : memref<10000x64xf32, #tpu.memory_space<vmem_shared>> -> memref<125x64xf32, #tpu.memory_space<vmem_shared>>
    %dma_wait3A_123 = arith.constant 0 : i32
    %dma_wait3A_124 = tpu.memref_slice %arg6[%add3A_117, %dma_wait3A_123] : memref<10000x64xf32, #tpu.memory_space<vmem_shared>> -> memref<125x64xf32, #tpu.memory_space<vmem_shared>>
    %dma_wait3A_125 = arith.constant 0 : i32
    %dma_wait3A_126 = arith.constant 0 : i32
    %dma_wait3A_127 = tpu.memref_slice %arg10[%dma_wait3A_125, %dma_wait3A_126] : memref<128x64xf32, #tpu.memory_space<vmem>> -> memref<125x64xf32, #tpu.memory_space<vmem>>
    tpu.wait_dma2 semaphore(%arg13 : memref<!tpu.dma_semaphore, #tpu.memory_space<semaphore_mem>>) src(%dma_wait3A_127 : memref<125x64xf32, #tpu.memory_space<vmem>>) dst(%dma_wait3A_124 : memref<125x64xf32, #tpu.memory_space<vmem_shared>>)
    %mul3A_128 = arith.constant 625 : i32
    %mul3A_129 = arith.muli %arg1, %mul3A_128 : i32
    %add3A_130 = arith.constant 375 : i32
    %add3A_131 = arith.addi %mul3A_129, %add3A_130 : i32
    %dma_wait3A_132 = arith.constant 0 : i32
    %dma_wait3A_133 = arith.constant 0 : i32
    %dma_wait3A_134 = tpu.memref_slice %arg10[%dma_wait3A_132, %dma_wait3A_133] : memref<128x64xf32, #tpu.memory_space<vmem>> -> memref<125x64xf32, #tpu.memory_space<vmem>>
    %dma_wait3A_135 = arith.constant 0 : i32
    %dma_wait3A_136 = tpu.memref_slice %arg6[%add3A_131, %dma_wait3A_135] : memref<10000x64xf32, #tpu.memory_space<vmem_shared>> -> memref<125x64xf32, #tpu.memory_space<vmem_shared>>
    %dma_wait3A_137 = arith.constant 0 : i32
    %dma_wait3A_138 = tpu.memref_slice %arg6[%add3A_131, %dma_wait3A_137] : memref<10000x64xf32, #tpu.memory_space<vmem_shared>> -> memref<125x64xf32, #tpu.memory_space<vmem_shared>>
    %dma_wait3A_139 = arith.constant 0 : i32
    %dma_wait3A_140 = arith.constant 0 : i32
    %dma_wait3A_141 = tpu.memref_slice %arg10[%dma_wait3A_139, %dma_wait3A_140] : memref<128x64xf32, #tpu.memory_space<vmem>> -> memref<125x64xf32, #tpu.memory_space<vmem>>
    tpu.wait_dma2 semaphore(%arg13 : memref<!tpu.dma_semaphore, #tpu.memory_space<semaphore_mem>>) src(%dma_wait3A_141 : memref<125x64xf32, #tpu.memory_space<vmem>>) dst(%dma_wait3A_138 : memref<125x64xf32, #tpu.memory_space<vmem_shared>>)
    %mul3A_142 = arith.constant 625 : i32
    %mul3A_143 = arith.muli %arg1, %mul3A_142 : i32
    %add3A_144 = arith.constant 500 : i32
    %add3A_145 = arith.addi %mul3A_143, %add3A_144 : i32
    %dma_wait3A_146 = arith.constant 0 : i32
    %dma_wait3A_147 = arith.constant 0 : i32
    %dma_wait3A_148 = tpu.memref_slice %arg10[%dma_wait3A_146, %dma_wait3A_147] : memref<128x64xf32, #tpu.memory_space<vmem>> -> memref<125x64xf32, #tpu.memory_space<vmem>>
    %dma_wait3A_149 = arith.constant 0 : i32
    %dma_wait3A_150 = tpu.memref_slice %arg6[%add3A_145, %dma_wait3A_149] : memref<10000x64xf32, #tpu.memory_space<vmem_shared>> -> memref<125x64xf32, #tpu.memory_space<vmem_shared>>
    %dma_wait3A_151 = arith.constant 0 : i32
    %dma_wait3A_152 = tpu.memref_slice %arg6[%add3A_145, %dma_wait3A_151] : memref<10000x64xf32, #tpu.memory_space<vmem_shared>> -> memref<125x64xf32, #tpu.memory_space<vmem_shared>>
    %dma_wait3A_153 = arith.constant 0 : i32
    %dma_wait3A_154 = arith.constant 0 : i32
    %dma_wait3A_155 = tpu.memref_slice %arg10[%dma_wait3A_153, %dma_wait3A_154] : memref<128x64xf32, #tpu.memory_space<vmem>> -> memref<125x64xf32, #tpu.memory_space<vmem>>
    tpu.wait_dma2 semaphore(%arg13 : memref<!tpu.dma_semaphore, #tpu.memory_space<semaphore_mem>>) src(%dma_wait3A_155 : memref<125x64xf32, #tpu.memory_space<vmem>>) dst(%dma_wait3A_152 : memref<125x64xf32, #tpu.memory_space<vmem_shared>>)
    %barrier3A = arith.constant 0 : index
    tpu.barrier barrier_id(%barrier3A)
    %mul3A_156 = arith.constant 20000 : i32
    %mul3A_157 = arith.muli %arg1, %mul3A_156 : i32
    %add3A_158 = arith.constant 0 : i32
    %add3A_159 = arith.addi %mul3A_157, %add3A_158 : i32
    %run_scoped3A = arith.constant 0 : i32
    "tpu.region"() ({
      %run_scoped3A_269 = tpu.sem_alloc : memref<!tpu.dma_semaphore, #tpu.memory_space<semaphore_mem>>
      %dma_start3A_270 = arith.constant 0 : i32
      %dma_start3A_271 = tpu.memref_slice %arg8[%dma_start3A_270] : memref<10016xi32, #tpu.memory_space<vmem>> -> memref<9984xi32, #tpu.memory_space<vmem>>
      %dma_start3A_272 = tpu.memref_slice %arg2[%run_scoped3A, %add3A_159] : memref<2x320000xi32, #tpu.memory_space<hbm>> -> memref<1x9984xi32, #tpu.memory_space<hbm>>
      %dma_start3A_273 = tpu.memref_squeeze %dma_start3A_272 : memref<1x9984xi32, #tpu.memory_space<hbm>> -> memref<9984xi32, #tpu.memory_space<hbm>>
      %dma_start3A_274 = arith.constant 0 : i32
      %dma_start3A_275 = tpu.memref_slice %arg8[%dma_start3A_274] : memref<10016xi32, #tpu.memory_space<vmem>> -> memref<9984xi32, #tpu.memory_space<vmem>>
      %dma_start3A_276 = tpu.memref_slice %arg2[%run_scoped3A, %add3A_159] : memref<2x320000xi32, #tpu.memory_space<hbm>> -> memref<1x9984xi32, #tpu.memory_space<hbm>>
      %dma_start3A_277 = tpu.memref_squeeze %dma_start3A_276 : memref<1x9984xi32, #tpu.memory_space<hbm>> -> memref<9984xi32, #tpu.memory_space<hbm>>
      tpu.enqueue_dma source(%dma_start3A_277 : memref<9984xi32, #tpu.memory_space<hbm>>) target(%dma_start3A_275 : memref<9984xi32, #tpu.memory_space<vmem>>) target_semaphore(%run_scoped3A_269 : memref<!tpu.dma_semaphore, #tpu.memory_space<semaphore_mem>>)
      %dma_wait3A_278 = arith.constant 0 : i32
      %dma_wait3A_279 = tpu.memref_slice %arg8[%dma_wait3A_278] : memref<10016xi32, #tpu.memory_space<vmem>> -> memref<9984xi32, #tpu.memory_space<vmem>>
      %dma_wait3A_280 = tpu.memref_slice %arg2[%run_scoped3A, %add3A_159] : memref<2x320000xi32, #tpu.memory_space<hbm>> -> memref<1x9984xi32, #tpu.memory_space<hbm>>
      %dma_wait3A_281 = tpu.memref_squeeze %dma_wait3A_280 : memref<1x9984xi32, #tpu.memory_space<hbm>> -> memref<9984xi32, #tpu.memory_space<hbm>>
      %dma_wait3A_282 = arith.constant 0 : i32
      %dma_wait3A_283 = tpu.memref_slice %arg8[%dma_wait3A_282] : memref<10016xi32, #tpu.memory_space<vmem>> -> memref<9984xi32, #tpu.memory_space<vmem>>
      %dma_wait3A_284 = tpu.memref_slice %arg2[%run_scoped3A, %add3A_159] : memref<2x320000xi32, #tpu.memory_space<hbm>> -> memref<1x9984xi32, #tpu.memory_space<hbm>>
      %dma_wait3A_285 = tpu.memref_squeeze %dma_wait3A_284 : memref<1x9984xi32, #tpu.memory_space<hbm>> -> memref<9984xi32, #tpu.memory_space<hbm>>
      tpu.wait_dma2 semaphore(%run_scoped3A_269 : memref<!tpu.dma_semaphore, #tpu.memory_space<semaphore_mem>>) src(%dma_wait3A_285 : memref<9984xi32, #tpu.memory_space<hbm>>) dst(%dma_wait3A_283 : memref<9984xi32, #tpu.memory_space<vmem>>)
      tpu.yield
    }) : () -> ()
    %run_scoped3A_160 = arith.constant 1 : i32
    "tpu.region"() ({
      %run_scoped3A_269 = tpu.sem_alloc : memref<!tpu.dma_semaphore, #tpu.memory_space<semaphore_mem>>
      %dma_start3A_270 = arith.constant 0 : i32
      %dma_start3A_271 = tpu.memref_slice %arg9[%dma_start3A_270] : memref<10016xi32, #tpu.memory_space<vmem>> -> memref<9984xi32, #tpu.memory_space<vmem>>
      %dma_start3A_272 = tpu.memref_slice %arg2[%run_scoped3A_160, %add3A_159] : memref<2x320000xi32, #tpu.memory_space<hbm>> -> memref<1x9984xi32, #tpu.memory_space<hbm>>
      %dma_start3A_273 = tpu.memref_squeeze %dma_start3A_272 : memref<1x9984xi32, #tpu.memory_space<hbm>> -> memref<9984xi32, #tpu.memory_space<hbm>>
      %dma_start3A_274 = arith.constant 0 : i32
      %dma_start3A_275 = tpu.memref_slice %arg9[%dma_start3A_274] : memref<10016xi32, #tpu.memory_space<vmem>> -> memref<9984xi32, #tpu.memory_space<vmem>>
      %dma_start3A_276 = tpu.memref_slice %arg2[%run_scoped3A_160, %add3A_159] : memref<2x320000xi32, #tpu.memory_space<hbm>> -> memref<1x9984xi32, #tpu.memory_space<hbm>>
      %dma_start3A_277 = tpu.memref_squeeze %dma_start3A_276 : memref<1x9984xi32, #tpu.memory_space<hbm>> -> memref<9984xi32, #tpu.memory_space<hbm>>
      tpu.enqueue_dma source(%dma_start3A_277 : memref<9984xi32, #tpu.memory_space<hbm>>) target(%dma_start3A_275 : memref<9984xi32, #tpu.memory_space<vmem>>) target_semaphore(%run_scoped3A_269 : memref<!tpu.dma_semaphore, #tpu.memory_space<semaphore_mem>>)
      %dma_wait3A_278 = arith.constant 0 : i32
      %dma_wait3A_279 = tpu.memref_slice %arg9[%dma_wait3A_278] : memref<10016xi32, #tpu.memory_space<vmem>> -> memref<9984xi32, #tpu.memory_space<vmem>>
      %dma_wait3A_280 = tpu.memref_slice %arg2[%run_scoped3A_160, %add3A_159] : memref<2x320000xi32, #tpu.memory_space<hbm>> -> memref<1x9984xi32, #tpu.memory_space<hbm>>
      %dma_wait3A_281 = tpu.memref_squeeze %dma_wait3A_280 : memref<1x9984xi32, #tpu.memory_space<hbm>> -> memref<9984xi32, #tpu.memory_space<hbm>>
      %dma_wait3A_282 = arith.constant 0 : i32
      %dma_wait3A_283 = tpu.memref_slice %arg9[%dma_wait3A_282] : memref<10016xi32, #tpu.memory_space<vmem>> -> memref<9984xi32, #tpu.memory_space<vmem>>
      %dma_wait3A_284 = tpu.memref_slice %arg2[%run_scoped3A_160, %add3A_159] : memref<2x320000xi32, #tpu.memory_space<hbm>> -> memref<1x9984xi32, #tpu.memory_space<hbm>>
      %dma_wait3A_285 = tpu.memref_squeeze %dma_wait3A_284 : memref<1x9984xi32, #tpu.memory_space<hbm>> -> memref<9984xi32, #tpu.memory_space<hbm>>
      tpu.wait_dma2 semaphore(%run_scoped3A_269 : memref<!tpu.dma_semaphore, #tpu.memory_space<semaphore_mem>>) src(%dma_wait3A_285 : memref<9984xi32, #tpu.memory_space<hbm>>) dst(%dma_wait3A_283 : memref<9984xi32, #tpu.memory_space<vmem>>)
      tpu.yield
    }) : () -> ()
    %dma_start3A_161 = arith.constant 0 : i32
    %dma_start3A_162 = tpu.memref_slice %arg8[%dma_start3A_161] : memref<10016xi32, #tpu.memory_space<vmem>> -> memref<128xi32, #tpu.memory_space<vmem>>
    %dma_start3A_163 = arith.constant 0 : i32
    %dma_start3A_164 = arith.constant 0 : i32
    %dma_start3A_165 = tpu.memref_slice %arg7[%dma_start3A_163, %dma_start3A_164] : memref<10000x64xf32, #tpu.memory_space<vmem_shared>> -> memref<10000x64xf32, #tpu.memory_space<vmem_shared>>
    tpu.enqueue_indirect_dma source(%dma_start3A_165 : memref<10000x64xf32, #tpu.memory_space<vmem_shared>>) target(%arg10 : memref<128x64xf32, #tpu.memory_space<vmem>>) offsets(%dma_start3A_162 : memref<128xi32, #tpu.memory_space<vmem>>) semaphore(%arg13 : memref<!tpu.dma_semaphore, #tpu.memory_space<semaphore_mem>>)
    %dma_start3A_166 = arith.constant 128 : i32
    %dma_start3A_167 = tpu.memref_slice %arg8[%dma_start3A_166] : memref<10016xi32, #tpu.memory_space<vmem>> -> memref<128xi32, #tpu.memory_space<vmem>>
    %dma_start3A_168 = arith.constant 0 : i32
    %dma_start3A_169 = arith.constant 0 : i32
    %dma_start3A_170 = tpu.memref_slice %arg7[%dma_start3A_168, %dma_start3A_169] : memref<10000x64xf32, #tpu.memory_space<vmem_shared>> -> memref<10000x64xf32, #tpu.memory_space<vmem_shared>>
    tpu.enqueue_indirect_dma source(%dma_start3A_170 : memref<10000x64xf32, #tpu.memory_space<vmem_shared>>) target(%arg11 : memref<128x64xf32, #tpu.memory_space<vmem>>) offsets(%dma_start3A_167 : memref<128xi32, #tpu.memory_space<vmem>>) semaphore(%arg14 : memref<!tpu.dma_semaphore, #tpu.memory_space<semaphore_mem>>)
    %scan3A = arith.constant 0 : i32
    %scan3A_171 = arith.constant 0 : i32
    %scan3A_172 = arith.constant 26 : i32
    %scan3A_173 = arith.addi %scan3A_171, %scan3A_172 : i32
    %scan3A_174 = arith.constant 1 : i32
    %scan3A_175 = scf.for %scan3A_269 = %scan3A_171 to %scan3A_173 step %scan3A_174 iter_args(%scan3A_270 = %scan3A) -> (i32)  : i32 {
      %mul3A_271 = arith.constant 3 : i32
      %mul3A_272 = arith.muli %mul3A_271, %scan3A_269 : i32
      %add3A_273 = arith.constant 0 : i32
      %add3A_274 = arith.addi %mul3A_272, %add3A_273 : i32
      %gt3A = arith.constant 0 : i32
      %gt3A_275 = arith.cmpi sgt, %scan3A_269, %gt3A : i32
      %convert_element_type3A = arith.extui %gt3A_275 : i1 to i32
      %cond3A = arith.constant 0 : i32
      %cond3A_276 = arith.cmpi ne, %convert_element_type3A, %cond3A : i32
      scf.if %cond3A_276 {
        %sub3A_354 = arith.constant 1 : i32
        %sub3A_355 = arith.subi %add3A_274, %sub3A_354 : i32
        %mul3A_356 = arith.constant 128 : i32
        %mul3A_357 = arith.muli %sub3A_355, %mul3A_356 : i32
        %dma_wait3A_358 = tpu.memref_slice %arg9[%mul3A_357] : memref<10016xi32, #tpu.memory_space<vmem>> -> memref<128xi32, #tpu.memory_space<vmem>>
        %dma_wait3A_359 = arith.constant 0 : i32
        %dma_wait3A_360 = arith.constant 0 : i32
        %dma_wait3A_361 = tpu.memref_slice %arg6[%dma_wait3A_359, %dma_wait3A_360] : memref<10000x64xf32, #tpu.memory_space<vmem_shared>> -> memref<10000x64xf32, #tpu.memory_space<vmem_shared>>
        tpu.wait_indirect_dma semaphore(%arg18 : memref<!tpu.dma_semaphore, #tpu.memory_space<semaphore_mem>>) src(%arg12 : memref<128x64xf32, #tpu.memory_space<vmem>>) dst(%dma_wait3A_361 : memref<10000x64xf32, #tpu.memory_space<vmem_shared>>)
      } else {
      }
      %add3A_277 = arith.constant 2 : i32
      %add3A_278 = arith.addi %add3A_274, %add3A_277 : i32
      %mul3A_279 = arith.constant 128 : i32
      %mul3A_280 = arith.muli %add3A_278, %mul3A_279 : i32
      %dma_start3A_281 = tpu.memref_slice %arg8[%mul3A_280] : memref<10016xi32, #tpu.memory_space<vmem>> -> memref<128xi32, #tpu.memory_space<vmem>>
      %dma_start3A_282 = arith.constant 0 : i32
      %dma_start3A_283 = arith.constant 0 : i32
      %dma_start3A_284 = tpu.memref_slice %arg7[%dma_start3A_282, %dma_start3A_283] : memref<10000x64xf32, #tpu.memory_space<vmem_shared>> -> memref<10000x64xf32, #tpu.memory_space<vmem_shared>>
      tpu.enqueue_indirect_dma source(%dma_start3A_284 : memref<10000x64xf32, #tpu.memory_space<vmem_shared>>) target(%arg12 : memref<128x64xf32, #tpu.memory_space<vmem>>) offsets(%dma_start3A_281 : memref<128xi32, #tpu.memory_space<vmem>>) semaphore(%arg15 : memref<!tpu.dma_semaphore, #tpu.memory_space<semaphore_mem>>)
      %mul3A_285 = arith.constant 128 : i32
      %mul3A_286 = arith.muli %add3A_274, %mul3A_285 : i32
      %dma_wait3A_287 = tpu.memref_slice %arg8[%mul3A_286] : memref<10016xi32, #tpu.memory_space<vmem>> -> memref<128xi32, #tpu.memory_space<vmem>>
      %dma_wait3A_288 = arith.constant 0 : i32
      %dma_wait3A_289 = arith.constant 0 : i32
      %dma_wait3A_290 = tpu.memref_slice %arg7[%dma_wait3A_288, %dma_wait3A_289] : memref<10000x64xf32, #tpu.memory_space<vmem_shared>> -> memref<10000x64xf32, #tpu.memory_space<vmem_shared>>
      tpu.wait_indirect_dma semaphore(%arg13 : memref<!tpu.dma_semaphore, #tpu.memory_space<semaphore_mem>>) src(%dma_wait3A_290 : memref<10000x64xf32, #tpu.memory_space<vmem_shared>>) dst(%arg10 : memref<128x64xf32, #tpu.memory_space<vmem>>)
      %mul3A_291 = arith.constant 128 : i32
      %mul3A_292 = arith.muli %add3A_274, %mul3A_291 : i32
      %dma_start3A_293 = tpu.memref_slice %arg9[%mul3A_292] : memref<10016xi32, #tpu.memory_space<vmem>> -> memref<128xi32, #tpu.memory_space<vmem>>
      %dma_start3A_294 = arith.constant 0 : i32
      %dma_start3A_295 = arith.constant 0 : i32
      %dma_start3A_296 = tpu.memref_slice %arg6[%dma_start3A_294, %dma_start3A_295] : memref<10000x64xf32, #tpu.memory_space<vmem_shared>> -> memref<10000x64xf32, #tpu.memory_space<vmem_shared>>
      tpu.enqueue_indirect_dma source(%arg10 : memref<128x64xf32, #tpu.memory_space<vmem>>) target(%dma_start3A_296 : memref<10000x64xf32, #tpu.memory_space<vmem_shared>>) offsets(%dma_start3A_293 : memref<128xi32, #tpu.memory_space<vmem>>) semaphore(%arg16 : memref<!tpu.dma_semaphore, #tpu.memory_space<semaphore_mem>>) {add = true}
      %mul3A_297 = arith.constant 3 : i32
      %mul3A_298 = arith.muli %mul3A_297, %scan3A_269 : i32
      %add3A_299 = arith.constant 1 : i32
      %add3A_300 = arith.addi %mul3A_298, %add3A_299 : i32
      %sub3A = arith.constant 1 : i32
      %sub3A_301 = arith.subi %add3A_300, %sub3A : i32
      %mul3A_302 = arith.constant 128 : i32
      %mul3A_303 = arith.muli %sub3A_301, %mul3A_302 : i32
      %dma_wait3A_304 = tpu.memref_slice %arg9[%mul3A_303] : memref<10016xi32, #tpu.memory_space<vmem>> -> memref<128xi32, #tpu.memory_space<vmem>>
      %dma_wait3A_305 = arith.constant 0 : i32
      %dma_wait3A_306 = arith.constant 0 : i32
      %dma_wait3A_307 = tpu.memref_slice %arg6[%dma_wait3A_305, %dma_wait3A_306] : memref<10000x64xf32, #tpu.memory_space<vmem_shared>> -> memref<10000x64xf32, #tpu.memory_space<vmem_shared>>
      tpu.wait_indirect_dma semaphore(%arg16 : memref<!tpu.dma_semaphore, #tpu.memory_space<semaphore_mem>>) src(%arg10 : memref<128x64xf32, #tpu.memory_space<vmem>>) dst(%dma_wait3A_307 : memref<10000x64xf32, #tpu.memory_space<vmem_shared>>)
      %lt3A = arith.constant 25 : i32
      %lt3A_308 = arith.cmpi slt, %scan3A_269, %lt3A : i32
      %convert_element_type3A_309 = arith.extui %lt3A_308 : i1 to i32
      %cond3A_310 = arith.constant 0 : i32
      %cond3A_311 = arith.cmpi ne, %convert_element_type3A_309, %cond3A_310 : i32
      scf.if %cond3A_311 {
        %add3A_354 = arith.constant 2 : i32
        %add3A_355 = arith.addi %add3A_300, %add3A_354 : i32
        %mul3A_356 = arith.constant 128 : i32
        %mul3A_357 = arith.muli %add3A_355, %mul3A_356 : i32
        %dma_start3A_358 = tpu.memref_slice %arg8[%mul3A_357] : memref<10016xi32, #tpu.memory_space<vmem>> -> memref<128xi32, #tpu.memory_space<vmem>>
        %dma_start3A_359 = arith.constant 0 : i32
        %dma_start3A_360 = arith.constant 0 : i32
        %dma_start3A_361 = tpu.memref_slice %arg7[%dma_start3A_359, %dma_start3A_360] : memref<10000x64xf32, #tpu.memory_space<vmem_shared>> -> memref<10000x64xf32, #tpu.memory_space<vmem_shared>>
        tpu.enqueue_indirect_dma source(%dma_start3A_361 : memref<10000x64xf32, #tpu.memory_space<vmem_shared>>) target(%arg10 : memref<128x64xf32, #tpu.memory_space<vmem>>) offsets(%dma_start3A_358 : memref<128xi32, #tpu.memory_space<vmem>>) semaphore(%arg13 : memref<!tpu.dma_semaphore, #tpu.memory_space<semaphore_mem>>)
      } else {
      }
      %mul3A_312 = arith.constant 128 : i32
      %mul3A_313 = arith.muli %add3A_300, %mul3A_312 : i32
      %dma_wait3A_314 = tpu.memref_slice %arg8[%mul3A_313] : memref<10016xi32, #tpu.memory_space<vmem>> -> memref<128xi32, #tpu.memory_space<vmem>>
      %dma_wait3A_315 = arith.constant 0 : i32
      %dma_wait3A_316 = arith.constant 0 : i32
      %dma_wait3A_317 = tpu.memref_slice %arg7[%dma_wait3A_315, %dma_wait3A_316] : memref<10000x64xf32, #tpu.memory_space<vmem_shared>> -> memref<10000x64xf32, #tpu.memory_space<vmem_shared>>
      tpu.wait_indirect_dma semaphore(%arg14 : memref<!tpu.dma_semaphore, #tpu.memory_space<semaphore_mem>>) src(%dma_wait3A_317 : memref<10000x64xf32, #tpu.memory_space<vmem_shared>>) dst(%arg11 : memref<128x64xf32, #tpu.memory_space<vmem>>)
      %mul3A_318 = arith.constant 128 : i32
      %mul3A_319 = arith.muli %add3A_300, %mul3A_318 : i32
      %dma_start3A_320 = tpu.memref_slice %arg9[%mul3A_319] : memref<10016xi32, #tpu.memory_space<vmem>> -> memref<128xi32, #tpu.memory_space<vmem>>
      %dma_start3A_321 = arith.constant 0 : i32
      %dma_start3A_322 = arith.constant 0 : i32
      %dma_start3A_323 = tpu.memref_slice %arg6[%dma_start3A_321, %dma_start3A_322] : memref<10000x64xf32, #tpu.memory_space<vmem_shared>> -> memref<10000x64xf32, #tpu.memory_space<vmem_shared>>
      tpu.enqueue_indirect_dma source(%arg11 : memref<128x64xf32, #tpu.memory_space<vmem>>) target(%dma_start3A_323 : memref<10000x64xf32, #tpu.memory_space<vmem_shared>>) offsets(%dma_start3A_320 : memref<128xi32, #tpu.memory_space<vmem>>) semaphore(%arg17 : memref<!tpu.dma_semaphore, #tpu.memory_space<semaphore_mem>>) {add = true}
      %mul3A_324 = arith.constant 3 : i32
      %mul3A_325 = arith.muli %mul3A_324, %scan3A_269 : i32
      %add3A_326 = arith.constant 2 : i32
      %add3A_327 = arith.addi %mul3A_325, %add3A_326 : i32
      %sub3A_328 = arith.constant 1 : i32
      %sub3A_329 = arith.subi %add3A_327, %sub3A_328 : i32
      %mul3A_330 = arith.constant 128 : i32
      %mul3A_331 = arith.muli %sub3A_329, %mul3A_330 : i32
      %dma_wait3A_332 = tpu.memref_slice %arg9[%mul3A_331] : memref<10016xi32, #tpu.memory_space<vmem>> -> memref<128xi32, #tpu.memory_space<vmem>>
      %dma_wait3A_333 = arith.constant 0 : i32
      %dma_wait3A_334 = arith.constant 0 : i32
      %dma_wait3A_335 = tpu.memref_slice %arg6[%dma_wait3A_333, %dma_wait3A_334] : memref<10000x64xf32, #tpu.memory_space<vmem_shared>> -> memref<10000x64xf32, #tpu.memory_space<vmem_shared>>
      tpu.wait_indirect_dma semaphore(%arg17 : memref<!tpu.dma_semaphore, #tpu.memory_space<semaphore_mem>>) src(%arg11 : memref<128x64xf32, #tpu.memory_space<vmem>>) dst(%dma_wait3A_335 : memref<10000x64xf32, #tpu.memory_space<vmem_shared>>)
      %lt3A_336 = arith.constant 25 : i32
      %lt3A_337 = arith.cmpi slt, %scan3A_269, %lt3A_336 : i32
      %convert_element_type3A_338 = arith.extui %lt3A_337 : i1 to i32
      %cond3A_339 = arith.constant 0 : i32
      %cond3A_340 = arith.cmpi ne, %convert_element_type3A_338, %cond3A_339 : i32
      scf.if %cond3A_340 {
        %add3A_354 = arith.constant 2 : i32
        %add3A_355 = arith.addi %add3A_327, %add3A_354 : i32
        %mul3A_356 = arith.constant 128 : i32
        %mul3A_357 = arith.muli %add3A_355, %mul3A_356 : i32
        %dma_start3A_358 = tpu.memref_slice %arg8[%mul3A_357] : memref<10016xi32, #tpu.memory_space<vmem>> -> memref<128xi32, #tpu.memory_space<vmem>>
        %dma_start3A_359 = arith.constant 0 : i32
        %dma_start3A_360 = arith.constant 0 : i32
        %dma_start3A_361 = tpu.memref_slice %arg7[%dma_start3A_359, %dma_start3A_360] : memref<10000x64xf32, #tpu.memory_space<vmem_shared>> -> memref<10000x64xf32, #tpu.memory_space<vmem_shared>>
        tpu.enqueue_indirect_dma source(%dma_start3A_361 : memref<10000x64xf32, #tpu.memory_space<vmem_shared>>) target(%arg11 : memref<128x64xf32, #tpu.memory_space<vmem>>) offsets(%dma_start3A_358 : memref<128xi32, #tpu.memory_space<vmem>>) semaphore(%arg14 : memref<!tpu.dma_semaphore, #tpu.memory_space<semaphore_mem>>)
      } else {
      }
      %mul3A_341 = arith.constant 128 : i32
      %mul3A_342 = arith.muli %add3A_327, %mul3A_341 : i32
      %dma_wait3A_343 = tpu.memref_slice %arg8[%mul3A_342] : memref<10016xi32, #tpu.memory_space<vmem>> -> memref<128xi32, #tpu.memory_space<vmem>>
      %dma_wait3A_344 = arith.constant 0 : i32
      %dma_wait3A_345 = arith.constant 0 : i32
      %dma_wait3A_346 = tpu.memref_slice %arg7[%dma_wait3A_344, %dma_wait3A_345] : memref<10000x64xf32, #tpu.memory_space<vmem_shared>> -> memref<10000x64xf32, #tpu.memory_space<vmem_shared>>
      tpu.wait_indirect_dma semaphore(%arg15 : memref<!tpu.dma_semaphore, #tpu.memory_space<semaphore_mem>>) src(%dma_wait3A_346 : memref<10000x64xf32, #tpu.memory_space<vmem_shared>>) dst(%arg12 : memref<128x64xf32, #tpu.memory_space<vmem>>)
      %mul3A_347 = arith.constant 128 : i32
      %mul3A_348 = arith.muli %add3A_327, %mul3A_347 : i32
      %dma_start3A_349 = tpu.memref_slice %arg9[%mul3A_348] : memref<10016xi32, #tpu.memory_space<vmem>> -> memref<128xi32, #tpu.memory_space<vmem>>
      %dma_start3A_350 = arith.constant 0 : i32
      %dma_start3A_351 = arith.constant 0 : i32
      %dma_start3A_352 = tpu.memref_slice %arg6[%dma_start3A_350, %dma_start3A_351] : memref<10000x64xf32, #tpu.memory_space<vmem_shared>> -> memref<10000x64xf32, #tpu.memory_space<vmem_shared>>
      tpu.enqueue_indirect_dma source(%arg12 : memref<128x64xf32, #tpu.memory_space<vmem>>) target(%dma_start3A_352 : memref<10000x64xf32, #tpu.memory_space<vmem_shared>>) offsets(%dma_start3A_349 : memref<128xi32, #tpu.memory_space<vmem>>) semaphore(%arg18 : memref<!tpu.dma_semaphore, #tpu.memory_space<semaphore_mem>>) {add = true}
      %scan3A_353 = arith.constant 0 : i32
      scf.yield %scan3A_353 : i32
    }
    %scan3A_176 = arith.constant 26 : i32
    %dma_wait3A_177 = arith.constant 9856 : i32
    %dma_wait3A_178 = tpu.memref_slice %arg9[%dma_wait3A_177] : memref<10016xi32, #tpu.memory_space<vmem>> -> memref<128xi32, #tpu.memory_space<vmem>>
    %dma_wait3A_179 = arith.constant 0 : i32
    %dma_wait3A_180 = arith.constant 0 : i32
    %dma_wait3A_181 = tpu.memref_slice %arg6[%dma_wait3A_179, %dma_wait3A_180] : memref<10000x64xf32, #tpu.memory_space<vmem_shared>> -> memref<10000x64xf32, #tpu.memory_space<vmem_shared>>
    tpu.wait_indirect_dma semaphore(%arg18 : memref<!tpu.dma_semaphore, #tpu.memory_space<semaphore_mem>>) src(%arg12 : memref<128x64xf32, #tpu.memory_space<vmem>>) dst(%dma_wait3A_181 : memref<10000x64xf32, #tpu.memory_space<vmem_shared>>)
    %mul3A_182 = arith.constant 20000 : i32
    %mul3A_183 = arith.muli %arg1, %mul3A_182 : i32
    %add3A_184 = arith.constant 9984 : i32
    %add3A_185 = arith.addi %mul3A_183, %add3A_184 : i32
    %run_scoped3A_186 = arith.constant 0 : i32
    "tpu.region"() ({
      %run_scoped3A_269 = tpu.sem_alloc : memref<!tpu.dma_semaphore, #tpu.memory_space<semaphore_mem>>
      %dma_start3A_270 = arith.constant 0 : i32
      %dma_start3A_271 = tpu.memref_slice %arg8[%dma_start3A_270] : memref<10016xi32, #tpu.memory_space<vmem>> -> memref<9984xi32, #tpu.memory_space<vmem>>
      %dma_start3A_272 = tpu.memref_slice %arg2[%run_scoped3A_186, %add3A_185] : memref<2x320000xi32, #tpu.memory_space<hbm>> -> memref<1x9984xi32, #tpu.memory_space<hbm>>
      %dma_start3A_273 = tpu.memref_squeeze %dma_start3A_272 : memref<1x9984xi32, #tpu.memory_space<hbm>> -> memref<9984xi32, #tpu.memory_space<hbm>>
      %dma_start3A_274 = arith.constant 0 : i32
      %dma_start3A_275 = tpu.memref_slice %arg8[%dma_start3A_274] : memref<10016xi32, #tpu.memory_space<vmem>> -> memref<9984xi32, #tpu.memory_space<vmem>>
      %dma_start3A_276 = tpu.memref_slice %arg2[%run_scoped3A_186, %add3A_185] : memref<2x320000xi32, #tpu.memory_space<hbm>> -> memref<1x9984xi32, #tpu.memory_space<hbm>>
      %dma_start3A_277 = tpu.memref_squeeze %dma_start3A_276 : memref<1x9984xi32, #tpu.memory_space<hbm>> -> memref<9984xi32, #tpu.memory_space<hbm>>
      tpu.enqueue_dma source(%dma_start3A_277 : memref<9984xi32, #tpu.memory_space<hbm>>) target(%dma_start3A_275 : memref<9984xi32, #tpu.memory_space<vmem>>) target_semaphore(%run_scoped3A_269 : memref<!tpu.dma_semaphore, #tpu.memory_space<semaphore_mem>>)
      %dma_wait3A_278 = arith.constant 0 : i32
      %dma_wait3A_279 = tpu.memref_slice %arg8[%dma_wait3A_278] : memref<10016xi32, #tpu.memory_space<vmem>> -> memref<9984xi32, #tpu.memory_space<vmem>>
      %dma_wait3A_280 = tpu.memref_slice %arg2[%run_scoped3A_186, %add3A_185] : memref<2x320000xi32, #tpu.memory_space<hbm>> -> memref<1x9984xi32, #tpu.memory_space<hbm>>
      %dma_wait3A_281 = tpu.memref_squeeze %dma_wait3A_280 : memref<1x9984xi32, #tpu.memory_space<hbm>> -> memref<9984xi32, #tpu.memory_space<hbm>>
      %dma_wait3A_282 = arith.constant 0 : i32
      %dma_wait3A_283 = tpu.memref_slice %arg8[%dma_wait3A_282] : memref<10016xi32, #tpu.memory_space<vmem>> -> memref<9984xi32, #tpu.memory_space<vmem>>
      %dma_wait3A_284 = tpu.memref_slice %arg2[%run_scoped3A_186, %add3A_185] : memref<2x320000xi32, #tpu.memory_space<hbm>> -> memref<1x9984xi32, #tpu.memory_space<hbm>>
      %dma_wait3A_285 = tpu.memref_squeeze %dma_wait3A_284 : memref<1x9984xi32, #tpu.memory_space<hbm>> -> memref<9984xi32, #tpu.memory_space<hbm>>
      tpu.wait_dma2 semaphore(%run_scoped3A_269 : memref<!tpu.dma_semaphore, #tpu.memory_space<semaphore_mem>>) src(%dma_wait3A_285 : memref<9984xi32, #tpu.memory_space<hbm>>) dst(%dma_wait3A_283 : memref<9984xi32, #tpu.memory_space<vmem>>)
      tpu.yield
    }) : () -> ()
    %run_scoped3A_187 = arith.constant 1 : i32
    "tpu.region"() ({
      %run_scoped3A_269 = tpu.sem_alloc : memref<!tpu.dma_semaphore, #tpu.memory_space<semaphore_mem>>
      %dma_start3A_270 = arith.constant 0 : i32
      %dma_start3A_271 = tpu.memref_slice %arg9[%dma_start3A_270] : memref<10016xi32, #tpu.memory_space<vmem>> -> memref<9984xi32, #tpu.memory_space<vmem>>
      %dma_start3A_272 = tpu.memref_slice %arg2[%run_scoped3A_187, %add3A_185] : memref<2x320000xi32, #tpu.memory_space<hbm>> -> memref<1x9984xi32, #tpu.memory_space<hbm>>
      %dma_start3A_273 = tpu.memref_squeeze %dma_start3A_272 : memref<1x9984xi32, #tpu.memory_space<hbm>> -> memref<9984xi32, #tpu.memory_space<hbm>>
      %dma_start3A_274 = arith.constant 0 : i32
      %dma_start3A_275 = tpu.memref_slice %arg9[%dma_start3A_274] : memref<10016xi32, #tpu.memory_space<vmem>> -> memref<9984xi32, #tpu.memory_space<vmem>>
      %dma_start3A_276 = tpu.memref_slice %arg2[%run_scoped3A_187, %add3A_185] : memref<2x320000xi32, #tpu.memory_space<hbm>> -> memref<1x9984xi32, #tpu.memory_space<hbm>>
      %dma_start3A_277 = tpu.memref_squeeze %dma_start3A_276 : memref<1x9984xi32, #tpu.memory_space<hbm>> -> memref<9984xi32, #tpu.memory_space<hbm>>
      tpu.enqueue_dma source(%dma_start3A_277 : memref<9984xi32, #tpu.memory_space<hbm>>) target(%dma_start3A_275 : memref<9984xi32, #tpu.memory_space<vmem>>) target_semaphore(%run_scoped3A_269 : memref<!tpu.dma_semaphore, #tpu.memory_space<semaphore_mem>>)
      %dma_wait3A_278 = arith.constant 0 : i32
      %dma_wait3A_279 = tpu.memref_slice %arg9[%dma_wait3A_278] : memref<10016xi32, #tpu.memory_space<vmem>> -> memref<9984xi32, #tpu.memory_space<vmem>>
      %dma_wait3A_280 = tpu.memref_slice %arg2[%run_scoped3A_187, %add3A_185] : memref<2x320000xi32, #tpu.memory_space<hbm>> -> memref<1x9984xi32, #tpu.memory_space<hbm>>
      %dma_wait3A_281 = tpu.memref_squeeze %dma_wait3A_280 : memref<1x9984xi32, #tpu.memory_space<hbm>> -> memref<9984xi32, #tpu.memory_space<hbm>>
      %dma_wait3A_282 = arith.constant 0 : i32
      %dma_wait3A_283 = tpu.memref_slice %arg9[%dma_wait3A_282] : memref<10016xi32, #tpu.memory_space<vmem>> -> memref<9984xi32, #tpu.memory_space<vmem>>
      %dma_wait3A_284 = tpu.memref_slice %arg2[%run_scoped3A_187, %add3A_185] : memref<2x320000xi32, #tpu.memory_space<hbm>> -> memref<1x9984xi32, #tpu.memory_space<hbm>>
      %dma_wait3A_285 = tpu.memref_squeeze %dma_wait3A_284 : memref<1x9984xi32, #tpu.memory_space<hbm>> -> memref<9984xi32, #tpu.memory_space<hbm>>
      tpu.wait_dma2 semaphore(%run_scoped3A_269 : memref<!tpu.dma_semaphore, #tpu.memory_space<semaphore_mem>>) src(%dma_wait3A_285 : memref<9984xi32, #tpu.memory_space<hbm>>) dst(%dma_wait3A_283 : memref<9984xi32, #tpu.memory_space<vmem>>)
      tpu.yield
    }) : () -> ()
    %add3A_188 = arith.constant 9984 : i32
    %add3A_189 = arith.addi %add3A_185, %add3A_188 : i32
    %run_scoped3A_190 = arith.constant 0 : i32
    "tpu.region"() ({
      %run_scoped3A_269 = tpu.sem_alloc : memref<!tpu.dma_semaphore, #tpu.memory_space<semaphore_mem>>
      %dma_start3A_270 = arith.constant 9984 : i32
      %dma_start3A_271 = tpu.memref_slice %arg8[%dma_start3A_270] : memref<10016xi32, #tpu.memory_space<vmem>> -> memref<32xi32, #tpu.memory_space<vmem>>
      %dma_start3A_272 = tpu.memref_slice %arg2[%run_scoped3A_190, %add3A_189] : memref<2x320000xi32, #tpu.memory_space<hbm>> -> memref<1x32xi32, #tpu.memory_space<hbm>>
      %dma_start3A_273 = tpu.memref_squeeze %dma_start3A_272 : memref<1x32xi32, #tpu.memory_space<hbm>> -> memref<32xi32, #tpu.memory_space<hbm>>
      %dma_start3A_274 = arith.constant 9984 : i32
      %dma_start3A_275 = tpu.memref_slice %arg8[%dma_start3A_274] : memref<10016xi32, #tpu.memory_space<vmem>> -> memref<32xi32, #tpu.memory_space<vmem>>
      %dma_start3A_276 = tpu.memref_slice %arg2[%run_scoped3A_190, %add3A_189] : memref<2x320000xi32, #tpu.memory_space<hbm>> -> memref<1x32xi32, #tpu.memory_space<hbm>>
      %dma_start3A_277 = tpu.memref_squeeze %dma_start3A_276 : memref<1x32xi32, #tpu.memory_space<hbm>> -> memref<32xi32, #tpu.memory_space<hbm>>
      tpu.enqueue_dma source(%dma_start3A_277 : memref<32xi32, #tpu.memory_space<hbm>>) target(%dma_start3A_275 : memref<32xi32, #tpu.memory_space<vmem>>) target_semaphore(%run_scoped3A_269 : memref<!tpu.dma_semaphore, #tpu.memory_space<semaphore_mem>>)
      %dma_wait3A_278 = arith.constant 9984 : i32
      %dma_wait3A_279 = tpu.memref_slice %arg8[%dma_wait3A_278] : memref<10016xi32, #tpu.memory_space<vmem>> -> memref<32xi32, #tpu.memory_space<vmem>>
      %dma_wait3A_280 = tpu.memref_slice %arg2[%run_scoped3A_190, %add3A_189] : memref<2x320000xi32, #tpu.memory_space<hbm>> -> memref<1x32xi32, #tpu.memory_space<hbm>>
      %dma_wait3A_281 = tpu.memref_squeeze %dma_wait3A_280 : memref<1x32xi32, #tpu.memory_space<hbm>> -> memref<32xi32, #tpu.memory_space<hbm>>
      %dma_wait3A_282 = arith.constant 9984 : i32
      %dma_wait3A_283 = tpu.memref_slice %arg8[%dma_wait3A_282] : memref<10016xi32, #tpu.memory_space<vmem>> -> memref<32xi32, #tpu.memory_space<vmem>>
      %dma_wait3A_284 = tpu.memref_slice %arg2[%run_scoped3A_190, %add3A_189] : memref<2x320000xi32, #tpu.memory_space<hbm>> -> memref<1x32xi32, #tpu.memory_space<hbm>>
      %dma_wait3A_285 = tpu.memref_squeeze %dma_wait3A_284 : memref<1x32xi32, #tpu.memory_space<hbm>> -> memref<32xi32, #tpu.memory_space<hbm>>
      tpu.wait_dma2 semaphore(%run_scoped3A_269 : memref<!tpu.dma_semaphore, #tpu.memory_space<semaphore_mem>>) src(%dma_wait3A_285 : memref<32xi32, #tpu.memory_space<hbm>>) dst(%dma_wait3A_283 : memref<32xi32, #tpu.memory_space<vmem>>)
      tpu.yield
    }) : () -> ()
    %add3A_191 = arith.constant 9984 : i32
    %add3A_192 = arith.addi %add3A_185, %add3A_191 : i32
    %run_scoped3A_193 = arith.constant 1 : i32
    "tpu.region"() ({
      %run_scoped3A_269 = tpu.sem_alloc : memref<!tpu.dma_semaphore, #tpu.memory_space<semaphore_mem>>
      %dma_start3A_270 = arith.constant 9984 : i32
      %dma_start3A_271 = tpu.memref_slice %arg9[%dma_start3A_270] : memref<10016xi32, #tpu.memory_space<vmem>> -> memref<32xi32, #tpu.memory_space<vmem>>
      %dma_start3A_272 = tpu.memref_slice %arg2[%run_scoped3A_193, %add3A_192] : memref<2x320000xi32, #tpu.memory_space<hbm>> -> memref<1x32xi32, #tpu.memory_space<hbm>>
      %dma_start3A_273 = tpu.memref_squeeze %dma_start3A_272 : memref<1x32xi32, #tpu.memory_space<hbm>> -> memref<32xi32, #tpu.memory_space<hbm>>
      %dma_start3A_274 = arith.constant 9984 : i32
      %dma_start3A_275 = tpu.memref_slice %arg9[%dma_start3A_274] : memref<10016xi32, #tpu.memory_space<vmem>> -> memref<32xi32, #tpu.memory_space<vmem>>
      %dma_start3A_276 = tpu.memref_slice %arg2[%run_scoped3A_193, %add3A_192] : memref<2x320000xi32, #tpu.memory_space<hbm>> -> memref<1x32xi32, #tpu.memory_space<hbm>>
      %dma_start3A_277 = tpu.memref_squeeze %dma_start3A_276 : memref<1x32xi32, #tpu.memory_space<hbm>> -> memref<32xi32, #tpu.memory_space<hbm>>
      tpu.enqueue_dma source(%dma_start3A_277 : memref<32xi32, #tpu.memory_space<hbm>>) target(%dma_start3A_275 : memref<32xi32, #tpu.memory_space<vmem>>) target_semaphore(%run_scoped3A_269 : memref<!tpu.dma_semaphore, #tpu.memory_space<semaphore_mem>>)
      %dma_wait3A_278 = arith.constant 9984 : i32
      %dma_wait3A_279 = tpu.memref_slice %arg9[%dma_wait3A_278] : memref<10016xi32, #tpu.memory_space<vmem>> -> memref<32xi32, #tpu.memory_space<vmem>>
      %dma_wait3A_280 = tpu.memref_slice %arg2[%run_scoped3A_193, %add3A_192] : memref<2x320000xi32, #tpu.memory_space<hbm>> -> memref<1x32xi32, #tpu.memory_space<hbm>>
      %dma_wait3A_281 = tpu.memref_squeeze %dma_wait3A_280 : memref<1x32xi32, #tpu.memory_space<hbm>> -> memref<32xi32, #tpu.memory_space<hbm>>
      %dma_wait3A_282 = arith.constant 9984 : i32
      %dma_wait3A_283 = tpu.memref_slice %arg9[%dma_wait3A_282] : memref<10016xi32, #tpu.memory_space<vmem>> -> memref<32xi32, #tpu.memory_space<vmem>>
      %dma_wait3A_284 = tpu.memref_slice %arg2[%run_scoped3A_193, %add3A_192] : memref<2x320000xi32, #tpu.memory_space<hbm>> -> memref<1x32xi32, #tpu.memory_space<hbm>>
      %dma_wait3A_285 = tpu.memref_squeeze %dma_wait3A_284 : memref<1x32xi32, #tpu.memory_space<hbm>> -> memref<32xi32, #tpu.memory_space<hbm>>
      tpu.wait_dma2 semaphore(%run_scoped3A_269 : memref<!tpu.dma_semaphore, #tpu.memory_space<semaphore_mem>>) src(%dma_wait3A_285 : memref<32xi32, #tpu.memory_space<hbm>>) dst(%dma_wait3A_283 : memref<32xi32, #tpu.memory_space<vmem>>)
      tpu.yield
    }) : () -> ()
    %dma_start3A_194 = arith.constant 0 : i32
    %dma_start3A_195 = tpu.memref_slice %arg8[%dma_start3A_194] : memref<10016xi32, #tpu.memory_space<vmem>> -> memref<128xi32, #tpu.memory_space<vmem>>
    %dma_start3A_196 = arith.constant 0 : i32
    %dma_start3A_197 = arith.constant 0 : i32
    %dma_start3A_198 = tpu.memref_slice %arg7[%dma_start3A_196, %dma_start3A_197] : memref<10000x64xf32, #tpu.memory_space<vmem_shared>> -> memref<10000x64xf32, #tpu.memory_space<vmem_shared>>
    tpu.enqueue_indirect_dma source(%dma_start3A_198 : memref<10000x64xf32, #tpu.memory_space<vmem_shared>>) target(%arg10 : memref<128x64xf32, #tpu.memory_space<vmem>>) offsets(%dma_start3A_195 : memref<128xi32, #tpu.memory_space<vmem>>) semaphore(%arg13 : memref<!tpu.dma_semaphore, #tpu.memory_space<semaphore_mem>>)
    %dma_start3A_199 = arith.constant 128 : i32
    %dma_start3A_200 = tpu.memref_slice %arg8[%dma_start3A_199] : memref<10016xi32, #tpu.memory_space<vmem>> -> memref<128xi32, #tpu.memory_space<vmem>>
    %dma_start3A_201 = arith.constant 0 : i32
    %dma_start3A_202 = arith.constant 0 : i32
    %dma_start3A_203 = tpu.memref_slice %arg7[%dma_start3A_201, %dma_start3A_202] : memref<10000x64xf32, #tpu.memory_space<vmem_shared>> -> memref<10000x64xf32, #tpu.memory_space<vmem_shared>>
    tpu.enqueue_indirect_dma source(%dma_start3A_203 : memref<10000x64xf32, #tpu.memory_space<vmem_shared>>) target(%arg11 : memref<128x64xf32, #tpu.memory_space<vmem>>) offsets(%dma_start3A_200 : memref<128xi32, #tpu.memory_space<vmem>>) semaphore(%arg14 : memref<!tpu.dma_semaphore, #tpu.memory_space<semaphore_mem>>)
    %scan3A_204 = arith.constant 0 : i32
    %scan3A_205 = arith.constant 0 : i32
    %scan3A_206 = arith.constant 26 : i32
    %scan3A_207 = arith.addi %scan3A_205, %scan3A_206 : i32
    %scan3A_208 = arith.constant 1 : i32
    %scan3A_209 = scf.for %scan3A_269 = %scan3A_205 to %scan3A_207 step %scan3A_208 iter_args(%scan3A_270 = %scan3A_204) -> (i32)  : i32 {
      %mul3A_271 = arith.constant 3 : i32
      %mul3A_272 = arith.muli %mul3A_271, %scan3A_269 : i32
      %add3A_273 = arith.constant 0 : i32
      %add3A_274 = arith.addi %mul3A_272, %add3A_273 : i32
      %gt3A = arith.constant 0 : i32
      %gt3A_275 = arith.cmpi sgt, %scan3A_269, %gt3A : i32
      %convert_element_type3A = arith.extui %gt3A_275 : i1 to i32
      %cond3A = arith.constant 0 : i32
      %cond3A_276 = arith.cmpi ne, %convert_element_type3A, %cond3A : i32
      scf.if %cond3A_276 {
        %sub3A_354 = arith.constant 1 : i32
        %sub3A_355 = arith.subi %add3A_274, %sub3A_354 : i32
        %mul3A_356 = arith.constant 128 : i32
        %mul3A_357 = arith.muli %sub3A_355, %mul3A_356 : i32
        %dma_wait3A_358 = tpu.memref_slice %arg9[%mul3A_357] : memref<10016xi32, #tpu.memory_space<vmem>> -> memref<128xi32, #tpu.memory_space<vmem>>
        %dma_wait3A_359 = arith.constant 0 : i32
        %dma_wait3A_360 = arith.constant 0 : i32
        %dma_wait3A_361 = tpu.memref_slice %arg6[%dma_wait3A_359, %dma_wait3A_360] : memref<10000x64xf32, #tpu.memory_space<vmem_shared>> -> memref<10000x64xf32, #tpu.memory_space<vmem_shared>>
        tpu.wait_indirect_dma semaphore(%arg18 : memref<!tpu.dma_semaphore, #tpu.memory_space<semaphore_mem>>) src(%arg12 : memref<128x64xf32, #tpu.memory_space<vmem>>) dst(%dma_wait3A_361 : memref<10000x64xf32, #tpu.memory_space<vmem_shared>>)
      } else {
      }
      %add3A_277 = arith.constant 2 : i32
      %add3A_278 = arith.addi %add3A_274, %add3A_277 : i32
      %mul3A_279 = arith.constant 128 : i32
      %mul3A_280 = arith.muli %add3A_278, %mul3A_279 : i32
      %dma_start3A_281 = tpu.memref_slice %arg8[%mul3A_280] : memref<10016xi32, #tpu.memory_space<vmem>> -> memref<128xi32, #tpu.memory_space<vmem>>
      %dma_start3A_282 = arith.constant 0 : i32
      %dma_start3A_283 = arith.constant 0 : i32
      %dma_start3A_284 = tpu.memref_slice %arg7[%dma_start3A_282, %dma_start3A_283] : memref<10000x64xf32, #tpu.memory_space<vmem_shared>> -> memref<10000x64xf32, #tpu.memory_space<vmem_shared>>
      tpu.enqueue_indirect_dma source(%dma_start3A_284 : memref<10000x64xf32, #tpu.memory_space<vmem_shared>>) target(%arg12 : memref<128x64xf32, #tpu.memory_space<vmem>>) offsets(%dma_start3A_281 : memref<128xi32, #tpu.memory_space<vmem>>) semaphore(%arg15 : memref<!tpu.dma_semaphore, #tpu.memory_space<semaphore_mem>>)
      %mul3A_285 = arith.constant 128 : i32
      %mul3A_286 = arith.muli %add3A_274, %mul3A_285 : i32
      %dma_wait3A_287 = tpu.memref_slice %arg8[%mul3A_286] : memref<10016xi32, #tpu.memory_space<vmem>> -> memref<128xi32, #tpu.memory_space<vmem>>
      %dma_wait3A_288 = arith.constant 0 : i32
      %dma_wait3A_289 = arith.constant 0 : i32
      %dma_wait3A_290 = tpu.memref_slice %arg7[%dma_wait3A_288, %dma_wait3A_289] : memref<10000x64xf32, #tpu.memory_space<vmem_shared>> -> memref<10000x64xf32, #tpu.memory_space<vmem_shared>>
      tpu.wait_indirect_dma semaphore(%arg13 : memref<!tpu.dma_semaphore, #tpu.memory_space<semaphore_mem>>) src(%dma_wait3A_290 : memref<10000x64xf32, #tpu.memory_space<vmem_shared>>) dst(%arg10 : memref<128x64xf32, #tpu.memory_space<vmem>>)
      %mul3A_291 = arith.constant 128 : i32
      %mul3A_292 = arith.muli %add3A_274, %mul3A_291 : i32
      %dma_start3A_293 = tpu.memref_slice %arg9[%mul3A_292] : memref<10016xi32, #tpu.memory_space<vmem>> -> memref<128xi32, #tpu.memory_space<vmem>>
      %dma_start3A_294 = arith.constant 0 : i32
      %dma_start3A_295 = arith.constant 0 : i32
      %dma_start3A_296 = tpu.memref_slice %arg6[%dma_start3A_294, %dma_start3A_295] : memref<10000x64xf32, #tpu.memory_space<vmem_shared>> -> memref<10000x64xf32, #tpu.memory_space<vmem_shared>>
      tpu.enqueue_indirect_dma source(%arg10 : memref<128x64xf32, #tpu.memory_space<vmem>>) target(%dma_start3A_296 : memref<10000x64xf32, #tpu.memory_space<vmem_shared>>) offsets(%dma_start3A_293 : memref<128xi32, #tpu.memory_space<vmem>>) semaphore(%arg16 : memref<!tpu.dma_semaphore, #tpu.memory_space<semaphore_mem>>) {add = true}
      %mul3A_297 = arith.constant 3 : i32
      %mul3A_298 = arith.muli %mul3A_297, %scan3A_269 : i32
      %add3A_299 = arith.constant 1 : i32
      %add3A_300 = arith.addi %mul3A_298, %add3A_299 : i32
      %sub3A = arith.constant 1 : i32
      %sub3A_301 = arith.subi %add3A_300, %sub3A : i32
      %mul3A_302 = arith.constant 128 : i32
      %mul3A_303 = arith.muli %sub3A_301, %mul3A_302 : i32
      %dma_wait3A_304 = tpu.memref_slice %arg9[%mul3A_303] : memref<10016xi32, #tpu.memory_space<vmem>> -> memref<128xi32, #tpu.memory_space<vmem>>
      %dma_wait3A_305 = arith.constant 0 : i32
      %dma_wait3A_306 = arith.constant 0 : i32
      %dma_wait3A_307 = tpu.memref_slice %arg6[%dma_wait3A_305, %dma_wait3A_306] : memref<10000x64xf32, #tpu.memory_space<vmem_shared>> -> memref<10000x64xf32, #tpu.memory_space<vmem_shared>>
      tpu.wait_indirect_dma semaphore(%arg16 : memref<!tpu.dma_semaphore, #tpu.memory_space<semaphore_mem>>) src(%arg10 : memref<128x64xf32, #tpu.memory_space<vmem>>) dst(%dma_wait3A_307 : memref<10000x64xf32, #tpu.memory_space<vmem_shared>>)
      %lt3A = arith.constant 25 : i32
      %lt3A_308 = arith.cmpi slt, %scan3A_269, %lt3A : i32
      %convert_element_type3A_309 = arith.extui %lt3A_308 : i1 to i32
      %cond3A_310 = arith.constant 0 : i32
      %cond3A_311 = arith.cmpi ne, %convert_element_type3A_309, %cond3A_310 : i32
      scf.if %cond3A_311 {
        %add3A_354 = arith.constant 2 : i32
        %add3A_355 = arith.addi %add3A_300, %add3A_354 : i32
        %mul3A_356 = arith.constant 128 : i32
        %mul3A_357 = arith.muli %add3A_355, %mul3A_356 : i32
        %dma_start3A_358 = tpu.memref_slice %arg8[%mul3A_357] : memref<10016xi32, #tpu.memory_space<vmem>> -> memref<128xi32, #tpu.memory_space<vmem>>
        %dma_start3A_359 = arith.constant 0 : i32
        %dma_start3A_360 = arith.constant 0 : i32
        %dma_start3A_361 = tpu.memref_slice %arg7[%dma_start3A_359, %dma_start3A_360] : memref<10000x64xf32, #tpu.memory_space<vmem_shared>> -> memref<10000x64xf32, #tpu.memory_space<vmem_shared>>
        tpu.enqueue_indirect_dma source(%dma_start3A_361 : memref<10000x64xf32, #tpu.memory_space<vmem_shared>>) target(%arg10 : memref<128x64xf32, #tpu.memory_space<vmem>>) offsets(%dma_start3A_358 : memref<128xi32, #tpu.memory_space<vmem>>) semaphore(%arg13 : memref<!tpu.dma_semaphore, #tpu.memory_space<semaphore_mem>>)
      } else {
      }
      %mul3A_312 = arith.constant 128 : i32
      %mul3A_313 = arith.muli %add3A_300, %mul3A_312 : i32
      %dma_wait3A_314 = tpu.memref_slice %arg8[%mul3A_313] : memref<10016xi32, #tpu.memory_space<vmem>> -> memref<128xi32, #tpu.memory_space<vmem>>
      %dma_wait3A_315 = arith.constant 0 : i32
      %dma_wait3A_316 = arith.constant 0 : i32
      %dma_wait3A_317 = tpu.memref_slice %arg7[%dma_wait3A_315, %dma_wait3A_316] : memref<10000x64xf32, #tpu.memory_space<vmem_shared>> -> memref<10000x64xf32, #tpu.memory_space<vmem_shared>>
      tpu.wait_indirect_dma semaphore(%arg14 : memref<!tpu.dma_semaphore, #tpu.memory_space<semaphore_mem>>) src(%dma_wait3A_317 : memref<10000x64xf32, #tpu.memory_space<vmem_shared>>) dst(%arg11 : memref<128x64xf32, #tpu.memory_space<vmem>>)
      %mul3A_318 = arith.constant 128 : i32
      %mul3A_319 = arith.muli %add3A_300, %mul3A_318 : i32
      %dma_start3A_320 = tpu.memref_slice %arg9[%mul3A_319] : memref<10016xi32, #tpu.memory_space<vmem>> -> memref<128xi32, #tpu.memory_space<vmem>>
      %dma_start3A_321 = arith.constant 0 : i32
      %dma_start3A_322 = arith.constant 0 : i32
      %dma_start3A_323 = tpu.memref_slice %arg6[%dma_start3A_321, %dma_start3A_322] : memref<10000x64xf32, #tpu.memory_space<vmem_shared>> -> memref<10000x64xf32, #tpu.memory_space<vmem_shared>>
      tpu.enqueue_indirect_dma source(%arg11 : memref<128x64xf32, #tpu.memory_space<vmem>>) target(%dma_start3A_323 : memref<10000x64xf32, #tpu.memory_space<vmem_shared>>) offsets(%dma_start3A_320 : memref<128xi32, #tpu.memory_space<vmem>>) semaphore(%arg17 : memref<!tpu.dma_semaphore, #tpu.memory_space<semaphore_mem>>) {add = true}
      %mul3A_324 = arith.constant 3 : i32
      %mul3A_325 = arith.muli %mul3A_324, %scan3A_269 : i32
      %add3A_326 = arith.constant 2 : i32
      %add3A_327 = arith.addi %mul3A_325, %add3A_326 : i32
      %sub3A_328 = arith.constant 1 : i32
      %sub3A_329 = arith.subi %add3A_327, %sub3A_328 : i32
      %mul3A_330 = arith.constant 128 : i32
      %mul3A_331 = arith.muli %sub3A_329, %mul3A_330 : i32
      %dma_wait3A_332 = tpu.memref_slice %arg9[%mul3A_331] : memref<10016xi32, #tpu.memory_space<vmem>> -> memref<128xi32, #tpu.memory_space<vmem>>
      %dma_wait3A_333 = arith.constant 0 : i32
      %dma_wait3A_334 = arith.constant 0 : i32
      %dma_wait3A_335 = tpu.memref_slice %arg6[%dma_wait3A_333, %dma_wait3A_334] : memref<10000x64xf32, #tpu.memory_space<vmem_shared>> -> memref<10000x64xf32, #tpu.memory_space<vmem_shared>>
      tpu.wait_indirect_dma semaphore(%arg17 : memref<!tpu.dma_semaphore, #tpu.memory_space<semaphore_mem>>) src(%arg11 : memref<128x64xf32, #tpu.memory_space<vmem>>) dst(%dma_wait3A_335 : memref<10000x64xf32, #tpu.memory_space<vmem_shared>>)
      %lt3A_336 = arith.constant 25 : i32
      %lt3A_337 = arith.cmpi slt, %scan3A_269, %lt3A_336 : i32
      %convert_element_type3A_338 = arith.extui %lt3A_337 : i1 to i32
      %cond3A_339 = arith.constant 0 : i32
      %cond3A_340 = arith.cmpi ne, %convert_element_type3A_338, %cond3A_339 : i32
      scf.if %cond3A_340 {
        %add3A_354 = arith.constant 2 : i32
        %add3A_355 = arith.addi %add3A_327, %add3A_354 : i32
        %mul3A_356 = arith.constant 128 : i32
        %mul3A_357 = arith.muli %add3A_355, %mul3A_356 : i32
        %dma_start3A_358 = tpu.memref_slice %arg8[%mul3A_357] : memref<10016xi32, #tpu.memory_space<vmem>> -> memref<128xi32, #tpu.memory_space<vmem>>
        %dma_start3A_359 = arith.constant 0 : i32
        %dma_start3A_360 = arith.constant 0 : i32
        %dma_start3A_361 = tpu.memref_slice %arg7[%dma_start3A_359, %dma_start3A_360] : memref<10000x64xf32, #tpu.memory_space<vmem_shared>> -> memref<10000x64xf32, #tpu.memory_space<vmem_shared>>
        tpu.enqueue_indirect_dma source(%dma_start3A_361 : memref<10000x64xf32, #tpu.memory_space<vmem_shared>>) target(%arg11 : memref<128x64xf32, #tpu.memory_space<vmem>>) offsets(%dma_start3A_358 : memref<128xi32, #tpu.memory_space<vmem>>) semaphore(%arg14 : memref<!tpu.dma_semaphore, #tpu.memory_space<semaphore_mem>>)
      } else {
      }
      %mul3A_341 = arith.constant 128 : i32
      %mul3A_342 = arith.muli %add3A_327, %mul3A_341 : i32
      %dma_wait3A_343 = tpu.memref_slice %arg8[%mul3A_342] : memref<10016xi32, #tpu.memory_space<vmem>> -> memref<128xi32, #tpu.memory_space<vmem>>
      %dma_wait3A_344 = arith.constant 0 : i32
      %dma_wait3A_345 = arith.constant 0 : i32
      %dma_wait3A_346 = tpu.memref_slice %arg7[%dma_wait3A_344, %dma_wait3A_345] : memref<10000x64xf32, #tpu.memory_space<vmem_shared>> -> memref<10000x64xf32, #tpu.memory_space<vmem_shared>>
      tpu.wait_indirect_dma semaphore(%arg15 : memref<!tpu.dma_semaphore, #tpu.memory_space<semaphore_mem>>) src(%dma_wait3A_346 : memref<10000x64xf32, #tpu.memory_space<vmem_shared>>) dst(%arg12 : memref<128x64xf32, #tpu.memory_space<vmem>>)
      %mul3A_347 = arith.constant 128 : i32
      %mul3A_348 = arith.muli %add3A_327, %mul3A_347 : i32
      %dma_start3A_349 = tpu.memref_slice %arg9[%mul3A_348] : memref<10016xi32, #tpu.memory_space<vmem>> -> memref<128xi32, #tpu.memory_space<vmem>>
      %dma_start3A_350 = arith.constant 0 : i32
      %dma_start3A_351 = arith.constant 0 : i32
      %dma_start3A_352 = tpu.memref_slice %arg6[%dma_start3A_350, %dma_start3A_351] : memref<10000x64xf32, #tpu.memory_space<vmem_shared>> -> memref<10000x64xf32, #tpu.memory_space<vmem_shared>>
      tpu.enqueue_indirect_dma source(%arg12 : memref<128x64xf32, #tpu.memory_space<vmem>>) target(%dma_start3A_352 : memref<10000x64xf32, #tpu.memory_space<vmem_shared>>) offsets(%dma_start3A_349 : memref<128xi32, #tpu.memory_space<vmem>>) semaphore(%arg18 : memref<!tpu.dma_semaphore, #tpu.memory_space<semaphore_mem>>) {add = true}
      %scan3A_353 = arith.constant 0 : i32
      scf.yield %scan3A_353 : i32
    }
    %scan3A_210 = arith.constant 26 : i32
    %dma_wait3A_211 = arith.constant 9856 : i32
    %dma_wait3A_212 = tpu.memref_slice %arg9[%dma_wait3A_211] : memref<10016xi32, #tpu.memory_space<vmem>> -> memref<128xi32, #tpu.memory_space<vmem>>
    %dma_wait3A_213 = arith.constant 0 : i32
    %dma_wait3A_214 = arith.constant 0 : i32
    %dma_wait3A_215 = tpu.memref_slice %arg6[%dma_wait3A_213, %dma_wait3A_214] : memref<10000x64xf32, #tpu.memory_space<vmem_shared>> -> memref<10000x64xf32, #tpu.memory_space<vmem_shared>>
    tpu.wait_indirect_dma semaphore(%arg18 : memref<!tpu.dma_semaphore, #tpu.memory_space<semaphore_mem>>) src(%arg12 : memref<128x64xf32, #tpu.memory_space<vmem>>) dst(%dma_wait3A_215 : memref<10000x64xf32, #tpu.memory_space<vmem_shared>>)
    %dma_start3A_216 = arith.constant 0 : i32
    %dma_start3A_217 = arith.constant 0 : i32
    %dma_start3A_218 = tpu.memref_slice %arg10[%dma_start3A_216, %dma_start3A_217] : memref<128x64xf32, #tpu.memory_space<vmem>> -> memref<32x64xf32, #tpu.memory_space<vmem>>
    %dma_start3A_219 = arith.constant 9984 : i32
    %dma_start3A_220 = tpu.memref_slice %arg8[%dma_start3A_219] : memref<10016xi32, #tpu.memory_space<vmem>> -> memref<32xi32, #tpu.memory_space<vmem>>
    %dma_start3A_221 = arith.constant 0 : i32
    %dma_start3A_222 = arith.constant 0 : i32
    %dma_start3A_223 = tpu.memref_slice %arg7[%dma_start3A_221, %dma_start3A_222] : memref<10000x64xf32, #tpu.memory_space<vmem_shared>> -> memref<10000x64xf32, #tpu.memory_space<vmem_shared>>
    tpu.enqueue_indirect_dma source(%dma_start3A_223 : memref<10000x64xf32, #tpu.memory_space<vmem_shared>>) target(%dma_start3A_218 : memref<32x64xf32, #tpu.memory_space<vmem>>) offsets(%dma_start3A_220 : memref<32xi32, #tpu.memory_space<vmem>>) semaphore(%arg13 : memref<!tpu.dma_semaphore, #tpu.memory_space<semaphore_mem>>)
    %dma_wait3A_224 = arith.constant 0 : i32
    %dma_wait3A_225 = arith.constant 0 : i32
    %dma_wait3A_226 = tpu.memref_slice %arg10[%dma_wait3A_224, %dma_wait3A_225] : memref<128x64xf32, #tpu.memory_space<vmem>> -> memref<32x64xf32, #tpu.memory_space<vmem>>
    %dma_wait3A_227 = arith.constant 9984 : i32
    %dma_wait3A_228 = tpu.memref_slice %arg8[%dma_wait3A_227] : memref<10016xi32, #tpu.memory_space<vmem>> -> memref<32xi32, #tpu.memory_space<vmem>>
    %dma_wait3A_229 = arith.constant 0 : i32
    %dma_wait3A_230 = arith.constant 0 : i32
    %dma_wait3A_231 = tpu.memref_slice %arg7[%dma_wait3A_229, %dma_wait3A_230] : memref<10000x64xf32, #tpu.memory_space<vmem_shared>> -> memref<10000x64xf32, #tpu.memory_space<vmem_shared>>
    tpu.wait_indirect_dma semaphore(%arg13 : memref<!tpu.dma_semaphore, #tpu.memory_space<semaphore_mem>>) src(%dma_wait3A_231 : memref<10000x64xf32, #tpu.memory_space<vmem_shared>>) dst(%dma_wait3A_226 : memref<32x64xf32, #tpu.memory_space<vmem>>)
    %dma_start3A_232 = arith.constant 0 : i32
    %dma_start3A_233 = arith.constant 0 : i32
    %dma_start3A_234 = tpu.memref_slice %arg10[%dma_start3A_232, %dma_start3A_233] : memref<128x64xf32, #tpu.memory_space<vmem>> -> memref<32x64xf32, #tpu.memory_space<vmem>>
    %dma_start3A_235 = arith.constant 9984 : i32
    %dma_start3A_236 = tpu.memref_slice %arg9[%dma_start3A_235] : memref<10016xi32, #tpu.memory_space<vmem>> -> memref<32xi32, #tpu.memory_space<vmem>>
    %dma_start3A_237 = arith.constant 0 : i32
    %dma_start3A_238 = arith.constant 0 : i32
    %dma_start3A_239 = tpu.memref_slice %arg6[%dma_start3A_237, %dma_start3A_238] : memref<10000x64xf32, #tpu.memory_space<vmem_shared>> -> memref<10000x64xf32, #tpu.memory_space<vmem_shared>>
    tpu.enqueue_indirect_dma source(%dma_start3A_234 : memref<32x64xf32, #tpu.memory_space<vmem>>) target(%dma_start3A_239 : memref<10000x64xf32, #tpu.memory_space<vmem_shared>>) offsets(%dma_start3A_236 : memref<32xi32, #tpu.memory_space<vmem>>) semaphore(%arg16 : memref<!tpu.dma_semaphore, #tpu.memory_space<semaphore_mem>>) {add = true}
    %dma_wait3A_240 = arith.constant 0 : i32
    %dma_wait3A_241 = arith.constant 0 : i32
    %dma_wait3A_242 = tpu.memref_slice %arg10[%dma_wait3A_240, %dma_wait3A_241] : memref<128x64xf32, #tpu.memory_space<vmem>> -> memref<32x64xf32, #tpu.memory_space<vmem>>
    %dma_wait3A_243 = arith.constant 9984 : i32
    %dma_wait3A_244 = tpu.memref_slice %arg9[%dma_wait3A_243] : memref<10016xi32, #tpu.memory_space<vmem>> -> memref<32xi32, #tpu.memory_space<vmem>>
    %dma_wait3A_245 = arith.constant 0 : i32
    %dma_wait3A_246 = arith.constant 0 : i32
    %dma_wait3A_247 = tpu.memref_slice %arg6[%dma_wait3A_245, %dma_wait3A_246] : memref<10000x64xf32, #tpu.memory_space<vmem_shared>> -> memref<10000x64xf32, #tpu.memory_space<vmem_shared>>
    tpu.wait_indirect_dma semaphore(%arg16 : memref<!tpu.dma_semaphore, #tpu.memory_space<semaphore_mem>>) src(%dma_wait3A_242 : memref<32x64xf32, #tpu.memory_space<vmem>>) dst(%dma_wait3A_247 : memref<10000x64xf32, #tpu.memory_space<vmem_shared>>)
    %barrier3A_248 = arith.constant 0 : index
    tpu.barrier barrier_id(%barrier3A_248)
    %mul3A_249 = arith.constant 625 : i32
    %mul3A_250 = arith.muli %arg1, %mul3A_249 : i32
    %add3A_251 = arith.constant 0 : i32
    %add3A_252 = arith.addi %mul3A_250, %add3A_251 : i32
    "tpu.region"() ({
      %run_scoped3A_269 = tpu.sem_alloc : memref<!tpu.dma_semaphore, #tpu.memory_space<semaphore_mem>>
      %dma_start3A_270 = arith.constant 0 : i32
      %dma_start3A_271 = arith.constant 0 : i32
      %dma_start3A_272 = tpu.memref_slice %arg10[%dma_start3A_270, %dma_start3A_271] : memref<128x64xf32, #tpu.memory_space<vmem>> -> memref<125x64xf32, #tpu.memory_space<vmem>>
      %dma_start3A_273 = arith.constant 0 : i32
      %dma_start3A_274 = tpu.memref_slice %arg6[%add3A_252, %dma_start3A_273] : memref<10000x64xf32, #tpu.memory_space<vmem_shared>> -> memref<125x64xf32, #tpu.memory_space<vmem_shared>>
      %dma_start3A_275 = arith.constant 0 : i32
      %dma_start3A_276 = arith.constant 0 : i32
      %dma_start3A_277 = tpu.memref_slice %arg10[%dma_start3A_275, %dma_start3A_276] : memref<128x64xf32, #tpu.memory_space<vmem>> -> memref<125x64xf32, #tpu.memory_space<vmem>>
      %dma_start3A_278 = arith.constant 0 : i32
      %dma_start3A_279 = tpu.memref_slice %arg6[%add3A_252, %dma_start3A_278] : memref<10000x64xf32, #tpu.memory_space<vmem_shared>> -> memref<125x64xf32, #tpu.memory_space<vmem_shared>>
      tpu.enqueue_dma source(%dma_start3A_279 : memref<125x64xf32, #tpu.memory_space<vmem_shared>>) target(%dma_start3A_277 : memref<125x64xf32, #tpu.memory_space<vmem>>) target_semaphore(%run_scoped3A_269 : memref<!tpu.dma_semaphore, #tpu.memory_space<semaphore_mem>>)
      %dma_wait3A_280 = arith.constant 0 : i32
      %dma_wait3A_281 = arith.constant 0 : i32
      %dma_wait3A_282 = tpu.memref_slice %arg10[%dma_wait3A_280, %dma_wait3A_281] : memref<128x64xf32, #tpu.memory_space<vmem>> -> memref<125x64xf32, #tpu.memory_space<vmem>>
      %dma_wait3A_283 = arith.constant 0 : i32
      %dma_wait3A_284 = tpu.memref_slice %arg6[%add3A_252, %dma_wait3A_283] : memref<10000x64xf32, #tpu.memory_space<vmem_shared>> -> memref<125x64xf32, #tpu.memory_space<vmem_shared>>
      %dma_wait3A_285 = arith.constant 0 : i32
      %dma_wait3A_286 = arith.constant 0 : i32
      %dma_wait3A_287 = tpu.memref_slice %arg10[%dma_wait3A_285, %dma_wait3A_286] : memref<128x64xf32, #tpu.memory_space<vmem>> -> memref<125x64xf32, #tpu.memory_space<vmem>>
      %dma_wait3A_288 = arith.constant 0 : i32
      %dma_wait3A_289 = tpu.memref_slice %arg6[%add3A_252, %dma_wait3A_288] : memref<10000x64xf32, #tpu.memory_space<vmem_shared>> -> memref<125x64xf32, #tpu.memory_space<vmem_shared>>
      tpu.wait_dma2 semaphore(%run_scoped3A_269 : memref<!tpu.dma_semaphore, #tpu.memory_space<semaphore_mem>>) src(%dma_wait3A_289 : memref<125x64xf32, #tpu.memory_space<vmem_shared>>) dst(%dma_wait3A_287 : memref<125x64xf32, #tpu.memory_space<vmem>>)
      tpu.yield
    }) : () -> ()
    "tpu.region"() ({
      %run_scoped3A_269 = tpu.sem_alloc : memref<!tpu.dma_semaphore, #tpu.memory_space<semaphore_mem>>
      %dma_start3A_270 = arith.constant 0 : i32
      %dma_start3A_271 = arith.constant 0 : i32
      %dma_start3A_272 = tpu.memref_slice %arg10[%dma_start3A_270, %dma_start3A_271] : memref<128x64xf32, #tpu.memory_space<vmem>> -> memref<125x64xf32, #tpu.memory_space<vmem>>
      %dma_start3A_273 = arith.constant 0 : i32
      %dma_start3A_274 = tpu.memref_slice %arg5[%arg0, %add3A_252, %dma_start3A_273] : memref<2x10000x64xf32, #tpu.memory_space<hbm>> -> memref<1x125x64xf32, #tpu.memory_space<hbm>>
      %dma_start3A_275 = tpu.memref_squeeze %dma_start3A_274 : memref<1x125x64xf32, #tpu.memory_space<hbm>> -> memref<125x64xf32, #tpu.memory_space<hbm>>
      %dma_start3A_276 = arith.constant 0 : i32
      %dma_start3A_277 = tpu.memref_slice %arg5[%arg0, %add3A_252, %dma_start3A_276] : memref<2x10000x64xf32, #tpu.memory_space<hbm>> -> memref<1x125x64xf32, #tpu.memory_space<hbm>>
      %dma_start3A_278 = tpu.memref_squeeze %dma_start3A_277 : memref<1x125x64xf32, #tpu.memory_space<hbm>> -> memref<125x64xf32, #tpu.memory_space<hbm>>
      %dma_start3A_279 = arith.constant 0 : i32
      %dma_start3A_280 = arith.constant 0 : i32
      %dma_start3A_281 = tpu.memref_slice %arg10[%dma_start3A_279, %dma_start3A_280] : memref<128x64xf32, #tpu.memory_space<vmem>> -> memref<125x64xf32, #tpu.memory_space<vmem>>
      tpu.enqueue_dma source(%dma_start3A_281 : memref<125x64xf32, #tpu.memory_space<vmem>>) target(%dma_start3A_278 : memref<125x64xf32, #tpu.memory_space<hbm>>) target_semaphore(%run_scoped3A_269 : memref<!tpu.dma_semaphore, #tpu.memory_space<semaphore_mem>>)
      %dma_wait3A_282 = arith.constant 0 : i32
      %dma_wait3A_283 = arith.constant 0 : i32
      %dma_wait3A_284 = tpu.memref_slice %arg10[%dma_wait3A_282, %dma_wait3A_283] : memref<128x64xf32, #tpu.memory_space<vmem>> -> memref<125x64xf32, #tpu.memory_space<vmem>>
      %dma_wait3A_285 = arith.constant 0 : i32
      %dma_wait3A_286 = tpu.memref_slice %arg5[%arg0, %add3A_252, %dma_wait3A_285] : memref<2x10000x64xf32, #tpu.memory_space<hbm>> -> memref<1x125x64xf32, #tpu.memory_space<hbm>>
      %dma_wait3A_287 = tpu.memref_squeeze %dma_wait3A_286 : memref<1x125x64xf32, #tpu.memory_space<hbm>> -> memref<125x64xf32, #tpu.memory_space<hbm>>
      %dma_wait3A_288 = arith.constant 0 : i32
      %dma_wait3A_289 = tpu.memref_slice %arg5[%arg0, %add3A_252, %dma_wait3A_288] : memref<2x10000x64xf32, #tpu.memory_space<hbm>> -> memref<1x125x64xf32, #tpu.memory_space<hbm>>
      %dma_wait3A_290 = tpu.memref_squeeze %dma_wait3A_289 : memref<1x125x64xf32, #tpu.memory_space<hbm>> -> memref<125x64xf32, #tpu.memory_space<hbm>>
      %dma_wait3A_291 = arith.constant 0 : i32
      %dma_wait3A_292 = arith.constant 0 : i32
      %dma_wait3A_293 = tpu.memref_slice %arg10[%dma_wait3A_291, %dma_wait3A_292] : memref<128x64xf32, #tpu.memory_space<vmem>> -> memref<125x64xf32, #tpu.memory_space<vmem>>
      tpu.wait_dma2 semaphore(%run_scoped3A_269 : memref<!tpu.dma_semaphore, #tpu.memory_space<semaphore_mem>>) src(%dma_wait3A_293 : memref<125x64xf32, #tpu.memory_space<vmem>>) dst(%dma_wait3A_290 : memref<125x64xf32, #tpu.memory_space<hbm>>)
      tpu.yield
    }) : () -> ()
    %mul3A_253 = arith.constant 625 : i32
    %mul3A_254 = arith.muli %arg1, %mul3A_253 : i32
    %add3A_255 = arith.constant 125 : i32
    %add3A_256 = arith.addi %mul3A_254, %add3A_255 : i32
    "tpu.region"() ({
      %run_scoped3A_269 = tpu.sem_alloc : memref<!tpu.dma_semaphore, #tpu.memory_space<semaphore_mem>>
      %dma_start3A_270 = arith.constant 0 : i32
      %dma_start3A_271 = arith.constant 0 : i32
      %dma_start3A_272 = tpu.memref_slice %arg10[%dma_start3A_270, %dma_start3A_271] : memref<128x64xf32, #tpu.memory_space<vmem>> -> memref<125x64xf32, #tpu.memory_space<vmem>>
      %dma_start3A_273 = arith.constant 0 : i32
      %dma_start3A_274 = tpu.memref_slice %arg6[%add3A_256, %dma_start3A_273] : memref<10000x64xf32, #tpu.memory_space<vmem_shared>> -> memref<125x64xf32, #tpu.memory_space<vmem_shared>>
      %dma_start3A_275 = arith.constant 0 : i32
      %dma_start3A_276 = arith.constant 0 : i32
      %dma_start3A_277 = tpu.memref_slice %arg10[%dma_start3A_275, %dma_start3A_276] : memref<128x64xf32, #tpu.memory_space<vmem>> -> memref<125x64xf32, #tpu.memory_space<vmem>>
      %dma_start3A_278 = arith.constant 0 : i32
      %dma_start3A_279 = tpu.memref_slice %arg6[%add3A_256, %dma_start3A_278] : memref<10000x64xf32, #tpu.memory_space<vmem_shared>> -> memref<125x64xf32, #tpu.memory_space<vmem_shared>>
      tpu.enqueue_dma source(%dma_start3A_279 : memref<125x64xf32, #tpu.memory_space<vmem_shared>>) target(%dma_start3A_277 : memref<125x64xf32, #tpu.memory_space<vmem>>) target_semaphore(%run_scoped3A_269 : memref<!tpu.dma_semaphore, #tpu.memory_space<semaphore_mem>>)
      %dma_wait3A_280 = arith.constant 0 : i32
      %dma_wait3A_281 = arith.constant 0 : i32
      %dma_wait3A_282 = tpu.memref_slice %arg10[%dma_wait3A_280, %dma_wait3A_281] : memref<128x64xf32, #tpu.memory_space<vmem>> -> memref<125x64xf32, #tpu.memory_space<vmem>>
      %dma_wait3A_283 = arith.constant 0 : i32
      %dma_wait3A_284 = tpu.memref_slice %arg6[%add3A_256, %dma_wait3A_283] : memref<10000x64xf32, #tpu.memory_space<vmem_shared>> -> memref<125x64xf32, #tpu.memory_space<vmem_shared>>
      %dma_wait3A_285 = arith.constant 0 : i32
      %dma_wait3A_286 = arith.constant 0 : i32
      %dma_wait3A_287 = tpu.memref_slice %arg10[%dma_wait3A_285, %dma_wait3A_286] : memref<128x64xf32, #tpu.memory_space<vmem>> -> memref<125x64xf32, #tpu.memory_space<vmem>>
      %dma_wait3A_288 = arith.constant 0 : i32
      %dma_wait3A_289 = tpu.memref_slice %arg6[%add3A_256, %dma_wait3A_288] : memref<10000x64xf32, #tpu.memory_space<vmem_shared>> -> memref<125x64xf32, #tpu.memory_space<vmem_shared>>
      tpu.wait_dma2 semaphore(%run_scoped3A_269 : memref<!tpu.dma_semaphore, #tpu.memory_space<semaphore_mem>>) src(%dma_wait3A_289 : memref<125x64xf32, #tpu.memory_space<vmem_shared>>) dst(%dma_wait3A_287 : memref<125x64xf32, #tpu.memory_space<vmem>>)
      tpu.yield
    }) : () -> ()
    "tpu.region"() ({
      %run_scoped3A_269 = tpu.sem_alloc : memref<!tpu.dma_semaphore, #tpu.memory_space<semaphore_mem>>
      %dma_start3A_270 = arith.constant 0 : i32
      %dma_start3A_271 = arith.constant 0 : i32
      %dma_start3A_272 = tpu.memref_slice %arg10[%dma_start3A_270, %dma_start3A_271] : memref<128x64xf32, #tpu.memory_space<vmem>> -> memref<125x64xf32, #tpu.memory_space<vmem>>
      %dma_start3A_273 = arith.constant 0 : i32
      %dma_start3A_274 = tpu.memref_slice %arg5[%arg0, %add3A_256, %dma_start3A_273] : memref<2x10000x64xf32, #tpu.memory_space<hbm>> -> memref<1x125x64xf32, #tpu.memory_space<hbm>>
      %dma_start3A_275 = tpu.memref_squeeze %dma_start3A_274 : memref<1x125x64xf32, #tpu.memory_space<hbm>> -> memref<125x64xf32, #tpu.memory_space<hbm>>
      %dma_start3A_276 = arith.constant 0 : i32
      %dma_start3A_277 = tpu.memref_slice %arg5[%arg0, %add3A_256, %dma_start3A_276] : memref<2x10000x64xf32, #tpu.memory_space<hbm>> -> memref<1x125x64xf32, #tpu.memory_space<hbm>>
      %dma_start3A_278 = tpu.memref_squeeze %dma_start3A_277 : memref<1x125x64xf32, #tpu.memory_space<hbm>> -> memref<125x64xf32, #tpu.memory_space<hbm>>
      %dma_start3A_279 = arith.constant 0 : i32
      %dma_start3A_280 = arith.constant 0 : i32
      %dma_start3A_281 = tpu.memref_slice %arg10[%dma_start3A_279, %dma_start3A_280] : memref<128x64xf32, #tpu.memory_space<vmem>> -> memref<125x64xf32, #tpu.memory_space<vmem>>
      tpu.enqueue_dma source(%dma_start3A_281 : memref<125x64xf32, #tpu.memory_space<vmem>>) target(%dma_start3A_278 : memref<125x64xf32, #tpu.memory_space<hbm>>) target_semaphore(%run_scoped3A_269 : memref<!tpu.dma_semaphore, #tpu.memory_space<semaphore_mem>>)
      %dma_wait3A_282 = arith.constant 0 : i32
      %dma_wait3A_283 = arith.constant 0 : i32
      %dma_wait3A_284 = tpu.memref_slice %arg10[%dma_wait3A_282, %dma_wait3A_283] : memref<128x64xf32, #tpu.memory_space<vmem>> -> memref<125x64xf32, #tpu.memory_space<vmem>>
      %dma_wait3A_285 = arith.constant 0 : i32
      %dma_wait3A_286 = tpu.memref_slice %arg5[%arg0, %add3A_256, %dma_wait3A_285] : memref<2x10000x64xf32, #tpu.memory_space<hbm>> -> memref<1x125x64xf32, #tpu.memory_space<hbm>>
      %dma_wait3A_287 = tpu.memref_squeeze %dma_wait3A_286 : memref<1x125x64xf32, #tpu.memory_space<hbm>> -> memref<125x64xf32, #tpu.memory_space<hbm>>
      %dma_wait3A_288 = arith.constant 0 : i32
      %dma_wait3A_289 = tpu.memref_slice %arg5[%arg0, %add3A_256, %dma_wait3A_288] : memref<2x10000x64xf32, #tpu.memory_space<hbm>> -> memref<1x125x64xf32, #tpu.memory_space<hbm>>
      %dma_wait3A_290 = tpu.memref_squeeze %dma_wait3A_289 : memref<1x125x64xf32, #tpu.memory_space<hbm>> -> memref<125x64xf32, #tpu.memory_space<hbm>>
      %dma_wait3A_291 = arith.constant 0 : i32
      %dma_wait3A_292 = arith.constant 0 : i32
      %dma_wait3A_293 = tpu.memref_slice %arg10[%dma_wait3A_291, %dma_wait3A_292] : memref<128x64xf32, #tpu.memory_space<vmem>> -> memref<125x64xf32, #tpu.memory_space<vmem>>
      tpu.wait_dma2 semaphore(%run_scoped3A_269 : memref<!tpu.dma_semaphore, #tpu.memory_space<semaphore_mem>>) src(%dma_wait3A_293 : memref<125x64xf32, #tpu.memory_space<vmem>>) dst(%dma_wait3A_290 : memref<125x64xf32, #tpu.memory_space<hbm>>)
      tpu.yield
    }) : () -> ()
    %mul3A_257 = arith.constant 625 : i32
    %mul3A_258 = arith.muli %arg1, %mul3A_257 : i32
    %add3A_259 = arith.constant 250 : i32
    %add3A_260 = arith.addi %mul3A_258, %add3A_259 : i32
    "tpu.region"() ({
      %run_scoped3A_269 = tpu.sem_alloc : memref<!tpu.dma_semaphore, #tpu.memory_space<semaphore_mem>>
      %dma_start3A_270 = arith.constant 0 : i32
      %dma_start3A_271 = arith.constant 0 : i32
      %dma_start3A_272 = tpu.memref_slice %arg10[%dma_start3A_270, %dma_start3A_271] : memref<128x64xf32, #tpu.memory_space<vmem>> -> memref<125x64xf32, #tpu.memory_space<vmem>>
      %dma_start3A_273 = arith.constant 0 : i32
      %dma_start3A_274 = tpu.memref_slice %arg6[%add3A_260, %dma_start3A_273] : memref<10000x64xf32, #tpu.memory_space<vmem_shared>> -> memref<125x64xf32, #tpu.memory_space<vmem_shared>>
      %dma_start3A_275 = arith.constant 0 : i32
      %dma_start3A_276 = arith.constant 0 : i32
      %dma_start3A_277 = tpu.memref_slice %arg10[%dma_start3A_275, %dma_start3A_276] : memref<128x64xf32, #tpu.memory_space<vmem>> -> memref<125x64xf32, #tpu.memory_space<vmem>>
      %dma_start3A_278 = arith.constant 0 : i32
      %dma_start3A_279 = tpu.memref_slice %arg6[%add3A_260, %dma_start3A_278] : memref<10000x64xf32, #tpu.memory_space<vmem_shared>> -> memref<125x64xf32, #tpu.memory_space<vmem_shared>>
      tpu.enqueue_dma source(%dma_start3A_279 : memref<125x64xf32, #tpu.memory_space<vmem_shared>>) target(%dma_start3A_277 : memref<125x64xf32, #tpu.memory_space<vmem>>) target_semaphore(%run_scoped3A_269 : memref<!tpu.dma_semaphore, #tpu.memory_space<semaphore_mem>>)
      %dma_wait3A_280 = arith.constant 0 : i32
      %dma_wait3A_281 = arith.constant 0 : i32
      %dma_wait3A_282 = tpu.memref_slice %arg10[%dma_wait3A_280, %dma_wait3A_281] : memref<128x64xf32, #tpu.memory_space<vmem>> -> memref<125x64xf32, #tpu.memory_space<vmem>>
      %dma_wait3A_283 = arith.constant 0 : i32
      %dma_wait3A_284 = tpu.memref_slice %arg6[%add3A_260, %dma_wait3A_283] : memref<10000x64xf32, #tpu.memory_space<vmem_shared>> -> memref<125x64xf32, #tpu.memory_space<vmem_shared>>
      %dma_wait3A_285 = arith.constant 0 : i32
      %dma_wait3A_286 = arith.constant 0 : i32
      %dma_wait3A_287 = tpu.memref_slice %arg10[%dma_wait3A_285, %dma_wait3A_286] : memref<128x64xf32, #tpu.memory_space<vmem>> -> memref<125x64xf32, #tpu.memory_space<vmem>>
      %dma_wait3A_288 = arith.constant 0 : i32
      %dma_wait3A_289 = tpu.memref_slice %arg6[%add3A_260, %dma_wait3A_288] : memref<10000x64xf32, #tpu.memory_space<vmem_shared>> -> memref<125x64xf32, #tpu.memory_space<vmem_shared>>
      tpu.wait_dma2 semaphore(%run_scoped3A_269 : memref<!tpu.dma_semaphore, #tpu.memory_space<semaphore_mem>>) src(%dma_wait3A_289 : memref<125x64xf32, #tpu.memory_space<vmem_shared>>) dst(%dma_wait3A_287 : memref<125x64xf32, #tpu.memory_space<vmem>>)
      tpu.yield
    }) : () -> ()
    "tpu.region"() ({
      %run_scoped3A_269 = tpu.sem_alloc : memref<!tpu.dma_semaphore, #tpu.memory_space<semaphore_mem>>
      %dma_start3A_270 = arith.constant 0 : i32
      %dma_start3A_271 = arith.constant 0 : i32
      %dma_start3A_272 = tpu.memref_slice %arg10[%dma_start3A_270, %dma_start3A_271] : memref<128x64xf32, #tpu.memory_space<vmem>> -> memref<125x64xf32, #tpu.memory_space<vmem>>
      %dma_start3A_273 = arith.constant 0 : i32
      %dma_start3A_274 = tpu.memref_slice %arg5[%arg0, %add3A_260, %dma_start3A_273] : memref<2x10000x64xf32, #tpu.memory_space<hbm>> -> memref<1x125x64xf32, #tpu.memory_space<hbm>>
      %dma_start3A_275 = tpu.memref_squeeze %dma_start3A_274 : memref<1x125x64xf32, #tpu.memory_space<hbm>> -> memref<125x64xf32, #tpu.memory_space<hbm>>
      %dma_start3A_276 = arith.constant 0 : i32
      %dma_start3A_277 = tpu.memref_slice %arg5[%arg0, %add3A_260, %dma_start3A_276] : memref<2x10000x64xf32, #tpu.memory_space<hbm>> -> memref<1x125x64xf32, #tpu.memory_space<hbm>>
      %dma_start3A_278 = tpu.memref_squeeze %dma_start3A_277 : memref<1x125x64xf32, #tpu.memory_space<hbm>> -> memref<125x64xf32, #tpu.memory_space<hbm>>
      %dma_start3A_279 = arith.constant 0 : i32
      %dma_start3A_280 = arith.constant 0 : i32
      %dma_start3A_281 = tpu.memref_slice %arg10[%dma_start3A_279, %dma_start3A_280] : memref<128x64xf32, #tpu.memory_space<vmem>> -> memref<125x64xf32, #tpu.memory_space<vmem>>
      tpu.enqueue_dma source(%dma_start3A_281 : memref<125x64xf32, #tpu.memory_space<vmem>>) target(%dma_start3A_278 : memref<125x64xf32, #tpu.memory_space<hbm>>) target_semaphore(%run_scoped3A_269 : memref<!tpu.dma_semaphore, #tpu.memory_space<semaphore_mem>>)
      %dma_wait3A_282 = arith.constant 0 : i32
      %dma_wait3A_283 = arith.constant 0 : i32
      %dma_wait3A_284 = tpu.memref_slice %arg10[%dma_wait3A_282, %dma_wait3A_283] : memref<128x64xf32, #tpu.memory_space<vmem>> -> memref<125x64xf32, #tpu.memory_space<vmem>>
      %dma_wait3A_285 = arith.constant 0 : i32
      %dma_wait3A_286 = tpu.memref_slice %arg5[%arg0, %add3A_260, %dma_wait3A_285] : memref<2x10000x64xf32, #tpu.memory_space<hbm>> -> memref<1x125x64xf32, #tpu.memory_space<hbm>>
      %dma_wait3A_287 = tpu.memref_squeeze %dma_wait3A_286 : memref<1x125x64xf32, #tpu.memory_space<hbm>> -> memref<125x64xf32, #tpu.memory_space<hbm>>
      %dma_wait3A_288 = arith.constant 0 : i32
      %dma_wait3A_289 = tpu.memref_slice %arg5[%arg0, %add3A_260, %dma_wait3A_288] : memref<2x10000x64xf32, #tpu.memory_space<hbm>> -> memref<1x125x64xf32, #tpu.memory_space<hbm>>
      %dma_wait3A_290 = tpu.memref_squeeze %dma_wait3A_289 : memref<1x125x64xf32, #tpu.memory_space<hbm>> -> memref<125x64xf32, #tpu.memory_space<hbm>>
      %dma_wait3A_291 = arith.constant 0 : i32
      %dma_wait3A_292 = arith.constant 0 : i32
      %dma_wait3A_293 = tpu.memref_slice %arg10[%dma_wait3A_291, %dma_wait3A_292] : memref<128x64xf32, #tpu.memory_space<vmem>> -> memref<125x64xf32, #tpu.memory_space<vmem>>
      tpu.wait_dma2 semaphore(%run_scoped3A_269 : memref<!tpu.dma_semaphore, #tpu.memory_space<semaphore_mem>>) src(%dma_wait3A_293 : memref<125x64xf32, #tpu.memory_space<vmem>>) dst(%dma_wait3A_290 : memref<125x64xf32, #tpu.memory_space<hbm>>)
      tpu.yield
    }) : () -> ()
    %mul3A_261 = arith.constant 625 : i32
    %mul3A_262 = arith.muli %arg1, %mul3A_261 : i32
    %add3A_263 = arith.constant 375 : i32
    %add3A_264 = arith.addi %mul3A_262, %add3A_263 : i32
    "tpu.region"() ({
      %run_scoped3A_269 = tpu.sem_alloc : memref<!tpu.dma_semaphore, #tpu.memory_space<semaphore_mem>>
      %dma_start3A_270 = arith.constant 0 : i32
      %dma_start3A_271 = arith.constant 0 : i32
      %dma_start3A_272 = tpu.memref_slice %arg10[%dma_start3A_270, %dma_start3A_271] : memref<128x64xf32, #tpu.memory_space<vmem>> -> memref<125x64xf32, #tpu.memory_space<vmem>>
      %dma_start3A_273 = arith.constant 0 : i32
      %dma_start3A_274 = tpu.memref_slice %arg6[%add3A_264, %dma_start3A_273] : memref<10000x64xf32, #tpu.memory_space<vmem_shared>> -> memref<125x64xf32, #tpu.memory_space<vmem_shared>>
      %dma_start3A_275 = arith.constant 0 : i32
      %dma_start3A_276 = arith.constant 0 : i32
      %dma_start3A_277 = tpu.memref_slice %arg10[%dma_start3A_275, %dma_start3A_276] : memref<128x64xf32, #tpu.memory_space<vmem>> -> memref<125x64xf32, #tpu.memory_space<vmem>>
      %dma_start3A_278 = arith.constant 0 : i32
      %dma_start3A_279 = tpu.memref_slice %arg6[%add3A_264, %dma_start3A_278] : memref<10000x64xf32, #tpu.memory_space<vmem_shared>> -> memref<125x64xf32, #tpu.memory_space<vmem_shared>>
      tpu.enqueue_dma source(%dma_start3A_279 : memref<125x64xf32, #tpu.memory_space<vmem_shared>>) target(%dma_start3A_277 : memref<125x64xf32, #tpu.memory_space<vmem>>) target_semaphore(%run_scoped3A_269 : memref<!tpu.dma_semaphore, #tpu.memory_space<semaphore_mem>>)
      %dma_wait3A_280 = arith.constant 0 : i32
      %dma_wait3A_281 = arith.constant 0 : i32
      %dma_wait3A_282 = tpu.memref_slice %arg10[%dma_wait3A_280, %dma_wait3A_281] : memref<128x64xf32, #tpu.memory_space<vmem>> -> memref<125x64xf32, #tpu.memory_space<vmem>>
      %dma_wait3A_283 = arith.constant 0 : i32
      %dma_wait3A_284 = tpu.memref_slice %arg6[%add3A_264, %dma_wait3A_283] : memref<10000x64xf32, #tpu.memory_space<vmem_shared>> -> memref<125x64xf32, #tpu.memory_space<vmem_shared>>
      %dma_wait3A_285 = arith.constant 0 : i32
      %dma_wait3A_286 = arith.constant 0 : i32
      %dma_wait3A_287 = tpu.memref_slice %arg10[%dma_wait3A_285, %dma_wait3A_286] : memref<128x64xf32, #tpu.memory_space<vmem>> -> memref<125x64xf32, #tpu.memory_space<vmem>>
      %dma_wait3A_288 = arith.constant 0 : i32
      %dma_wait3A_289 = tpu.memref_slice %arg6[%add3A_264, %dma_wait3A_288] : memref<10000x64xf32, #tpu.memory_space<vmem_shared>> -> memref<125x64xf32, #tpu.memory_space<vmem_shared>>
      tpu.wait_dma2 semaphore(%run_scoped3A_269 : memref<!tpu.dma_semaphore, #tpu.memory_space<semaphore_mem>>) src(%dma_wait3A_289 : memref<125x64xf32, #tpu.memory_space<vmem_shared>>) dst(%dma_wait3A_287 : memref<125x64xf32, #tpu.memory_space<vmem>>)
      tpu.yield
    }) : () -> ()
    "tpu.region"() ({
      %run_scoped3A_269 = tpu.sem_alloc : memref<!tpu.dma_semaphore, #tpu.memory_space<semaphore_mem>>
      %dma_start3A_270 = arith.constant 0 : i32
      %dma_start3A_271 = arith.constant 0 : i32
      %dma_start3A_272 = tpu.memref_slice %arg10[%dma_start3A_270, %dma_start3A_271] : memref<128x64xf32, #tpu.memory_space<vmem>> -> memref<125x64xf32, #tpu.memory_space<vmem>>
      %dma_start3A_273 = arith.constant 0 : i32
      %dma_start3A_274 = tpu.memref_slice %arg5[%arg0, %add3A_264, %dma_start3A_273] : memref<2x10000x64xf32, #tpu.memory_space<hbm>> -> memref<1x125x64xf32, #tpu.memory_space<hbm>>
      %dma_start3A_275 = tpu.memref_squeeze %dma_start3A_274 : memref<1x125x64xf32, #tpu.memory_space<hbm>> -> memref<125x64xf32, #tpu.memory_space<hbm>>
      %dma_start3A_276 = arith.constant 0 : i32
      %dma_start3A_277 = tpu.memref_slice %arg5[%arg0, %add3A_264, %dma_start3A_276] : memref<2x10000x64xf32, #tpu.memory_space<hbm>> -> memref<1x125x64xf32, #tpu.memory_space<hbm>>
      %dma_start3A_278 = tpu.memref_squeeze %dma_start3A_277 : memref<1x125x64xf32, #tpu.memory_space<hbm>> -> memref<125x64xf32, #tpu.memory_space<hbm>>
      %dma_start3A_279 = arith.constant 0 : i32
      %dma_start3A_280 = arith.constant 0 : i32
      %dma_start3A_281 = tpu.memref_slice %arg10[%dma_start3A_279, %dma_start3A_280] : memref<128x64xf32, #tpu.memory_space<vmem>> -> memref<125x64xf32, #tpu.memory_space<vmem>>
      tpu.enqueue_dma source(%dma_start3A_281 : memref<125x64xf32, #tpu.memory_space<vmem>>) target(%dma_start3A_278 : memref<125x64xf32, #tpu.memory_space<hbm>>) target_semaphore(%run_scoped3A_269 : memref<!tpu.dma_semaphore, #tpu.memory_space<semaphore_mem>>)
      %dma_wait3A_282 = arith.constant 0 : i32
      %dma_wait3A_283 = arith.constant 0 : i32
      %dma_wait3A_284 = tpu.memref_slice %arg10[%dma_wait3A_282, %dma_wait3A_283] : memref<128x64xf32, #tpu.memory_space<vmem>> -> memref<125x64xf32, #tpu.memory_space<vmem>>
      %dma_wait3A_285 = arith.constant 0 : i32
      %dma_wait3A_286 = tpu.memref_slice %arg5[%arg0, %add3A_264, %dma_wait3A_285] : memref<2x10000x64xf32, #tpu.memory_space<hbm>> -> memref<1x125x64xf32, #tpu.memory_space<hbm>>
      %dma_wait3A_287 = tpu.memref_squeeze %dma_wait3A_286 : memref<1x125x64xf32, #tpu.memory_space<hbm>> -> memref<125x64xf32, #tpu.memory_space<hbm>>
      %dma_wait3A_288 = arith.constant 0 : i32
      %dma_wait3A_289 = tpu.memref_slice %arg5[%arg0, %add3A_264, %dma_wait3A_288] : memref<2x10000x64xf32, #tpu.memory_space<hbm>> -> memref<1x125x64xf32, #tpu.memory_space<hbm>>
      %dma_wait3A_290 = tpu.memref_squeeze %dma_wait3A_289 : memref<1x125x64xf32, #tpu.memory_space<hbm>> -> memref<125x64xf32, #tpu.memory_space<hbm>>
      %dma_wait3A_291 = arith.constant 0 : i32
      %dma_wait3A_292 = arith.constant 0 : i32
      %dma_wait3A_293 = tpu.memref_slice %arg10[%dma_wait3A_291, %dma_wait3A_292] : memref<128x64xf32, #tpu.memory_space<vmem>> -> memref<125x64xf32, #tpu.memory_space<vmem>>
      tpu.wait_dma2 semaphore(%run_scoped3A_269 : memref<!tpu.dma_semaphore, #tpu.memory_space<semaphore_mem>>) src(%dma_wait3A_293 : memref<125x64xf32, #tpu.memory_space<vmem>>) dst(%dma_wait3A_290 : memref<125x64xf32, #tpu.memory_space<hbm>>)
      tpu.yield
    }) : () -> ()
    %mul3A_265 = arith.constant 625 : i32
    %mul3A_266 = arith.muli %arg1, %mul3A_265 : i32
    %add3A_267 = arith.constant 500 : i32
    %add3A_268 = arith.addi %mul3A_266, %add3A_267 : i32
    "tpu.region"() ({
      %run_scoped3A_269 = tpu.sem_alloc : memref<!tpu.dma_semaphore, #tpu.memory_space<semaphore_mem>>
      %dma_start3A_270 = arith.constant 0 : i32
      %dma_start3A_271 = arith.constant 0 : i32
      %dma_start3A_272 = tpu.memref_slice %arg10[%dma_start3A_270, %dma_start3A_271] : memref<128x64xf32, #tpu.memory_space<vmem>> -> memref<125x64xf32, #tpu.memory_space<vmem>>
      %dma_start3A_273 = arith.constant 0 : i32
      %dma_start3A_274 = tpu.memref_slice %arg6[%add3A_268, %dma_start3A_273] : memref<10000x64xf32, #tpu.memory_space<vmem_shared>> -> memref<125x64xf32, #tpu.memory_space<vmem_shared>>
      %dma_start3A_275 = arith.constant 0 : i32
      %dma_start3A_276 = arith.constant 0 : i32
      %dma_start3A_277 = tpu.memref_slice %arg10[%dma_start3A_275, %dma_start3A_276] : memref<128x64xf32, #tpu.memory_space<vmem>> -> memref<125x64xf32, #tpu.memory_space<vmem>>
      %dma_start3A_278 = arith.constant 0 : i32
      %dma_start3A_279 = tpu.memref_slice %arg6[%add3A_268, %dma_start3A_278] : memref<10000x64xf32, #tpu.memory_space<vmem_shared>> -> memref<125x64xf32, #tpu.memory_space<vmem_shared>>
      tpu.enqueue_dma source(%dma_start3A_279 : memref<125x64xf32, #tpu.memory_space<vmem_shared>>) target(%dma_start3A_277 : memref<125x64xf32, #tpu.memory_space<vmem>>) target_semaphore(%run_scoped3A_269 : memref<!tpu.dma_semaphore, #tpu.memory_space<semaphore_mem>>)
      %dma_wait3A_280 = arith.constant 0 : i32
      %dma_wait3A_281 = arith.constant 0 : i32
      %dma_wait3A_282 = tpu.memref_slice %arg10[%dma_wait3A_280, %dma_wait3A_281] : memref<128x64xf32, #tpu.memory_space<vmem>> -> memref<125x64xf32, #tpu.memory_space<vmem>>
      %dma_wait3A_283 = arith.constant 0 : i32
      %dma_wait3A_284 = tpu.memref_slice %arg6[%add3A_268, %dma_wait3A_283] : memref<10000x64xf32, #tpu.memory_space<vmem_shared>> -> memref<125x64xf32, #tpu.memory_space<vmem_shared>>
      %dma_wait3A_285 = arith.constant 0 : i32
      %dma_wait3A_286 = arith.constant 0 : i32
      %dma_wait3A_287 = tpu.memref_slice %arg10[%dma_wait3A_285, %dma_wait3A_286] : memref<128x64xf32, #tpu.memory_space<vmem>> -> memref<125x64xf32, #tpu.memory_space<vmem>>
      %dma_wait3A_288 = arith.constant 0 : i32
      %dma_wait3A_289 = tpu.memref_slice %arg6[%add3A_268, %dma_wait3A_288] : memref<10000x64xf32, #tpu.memory_space<vmem_shared>> -> memref<125x64xf32, #tpu.memory_space<vmem_shared>>
      tpu.wait_dma2 semaphore(%run_scoped3A_269 : memref<!tpu.dma_semaphore, #tpu.memory_space<semaphore_mem>>) src(%dma_wait3A_289 : memref<125x64xf32, #tpu.memory_space<vmem_shared>>) dst(%dma_wait3A_287 : memref<125x64xf32, #tpu.memory_space<vmem>>)
      tpu.yield
    }) : () -> ()
    "tpu.region"() ({
      %run_scoped3A_269 = tpu.sem_alloc : memref<!tpu.dma_semaphore, #tpu.memory_space<semaphore_mem>>
      %dma_start3A_270 = arith.constant 0 : i32
      %dma_start3A_271 = arith.constant 0 : i32
      %dma_start3A_272 = tpu.memref_slice %arg10[%dma_start3A_270, %dma_start3A_271] : memref<128x64xf32, #tpu.memory_space<vmem>> -> memref<125x64xf32, #tpu.memory_space<vmem>>
      %dma_start3A_273 = arith.constant 0 : i32
      %dma_start3A_274 = tpu.memref_slice %arg5[%arg0, %add3A_268, %dma_start3A_273] : memref<2x10000x64xf32, #tpu.memory_space<hbm>> -> memref<1x125x64xf32, #tpu.memory_space<hbm>>
      %dma_start3A_275 = tpu.memref_squeeze %dma_start3A_274 : memref<1x125x64xf32, #tpu.memory_space<hbm>> -> memref<125x64xf32, #tpu.memory_space<hbm>>
      %dma_start3A_276 = arith.constant 0 : i32
      %dma_start3A_277 = tpu.memref_slice %arg5[%arg0, %add3A_268, %dma_start3A_276] : memref<2x10000x64xf32, #tpu.memory_space<hbm>> -> memref<1x125x64xf32, #tpu.memory_space<hbm>>
      %dma_start3A_278 = tpu.memref_squeeze %dma_start3A_277 : memref<1x125x64xf32, #tpu.memory_space<hbm>> -> memref<125x64xf32, #tpu.memory_space<hbm>>
      %dma_start3A_279 = arith.constant 0 : i32
      %dma_start3A_280 = arith.constant 0 : i32
      %dma_start3A_281 = tpu.memref_slice %arg10[%dma_start3A_279, %dma_start3A_280] : memref<128x64xf32, #tpu.memory_space<vmem>> -> memref<125x64xf32, #tpu.memory_space<vmem>>
      tpu.enqueue_dma source(%dma_start3A_281 : memref<125x64xf32, #tpu.memory_space<vmem>>) target(%dma_start3A_278 : memref<125x64xf32, #tpu.memory_space<hbm>>) target_semaphore(%run_scoped3A_269 : memref<!tpu.dma_semaphore, #tpu.memory_space<semaphore_mem>>)
      %dma_wait3A_282 = arith.constant 0 : i32
      %dma_wait3A_283 = arith.constant 0 : i32
      %dma_wait3A_284 = tpu.memref_slice %arg10[%dma_wait3A_282, %dma_wait3A_283] : memref<128x64xf32, #tpu.memory_space<vmem>> -> memref<125x64xf32, #tpu.memory_space<vmem>>
      %dma_wait3A_285 = arith.constant 0 : i32
      %dma_wait3A_286 = tpu.memref_slice %arg5[%arg0, %add3A_268, %dma_wait3A_285] : memref<2x10000x64xf32, #tpu.memory_space<hbm>> -> memref<1x125x64xf32, #tpu.memory_space<hbm>>
      %dma_wait3A_287 = tpu.memref_squeeze %dma_wait3A_286 : memref<1x125x64xf32, #tpu.memory_space<hbm>> -> memref<125x64xf32, #tpu.memory_space<hbm>>
      %dma_wait3A_288 = arith.constant 0 : i32
      %dma_wait3A_289 = tpu.memref_slice %arg5[%arg0, %add3A_268, %dma_wait3A_288] : memref<2x10000x64xf32, #tpu.memory_space<hbm>> -> memref<1x125x64xf32, #tpu.memory_space<hbm>>
      %dma_wait3A_290 = tpu.memref_squeeze %dma_wait3A_289 : memref<1x125x64xf32, #tpu.memory_space<hbm>> -> memref<125x64xf32, #tpu.memory_space<hbm>>
      %dma_wait3A_291 = arith.constant 0 : i32
      %dma_wait3A_292 = arith.constant 0 : i32
      %dma_wait3A_293 = tpu.memref_slice %arg10[%dma_wait3A_291, %dma_wait3A_292] : memref<128x64xf32, #tpu.memory_space<vmem>> -> memref<125x64xf32, #tpu.memory_space<vmem>>
      tpu.wait_dma2 semaphore(%run_scoped3A_269 : memref<!tpu.dma_semaphore, #tpu.memory_space<semaphore_mem>>) src(%dma_wait3A_293 : memref<125x64xf32, #tpu.memory_space<vmem>>) dst(%dma_wait3A_290 : memref<125x64xf32, #tpu.memory_space<hbm>>)
      tpu.yield
    }) : () -> ()
    return
  }
}

module attributes {stable_mosaic.version = 14 : i64} {
  func.func @_tc_mm_body(%arg0: i32, %arg1: memref<1000x128xf32, #tpu.memory_space<vmem>>, %arg2: memref<1000x128xf32, #tpu.memory_space<vmem>>, %arg3: memref<128x128xf32, #tpu.memory_space<vmem>>, %arg4: memref<1000x128xf32, #tpu.memory_space<vmem>>) attributes {dimension_semantics = [#tpu.dimension_semantics<arbitrary>], iteration_bounds = array<i64: 10>, scalar_prefetch = 0 : i64, scratch_operands = 0 : i64, tpu.core_type = #tpu.core_type<tc>, window_params = [{transform_indices = @transform_0, window_bounds = array<i64: 1000, 128>}, {transform_indices = @transform_1, window_bounds = array<i64: 1000, 128>}, {pipeline_mode = #tpu.pipeline_mode<synchronous>, transform_indices = @transform_2, window_bounds = array<i64: 128, 128>}, {transform_indices = @transform_3, window_bounds = array<i64: 1000, 128>}]} {
    %get3A = arith.constant 0 : index
    %get3A_0 = arith.constant 0 : index
    %get3A_1 = vector.load %arg1[%get3A, %get3A_0] : memref<1000x128xf32, #tpu.memory_space<vmem>>, vector<1000x128xf32>
    %get3A_2 = arith.constant 0 : index
    %get3A_3 = arith.constant 0 : index
    %get3A_4 = vector.load %arg2[%get3A_2, %get3A_3] : memref<1000x128xf32, #tpu.memory_space<vmem>>, vector<1000x128xf32>
    %add3A = arith.addf %get3A_1, %get3A_4 : vector<1000x128xf32>
    %get3A_5 = arith.constant 0 : index
    %get3A_6 = arith.constant 0 : index
    %get3A_7 = vector.load %arg3[%get3A_5, %get3A_6] : memref<128x128xf32, #tpu.memory_space<vmem>>, vector<128x128xf32>
    %dot_general3A = arith.constant dense<0.000000e+00> : vector<1000x128xf32>
    %dot_general3A_8 = tpu.matmul %add3A, %get3A_7, %dot_general3A {dimension_numbers = #tpu.dot_dimension_numbers<[1], [0], [0], [1], [0, 0, 1, 1], [], []>, precision = #tpu.contract_precision<fp32>, transpose_lhs_hint = false} : vector<1000x128xf32>, vector<128x128xf32>, vector<1000x128xf32> -> vector<1000x128xf32>
    %swap3A = arith.constant 0 : index
    %swap3A_9 = arith.constant 0 : index
    %swap3A_10 = vector.load %arg4[%swap3A, %swap3A_9] : memref<1000x128xf32, #tpu.memory_space<vmem>>, vector<1000x128xf32>
    tpu.vector_store %arg4[%swap3A, %swap3A_9], %dot_general3A_8 {strides = array<i32>} : memref<1000x128xf32, #tpu.memory_space<vmem>>, vector<1000x128xf32>,
    return
  }
  func.func @transform_0(%arg0: i32) -> (i32, i32) {
    %c0_i32 = arith.constant 0 : i32
    %c0_i32_0 = arith.constant 0 : i32
    return %arg0, %c0_i32 : i32, i32
  }
  func.func @transform_1(%arg0: i32) -> (i32, i32) {
    %c0_i32 = arith.constant 0 : i32
    %c0_i32_0 = arith.constant 0 : i32
    return %arg0, %c0_i32 : i32, i32
  }
  func.func @transform_2(%arg0: i32) -> (i32, i32) {
    %c0_i32 = arith.constant 0 : i32
    %c0_i32_0 = arith.constant 0 : i32
    %c0_i32_1 = arith.constant 0 : i32
    return %c0_i32, %c0_i32_0 : i32, i32
  }
  func.func @transform_3(%arg0: i32) -> (i32, i32) {
    %c0_i32 = arith.constant 0 : i32
    %c0_i32_0 = arith.constant 0 : i32
    return %arg0, %c0_i32 : i32, i32
  }
}

module attributes {stable_mosaic.version = 14 : i64} {
  func.func @_tc_scale_body(%arg0: i32, %arg1: memref<1000x128xf32, #tpu.memory_space<vmem>>, %arg2: memref<1x1000x16xf32, #tpu.memory_space<vmem>>, %arg3: memref<1x1000x16xf32, #tpu.memory_space<vmem>>, %arg4: memref<1x128xf32, #tpu.memory_space<vmem>>, %arg5: memref<2x1000x64xf32, #tpu.memory_space<vmem>>, %arg6: memref<1000x128xf32, #tpu.memory_space<vmem>>) attributes {dimension_semantics = [#tpu.dimension_semantics<arbitrary>], iteration_bounds = array<i64: 10>, scalar_prefetch = 0 : i64, scratch_operands = 0 : i64, tpu.core_type = #tpu.core_type<tc>, window_params = [{transform_indices = @transform_0, window_bounds = array<i64: 1000, 128>}, {transform_indices = @transform_1, window_bounds = array<i64: 1, 1000, 16>}, {transform_indices = @transform_2, window_bounds = array<i64: 1, 1000, 16>}, {pipeline_mode = #tpu.pipeline_mode<synchronous>, transform_indices = @transform_3, window_bounds = array<i64: 1, 128>}, {transform_indices = @transform_4, window_bounds = array<i64: 2, 1000, 64>}, {transform_indices = @transform_5, window_bounds = array<i64: 1000, 128>}]} {
    %get3A = arith.constant 0 : index
    %get3A_0 = arith.constant 0 : index
    %get3A_1 = vector.load %arg1[%get3A, %get3A_0] : memref<1000x128xf32, #tpu.memory_space<vmem>>, vector<1000x128xf32>
    %get3A_2 = arith.constant 0 : index
    %get3A_3 = arith.constant 0 : index
    %get3A_4 = arith.constant 0 : index
    %get3A_5 = vector.load %arg2[%get3A_2, %get3A_3, %get3A_4] : memref<1x1000x16xf32, #tpu.memory_space<vmem>>, vector<1x1000x1xf32>
    %get3A_6 = vector.shape_cast %get3A_5 : vector<1x1000x1xf32> to vector<1000x1xf32>
    %get3A_7 = arith.constant 0 : index
    %get3A_8 = arith.constant 0 : index
    %get3A_9 = arith.constant 0 : index
    %get3A_10 = vector.load %arg3[%get3A_7, %get3A_8, %get3A_9] : memref<1x1000x16xf32, #tpu.memory_space<vmem>>, vector<1x1000x1xf32>
    %get3A_11 = vector.shape_cast %get3A_10 : vector<1x1000x1xf32> to vector<1000x1xf32>
    %add3A = arith.addf %get3A_6, %get3A_11 : vector<1000x1xf32>
    %add3A_12 = arith.constant 1.000000e+00 : f32
    %add3A_13 = vector.broadcast %add3A_12 : f32 to vector<1000x1xf32>
    %add3A_14 = arith.addf %add3A, %add3A_13 : vector<1000x1xf32>
    %rsqrt3A = math.rsqrt %add3A_14 : vector<1000x1xf32>
    %mul3A = vector.broadcast %rsqrt3A : vector<1000x1xf32> to vector<1000x128xf32>
    %mul3A_15 = arith.mulf %get3A_1, %mul3A : vector<1000x128xf32>
    %slice3A = vector.extract_strided_slice %mul3A_15 {offsets = [0, 0], sizes = [1000, 64], strides = [1, 1]} : vector<1000x128xf32> to vector<1000x64xf32>
    %swap3A = arith.constant 0 : index
    %swap3A_16 = arith.constant 0 : index
    %swap3A_17 = arith.constant 0 : index
    %swap3A_18 = vector.load %arg5[%swap3A, %swap3A_16, %swap3A_17] : memref<2x1000x64xf32, #tpu.memory_space<vmem>>, vector<1x1000x64xf32>
    %swap3A_19 = vector.shape_cast %swap3A_18 : vector<1x1000x64xf32> to vector<1000x64xf32>
    %swap3A_20 = vector.shape_cast %slice3A : vector<1000x64xf32> to vector<1x1000x64xf32>
    tpu.vector_store %arg5[%swap3A, %swap3A_16, %swap3A_17], %swap3A_20 {strides = array<i32>} : memref<2x1000x64xf32, #tpu.memory_space<vmem>>, vector<1x1000x64xf32>,
    %slice3A_21 = vector.extract_strided_slice %mul3A_15 {offsets = [0, 64], sizes = [1000, 64], strides = [1, 1]} : vector<1000x128xf32> to vector<1000x64xf32>
    %swap3A_22 = arith.constant 1 : index
    %swap3A_23 = arith.constant 0 : index
    %swap3A_24 = arith.constant 0 : index
    %swap3A_25 = vector.load %arg5[%swap3A_22, %swap3A_23, %swap3A_24] : memref<2x1000x64xf32, #tpu.memory_space<vmem>>, vector<1x1000x64xf32>
    %swap3A_26 = vector.shape_cast %swap3A_25 : vector<1x1000x64xf32> to vector<1000x64xf32>
    %swap3A_27 = vector.shape_cast %slice3A_21 : vector<1000x64xf32> to vector<1x1000x64xf32>
    tpu.vector_store %arg5[%swap3A_22, %swap3A_23, %swap3A_24], %swap3A_27 {strides = array<i32>} : memref<2x1000x64xf32, #tpu.memory_space<vmem>>, vector<1x1000x64xf32>,
    %mul3A_28 = arith.mulf %rsqrt3A, %rsqrt3A : vector<1000x1xf32>
    %mul3A_29 = vector.broadcast %mul3A_28 : vector<1000x1xf32> to vector<1000x128xf32>
    %mul3A_30 = arith.mulf %get3A_1, %mul3A_29 : vector<1000x128xf32>
    %get3A_31 = arith.constant 0 : index
    %get3A_32 = arith.constant 0 : index
    %get3A_33 = vector.load %arg4[%get3A_31, %get3A_32] : memref<1x128xf32, #tpu.memory_space<vmem>>, vector<1x128xf32>
    %add3A_34 = vector.broadcast %get3A_33 : vector<1x128xf32> to vector<1000x128xf32>
    %add3A_35 = arith.addf %mul3A_30, %add3A_34 : vector<1000x128xf32>
    %swap3A_36 = arith.constant 0 : index
    %swap3A_37 = arith.constant 0 : index
    %swap3A_38 = vector.load %arg6[%swap3A_36, %swap3A_37] : memref<1000x128xf32, #tpu.memory_space<vmem>>, vector<1000x128xf32>
    tpu.vector_store %arg6[%swap3A_36, %swap3A_37], %add3A_35 {strides = array<i32>} : memref<1000x128xf32, #tpu.memory_space<vmem>>, vector<1000x128xf32>,
    return
  }
  func.func @transform_0(%arg0: i32) -> (i32, i32) {
    %c0_i32 = arith.constant 0 : i32
    %c0_i32_0 = arith.constant 0 : i32
    return %arg0, %c0_i32 : i32, i32
  }
  func.func @transform_1(%arg0: i32) -> (i32, i32, i32) {
    %c0_i32 = arith.constant 0 : i32
    %c0_i32_0 = arith.constant 0 : i32
    %c0_i32_1 = arith.constant 0 : i32
    return %c0_i32, %arg0, %c0_i32_0 : i32, i32, i32
  }
  func.func @transform_2(%arg0: i32) -> (i32, i32, i32) {
    %c1_i32 = arith.constant 1 : i32
    %c0_i32 = arith.constant 0 : i32
    %c0_i32_0 = arith.constant 0 : i32
    return %c1_i32, %arg0, %c0_i32 : i32, i32, i32
  }
  func.func @transform_3(%arg0: i32) -> (i32, i32) {
    %c0_i32 = arith.constant 0 : i32
    %c0_i32_0 = arith.constant 0 : i32
    %c0_i32_1 = arith.constant 0 : i32
    return %c0_i32, %c0_i32_0 : i32, i32
  }
  func.func @transform_4(%arg0: i32) -> (i32, i32, i32) {
    %c0_i32 = arith.constant 0 : i32
    %c0_i32_0 = arith.constant 0 : i32
    %c0_i32_1 = arith.constant 0 : i32
    return %c0_i32, %arg0, %c0_i32_0 : i32, i32, i32
  }
  func.func @transform_5(%arg0: i32) -> (i32, i32) {
    %c0_i32 = arith.constant 0 : i32
    %c0_i32_0 = arith.constant 0 : i32
    return %arg0, %c0_i32 : i32, i32
  }
}

module attributes {stable_mosaic.version = 14 : i64} {
  func.func @_tc_fin_body(%arg0: i32, %arg1: memref<1x1000x64xf32, #tpu.memory_space<vmem>>, %arg2: memref<1x1000x64xf32, #tpu.memory_space<vmem>>, %arg3: memref<1x1000x16xf32, #tpu.memory_space<vmem>>, %arg4: memref<1x1000x16xf32, #tpu.memory_space<vmem>>, %arg5: memref<1000x128xf32, #tpu.memory_space<vmem>>, %arg6: memref<1000x128xf32, #tpu.memory_space<vmem>>) attributes {dimension_semantics = [#tpu.dimension_semantics<arbitrary>], iteration_bounds = array<i64: 10>, scalar_prefetch = 0 : i64, scratch_operands = 0 : i64, tpu.core_type = #tpu.core_type<tc>, window_params = [{transform_indices = @transform_0, window_bounds = array<i64: 1, 1000, 64>}, {transform_indices = @transform_1, window_bounds = array<i64: 1, 1000, 64>}, {transform_indices = @transform_2, window_bounds = array<i64: 1, 1000, 16>}, {transform_indices = @transform_3, window_bounds = array<i64: 1, 1000, 16>}, {transform_indices = @transform_4, window_bounds = array<i64: 1000, 128>}, {transform_indices = @transform_5, window_bounds = array<i64: 1000, 128>}]} {
    %get3A = arith.constant 0 : index
    %get3A_0 = arith.constant 0 : index
    %get3A_1 = arith.constant 0 : index
    %get3A_2 = vector.load %arg3[%get3A, %get3A_0, %get3A_1] : memref<1x1000x16xf32, #tpu.memory_space<vmem>>, vector<1x1000x1xf32>
    %get3A_3 = vector.shape_cast %get3A_2 : vector<1x1000x1xf32> to vector<1000x1xf32>
    %get3A_4 = arith.constant 0 : index
    %get3A_5 = arith.constant 0 : index
    %get3A_6 = arith.constant 0 : index
    %get3A_7 = vector.load %arg4[%get3A_4, %get3A_5, %get3A_6] : memref<1x1000x16xf32, #tpu.memory_space<vmem>>, vector<1x1000x1xf32>
    %get3A_8 = vector.shape_cast %get3A_7 : vector<1x1000x1xf32> to vector<1000x1xf32>
    %add3A = arith.addf %get3A_3, %get3A_8 : vector<1000x1xf32>
    %add3A_9 = arith.constant 1.000000e+00 : f32
    %add3A_10 = vector.broadcast %add3A_9 : f32 to vector<1000x1xf32>
    %add3A_11 = arith.addf %add3A, %add3A_10 : vector<1000x1xf32>
    %rsqrt3A = math.rsqrt %add3A_11 : vector<1000x1xf32>
    %get3A_12 = arith.constant 0 : index
    %get3A_13 = arith.constant 0 : index
    %get3A_14 = arith.constant 0 : index
    %get3A_15 = vector.load %arg1[%get3A_12, %get3A_13, %get3A_14] : memref<1x1000x64xf32, #tpu.memory_space<vmem>>, vector<1x1000x64xf32>
    %get3A_16 = vector.shape_cast %get3A_15 : vector<1x1000x64xf32> to vector<1000x64xf32>
    %get3A_17 = arith.constant 0 : index
    %get3A_18 = arith.constant 0 : index
    %get3A_19 = arith.constant 0 : index
    %get3A_20 = vector.load %arg2[%get3A_17, %get3A_18, %get3A_19] : memref<1x1000x64xf32, #tpu.memory_space<vmem>>, vector<1x1000x64xf32>
    %get3A_21 = vector.shape_cast %get3A_20 : vector<1x1000x64xf32> to vector<1000x64xf32>
    %concatenate3A = tpu.concatenate %get3A_16, %get3A_21 in 1 : vector<1000x64xf32>, vector<1000x64xf32> -> vector<1000x128xf32>
    %mul3A = vector.broadcast %rsqrt3A : vector<1000x1xf32> to vector<1000x128xf32>
    %mul3A_22 = arith.mulf %concatenate3A, %mul3A : vector<1000x128xf32>
    %get3A_23 = arith.constant 0 : index
    %get3A_24 = arith.constant 0 : index
    %get3A_25 = vector.load %arg5[%get3A_23, %get3A_24] : memref<1000x128xf32, #tpu.memory_space<vmem>>, vector<1000x128xf32>
    %add3A_26 = arith.addf %mul3A_22, %get3A_25 : vector<1000x128xf32>
    %swap3A = arith.constant 0 : index
    %swap3A_27 = arith.constant 0 : index
    %swap3A_28 = vector.load %arg6[%swap3A, %swap3A_27] : memref<1000x128xf32, #tpu.memory_space<vmem>>, vector<1000x128xf32>
    tpu.vector_store %arg6[%swap3A, %swap3A_27], %add3A_26 {strides = array<i32>} : memref<1000x128xf32, #tpu.memory_space<vmem>>, vector<1000x128xf32>,
    return
  }
  func.func @transform_0(%arg0: i32) -> (i32, i32, i32) {
    %c0_i32 = arith.constant 0 : i32
    %c0_i32_0 = arith.constant 0 : i32
    %c0_i32_1 = arith.constant 0 : i32
    return %c0_i32, %arg0, %c0_i32_0 : i32, i32, i32
  }
  func.func @transform_1(%arg0: i32) -> (i32, i32, i32) {
    %c1_i32 = arith.constant 1 : i32
    %c0_i32 = arith.constant 0 : i32
    %c0_i32_0 = arith.constant 0 : i32
    return %c1_i32, %arg0, %c0_i32 : i32, i32, i32
  }
  func.func @transform_2(%arg0: i32) -> (i32, i32, i32) {
    %c0_i32 = arith.constant 0 : i32
    %c0_i32_0 = arith.constant 0 : i32
    %c0_i32_1 = arith.constant 0 : i32
    return %c0_i32, %arg0, %c0_i32_0 : i32, i32, i32
  }
  func.func @transform_3(%arg0: i32) -> (i32, i32, i32) {
    %c1_i32 = arith.constant 1 : i32
    %c0_i32 = arith.constant 0 : i32
    %c0_i32_0 = arith.constant 0 : i32
    return %c1_i32, %arg0, %c0_i32 : i32, i32, i32
  }
  func.func @transform_4(%arg0: i32) -> (i32, i32) {
    %c0_i32 = arith.constant 0 : i32
    %c0_i32_0 = arith.constant 0 : i32
    return %arg0, %c0_i32 : i32, i32
  }
  func.func @transform_5(%arg0: i32) -> (i32, i32) {
    %c0_i32 = arith.constant 0 : i32
    %c0_i32_0 = arith.constant 0 : i32
    return %arg0, %c0_i32 : i32, i32
  }
}

</mosaic_0001>

<sc_bundles>
// kernel: kernel.10.cloned.1.call-start
scs
__scs_entry_jumppad:
0x0: {  	(pc) =	sbr.rel $0x88, $3  }
0x1: {  	(tag) =	ssettag $0x0;
	lr =	simm.s32 $0x1  }
0x2: {  	[smem:$0x3F9C] =	sst lr;
	_ =	strace $0xD0000000  }
0x3: {  	_ = 	snop  }
0x4: {  	_ = 	snop  }
0x5: {  	_ = 	snop  }
0x6: {  	_ = 	snop  }
0x7: {  	_ = 	snop  }
__scs_overlays_trampoline_lowered:
0x8: {  	[smem:$0x3FAB] =	sst s0  }
0x9: {  	[smem:$0x3FAC] =	sst s1  }
0xa: {  	[smem:$0x3FAD] =	sst s2  }
0xb: {  	[smem:$0x3FAE] =	sst s3  }
0xc: {  	[smem:$0x3FAF] =	sst s4  }
0xd: {  	[smem:$0x3FB0] =	sst s5  }
0xe: {  	[smem:$0x3FB1] =	sst s6  }
0xf: {  	[smem:$0x3FB2] =	sst s7  }
0x10: {  	[smem:$0x3FB3] =	sst s8  }
0x11: {  	[smem:$0x3FB4] =	sst s9;
	s0 =	simm.s32 @!p0 $0x0  }
0x12: {  	s1 =	sld [smem:$0x3F9A];
	s0 =	simm.s32 @p0 $0x1  }
0x13: {  	[smem:$0x3FB5] =	sst s0;
	s0 =	simm.s32 @!p1 $0x0  }
0x14: {  	s2 =	sld [smem:$0x3F99];
	s0 =	simm.s32 @p1 $0x1  }
0x15: {  	[smem:$0x3FB6] =	sst s0;
	s0 =	simm.s32 @!p2 $0x0  }
0x16: {  	s3 =	sld [smem:$0x3FDB];
	s0 =	simm.s32 @p2 $0x1  }
0x17: {  	s4 =	simm.s32 $0x1BF5;
	[smem:$0x3FB8] =	sst s0  }
0x18: {  	s0 =	sld [smem:$0x3F9B];
	_ =	swait.ge [sflag:s4], $0x0  }
0x19: {  	s7 =	sld [smem:$0x3F9C]  }
0x1a: {  	s8 =	sadd.s32 $0xFFFFE003, lr  }
0x1b: {  	s9 =	sadd.s32 $0xFFFFFEF7, lr;
	s5 =	simm.s32 $0xFFFFFFFF;
	p2 =	slt.u32 s8, $0xFFFFF086  }
0x1c: {  	p1 =	slt.u32 s9, $0xF7A;
	s5 =	simm.s32 @!p2 $0x0  }
0x1d: {  	s5 =	simm.s32 @p1 $0x1;
	p0 =	seq.s32 s7, s2  }
0x1e: {  	s7 =	smul.u32 @!p0 $0xF7A, s2;
	p2 =	seq.s32 @!p0 s5, $0x0  }
0x1f: {  	s9 =	smul.u32 $0xF7A, s1;
	s8 =	simm.s32 @!p0 $0x1BF5;
	p2 =	por !p2, p0  }
0x20: {  	[sflag:s8] =	ssyncset.s32 @!p0 $0xFFFFF086;
	s6 =	sadd.s32 @!p0 s3, s7;
	s7 =	simm.s32 @!p0 $0x108  }
0x21: {  	s3 =	sadd.s32 s3, s9;
	s6 =	sadd.s32 @!p0 $0x88, s6;
	s7 =	simm.s32 @p2 $0x1082  }
0x22: {  	[simem:s7], [sflag:s8] =	dma.local @!p0 [hbm:s6], $0xF7A  }
0x23: {  	s9 =	sor.u32 $0xD0000000, s2;
	s6 =	simm.s32 $0x108;
	_ =	swait.ge @!p0 [sflag:s8], $0x0  }
0x24: {  	s3 =	sadd.s32 $0x88, s3;
	s6 =	simm.s32 @!p1 $0x1082;
	[sflag:s4] =	ssyncset.s32 $0xFFFFF086  }
0x25: {  	[simem:s6], [sflag:s4] =	dma.local [hbm:s3], $0xF7A  }
0x26: {  	[smem:$0x3F9C] =	sst s1;
	(tag) =	ssettag s2;
	_ =	strace s9  }
0x27: {  	s1 =	sld [smem:$0x3FAC]  }
0x28: {  	s2 =	sld [smem:$0x3FAD]  }
0x29: {  	s4 =	sld [smem:$0x3FAF]  }
0x2a: {  	p0 =	seq.s32 s5, $0x0;
	s5 =	sld [smem:$0x3FB0]  }
0x2b: {  	s6 =	sld [smem:$0x3FB1]  }
0x2c: {  	s7 =	sld [smem:$0x3FB2]  }
0x2d: {  	s3 =	simm.s32 $0x108;
	s8 =	sld [smem:$0x3FB3]  }
0x2e: {  	s3 =	simm.s32 @!p0 $0x1082;
	s9 =	sld [smem:$0x3FB4]  }
0x2f: {  	lr =	sadd.s32 s0, s3;
	s0 =	sld [smem:$0x3FAB]  }
0x30: {  	s3 =	sld [smem:$0x3FAE]  }
0x31: {  	[smem:$0x3FB7] =	sst s10  }
0x32: {  	s10 =	sld [smem:$0x3FB5];
	_ =	sdelay $0x3  }
0x33: {  	p0 =	seq.s32 s10, $0x1;
	s10 =	sld [smem:$0x3FB7];
	_ =	sdelay $0x3  }
0x34: {  	[smem:$0x3FB7] =	sst s10  }
0x35: {  	s10 =	sld [smem:$0x3FB6];
	_ =	sdelay $0x3  }
0x36: {  	p1 =	seq.s32 s10, $0x1;
	s10 =	sld [smem:$0x3FB7];
	_ =	sdelay $0x3  }
0x37: {  	[smem:$0x3FB7] =	sst s10  }
0x38: {  	s10 =	sld [smem:$0x3FB8]  }
0x39: {  	_ = 	snop;
	(pc) =	sbr.ind lr, $3  }
0x3a: {  	_ = 	snop  }
0x3b: {  	_ = 	snop  }
0x3c: {  	p2 =	seq.s32 s10, $0x1;
	s10 =	sld [smem:$0x3FB7]  }
0x3d: {  	_ =	shalt  }
0x3e: {  	_ =	shalt  }
0x3f: {  	_ =	shalt  }
0x40: {  	_ =	shalt  }
0x41: {  	_ =	shalt  }
0x42: {  	_ =	shalt  }
0x43: {  	_ =	shalt  }
0x44: {  	_ =	shalt  }
0x45: {  	_ =	shalt  }
0x46: {  	_ =	shalt  }
0x47: {  	_ =	shalt  }
0x48: {  	_ =	shalt  }
0x49: {  	_ =	shalt  }
0x4a: {  	_ =	shalt  }
0x4b: {  	_ =	shalt  }
0x4c: {  	_ =	shalt  }
0x4d: {  	_ =	shalt  }
0x4e: {  	_ =	shalt  }
0x4f: {  	_ =	shalt  }
0x50: {  	_ =	shalt  }
0x51: {  	_ =	shalt  }
0x52: {  	_ =	shalt  }
0x53: {  	_ =	shalt  }
0x54: {  	_ =	shalt  }
0x55: {  	_ =	shalt  }
0x56: {  	_ =	shalt  }
0x57: {  	_ =	shalt  }
0x58: {  	_ =	shalt  }
0x59: {  	_ =	shalt  }
0x5a: {  	_ =	shalt  }
0x5b: {  	_ =	shalt  }
0x5c: {  	_ =	shalt  }
0x5d: {  	_ =	shalt  }
0x5e: {  	_ =	shalt  }
0x5f: {  	_ =	shalt  }
0x60: {  	_ =	shalt  }
0x61: {  	_ =	shalt  }
0x62: {  	_ =	shalt  }
0x63: {  	_ =	shalt  }
0x64: {  	_ =	shalt  }
0x65: {  	_ =	shalt  }
0x66: {  	_ =	shalt  }
0x67: {  	_ =	shalt  }
0x68: {  	_ =	shalt  }
0x69: {  	_ =	shalt  }
0x6a: {  	_ =	shalt  }
0x6b: {  	_ =	shalt  }
0x6c: {  	_ =	shalt  }
0x6d: {  	_ =	shalt  }
0x6e: {  	_ =	shalt  }
0x6f: {  	_ =	shalt  }
0x70: {  	_ =	shalt  }
0x71: {  	_ =	shalt  }
0x72: {  	_ =	shalt  }
0x73: {  	_ =	shalt  }
0x74: {  	_ =	shalt  }
0x75: {  	_ =	shalt  }
0x76: {  	_ =	shalt  }
0x77: {  	_ =	shalt  }
0x78: {  	_ =	shalt  }
0x79: {  	_ =	shalt  }
0x7a: {  	_ =	shalt  }
0x7b: {  	_ =	shalt  }
0x7c: {  	_ =	shalt  }
0x7d: {  	_ =	shalt  }
0x7e: {  	_ =	shalt  }
0x7f: {  	_ =	shalt  }
0x80: {  	_ =	shalt  }
0x81: {  	_ =	shalt  }
0x82: {  	_ =	shalt  }
0x83: {  	_ =	shalt  }
0x84: {  	_ =	shalt  }
0x85: {  	_ =	shalt  }
0x86: {  	_ =	shalt  }
0x87: {  	_ =	shalt  }
.Lfunc_end0:
.L_simem_size_0:
called_computation.1_lowered:
.L_overlay_start_0:
0x88: {  	s2 =	sld [smem:$0x3FD9]  }
0x89: {  	s3 =	sld [smem:$0x3FFE];
	_ =	sdelay $0x1  }
0x8a: {  	s1 =	srdreg.scid  }
0x8b: {  	s0 =	sand.u32 $0x1, s1  }
0x8c: {  	s17 =	sshll.u32 s0, $0xA;
	s2 =	sadd.s32 s3, s2  }
0x8d: {  	s2 =	sadd.s32 s2, s17  }
0x8e: {  	[smem:$0x3FC3] =	sst s2  }
0x8f: {  	_ = 	snop  }
0x90: {  	s2 =	sld [smem:$0x3FD0];
	(tm) =	ssettm $0x1  }
0x91: {  	s18 =	sld [smem:$0x3FFB];
	_ =	sdelay $0x3  }
0x92: {  	_ =	strace s18  }
0x93: {  	s3 =	sld [smem:$0x3FFC];
	_ =	sdelay $0x3  }
0x94: {  	_ =	strace s3  }
0x95: {  	s3 =	sld [smem:$0x3FFD];
	_ =	sdelay $0x3  }
0x96: {  	_ =	strace s3  }
0x97: {  	_ =	strace $0x8FFFFFFF  }
0x98: {  	s19 =	sld [smem:$0x3FDB];
	_ =	sdelay $0x1  }
0x99: {  	s4 =	simm.s32 $_scs_section_size  }
0x9a: {  	s5 =	simm.s32 $_size__tile_overlayer_lowered;
	s6 =	simm.s32 $_tile_overlayer_lowered  }
0x9b: {  	s22 =	simm.s32 $0x1BFF;
	s21 =	sshll.u32 s6, $0x1;
	s3 =	sadd.s32 s4, s19  }
0x9c: {  	s7 =	simm.s32 $0x0;
	s20 =	sshll.u32 s5, $0x1;
	s5 =	sadd.s32 s21, s3  }
0x9d: {  	[timem:s7], [sflag:s22] =	dma.local [hbm:s5], s20  }
0x9e: {  	_ =	swait.ge [sflag:s22], s20  }
0x9f: {  	s4 =	ssub.s32 $0x0, s20;
	[sflag:s22] =	ssyncset.done $0x0  }
0xa0: {  	[sflag:s22] =	ssyncadd.s32 s4;
	_ =	sdelay $0x1  }
0xa1: {  	s23 =	simm.s32 $0x1B8B  }
0xa2: {  	_ =	swait.ge [sflag:s23], $0x1  }
0xa3: {  	[sflag:s23] =	ssyncset.done $0x0  }
0xa4: {  	s25 =	simm.s32 $0x1B8E;
	s24 =	sld [smem:$0x3FFE];
	[sflag:s23] =	ssyncadd.s32 $0xFFFFFFFF  }
0xa5: {  	s26 =	simm.s32 $execute0_lowered;
	[smem:$0x3FD2] =	sst s25  }
0xa6: {  	s5 =	sshll.u32 s26, $0x1;
	_ =	strace $0x80000049;
	[dreg:$0x1] =	wrdreg $0xFFFFFFFF  }
0xa7: {  	s28 =	simm.s32 $_size_execute0_lowered;
	s3 =	sadd.s32 s3, s5;
	[dreg:$0x0] =	wrdreg $0x0  }
0xa8: {  	s5 =	sshll.u32 s28, $0x1;
	[dreg:$0x2] =	wrdreg s3  }
0xa9: {  	[dreg:$0x3] =	wrdreg s5  }
0xaa: {  	[dreg:$0x4] =	wrdreg $0xC0  }
0xab: {  	_ =	task [dreg:s7], $0x5FFFF  }
0xac: {  	[dreg:$0x1] =	wrdreg $0xFFFFFFFF  }
0xad: {  	[dreg:$0x0] =	wrdreg $0x60  }
0xae: {  	[dreg:$0x2] =	wrdreg s24  }
0xaf: {  	[dreg:$0x3] =	wrdreg s2  }
0xb0: {  	[dreg:$0x4] =	wrdreg $0x0  }
0xb1: {  	[dreg:$0x5] =	wrdreg $0x9C400  }
0xb2: {  	[dreg:$0x6] =	wrdreg $0x9  }
0xb3: {  	_ =	task.clear_ibuf [dreg:s7], $0x7FFFF;
	_ =	strace $0x90000049  }
0xb4: {  	s29 =	simm.s32 $0x9;
	_ =	strace $0x8000004B  }
0xb5: {  	_ =	swait.ge [sflag:s29], $0x1  }
0xb6: {  	[sflag:s29] =	ssyncadd.s32 $0xFFFFFFFF  }
0xb7: {  	_ =	strace $0x9000004B  }
0xb8: {  	_ =	sfence  }
0xb9: {  	s30 =	sld [smem:$0x0];
	_ =	sdelay $0x2  }
0xba: {  	s31 =	sshll.u32 s1, $0xD;
	s1 =	sshrl.u32 s1, $0x2  }
0xbb: {  	s3 =	sand.u32 $0x4000, s31;
	s1 =	sadd.s32 s1, s30  }
0xbc: {  	s0 =	sor.u32 s3, s0;
	s1 =	sshll.u32 s1, $0x11  }
0xbd: {  	s0 =	sor.u32 s1, s0  }
0xbe: {  	s0 =	sadd.s32 $0x8F2B, s0  }
0xbf: {  	[sflag:s0] =	ssyncadd.remote.s32 $0x1  }
0xc0: {  	_ =	sfence.sel $0xFFFF  }
0xc1: {  	[dreg:$0x0] =	wrdreg $0xFFFFFFFF;
	(pc) =	sbr.abs _section_cstart, $3  }
0xc2: {  	[dreg:$0x1] =	wrdreg $0xFFFFFFFF  }
0xc3: {  	_ =	task.clear_ibuf [dreg:s7], $0x2FFFF;
	_ =	strace $0x9FFFFFFF  }
0xc4: {  	(tm) =	ssettm $0x7FFFFFFF  }
0xc5: {  	_ =	shalt  }
tec
execute0_lowered:
.L_overlay_start_1:
0x0: {  	(tag) =	ssettag $0x1  }
0x1: {  	s0 =	rddreg [dreg:$0x0]  }
0x2: {  	s1 =	rddreg [dreg:$0x1]  }
0x3: {  	s2 =	rddreg [dreg:$0x2]  }
0x4: {  	s3 =	rddreg [dreg:$0x3];
	s8 =	stileid.u32  }
0x5: {  	s4 =	simm.s32 $0x0;
	s6 =	srdreg.scid;
	s28 =	simm.s32 $0x160A0  }
0x6: {  	s29 =	simm.s32 $0x6;
	s30 =	simm.s32 $0x15F80;
	s31 =	simm.s32 $0x186A0  }
0x7: {  	s5 =	smul.u32 $0x4E20, s8;
	[smem:$0x7FF] =	sst s4;
	s6 =	sand.u32 $0x1, s6  }
0x8: {  	s8 =	smul.u32 $0x9C40, s8;
	s9 =	sadd.s32 $0x64400, s0;
	_ =	strace $0x8000004A  }
0x9: {  	s7 =	ssub.s32 $0x2, s6;
	[dreg:$0x5] =	wrdreg s9;
	s11 =	smul.u32 $0x9C400, s6  }
0xa: {  	s5 =	sshrl.u32 s5, $0x3;
	s19 =	sshrl.u32 s7, $0x1;
	s10 =	sadd.s32 $0x1F40, s8  }
0xb: {  	s6 =	sadd.s32 s8, s2;
	s12 =	sadd.s32 $0x3E80, s8;
	s13 =	sadd.s32 $0x5DC0, s8  }
0xc: {  	s16 =	sadd.s32 $0x7D00, s8;
	s5 =	sadd.s32 s5, s0;
	s0 =	sadd.s32 $0x64800, s0  }
0xd: {  	s9 =	ssub.s32 s7, s19;
	s14 =	sadd.s32 s8, s11;
	s15 =	sadd.s32 s11, s10  }
0xe: {  	s18 =	sadd.s32 s11, s13;
	s8 =	sadd.s32 s8, s3;
	s14 =	sshrl.u32 s14, $0x3  }
0xf: {  	s15 =	sshrl.u32 s15, $0x3;
	[dreg:$0x10] =	wrdreg s8;
	s17 =	sadd.s32 s1, s14  }
0x10: {  	s18 =	sshrl.u32 s18, $0x3;
	s20 =	sadd.s32 s1, s15;
	[dreg:$0x6] =	wrdreg s17  }
0x11: {  	s7 =	sadd.s32 s10, s2;
	s22 =	sadd.s32 s1, s18;
	[dreg:$0x7] =	wrdreg s20  }
0x12: {  	s21 =	sadd.s32 s11, s12;
	s23 =	sadd.s32 s0, s14;
	[dreg:$0x9] =	wrdreg s22  }
0x13: {  	s11 =	sadd.s32 s11, s16;
	s24 =	sadd.s32 s0, s15;
	[dreg:$0xb] =	wrdreg s23  }
0x14: {  	s11 =	sshrl.u32 s11, $0x3;
	s26 =	sadd.s32 s0, s18;
	[dreg:$0xc] =	wrdreg s24  }
0x15: {  	s8 =	simm.s32 $0x7;
	s14 =	sadd.s32 s12, s3;
	[dreg:$0xe] =	wrdreg s26  }
0x16: {  	s18 =	sadd.s32 s12, s2;
	s15 =	sadd.s32 s13, s3;
	[dreg:$0x12] =	wrdreg s14  }
0x17: {  	[dreg:$0x13] =	wrdreg s15;
	s24 =	sadd.s32 s16, s2;
	s16 =	sadd.s32 s16, s3  }
0x18: {  	s12 =	simm.s32 $0x15FA0;
	s20 =	sadd.s32 $0x1EE0, s5;
	[dreg:$0x14] =	wrdreg s16  }
0x19: {  	s17 =	sshrl.u32 s21, $0x3;
	s21 =	sadd.s32 $0xBB20, s5;
	[dreg:$0x17] =	wrdreg s20  }
0x1a: {  	s22 =	sadd.s32 s13, s2;
	s23 =	sadd.s32 $0x23C0, s5;
	[dreg:$0x18] =	wrdreg s21  }
0x1b: {  	s26 =	smax.u32 s9, $0x1;
	s9 =	simm.s32 $0x1A6C0;
	[dreg:$0x19] =	wrdreg s23  }
0x1c: {  	s13 =	simm.s32 $0x80;
	s19 =	sadd.s32 s1, s17;
	[dreg:$0x1b] =	wrdreg s26  }
0x1d: {  	s1 =	sadd.s32 s1, s11;
	s25 =	sadd.s32 s0, s17;
	[dreg:$0x8] =	wrdreg s19  }
0x1e: {  	s0 =	sadd.s32 s0, s11;
	s11 =	sadd.s32 s10, s3;
	[dreg:$0xa] =	wrdreg s1  }
0x1f: {  	s17 =	sadd.s32 $0x1A00, s5;
	s10 =	simm.s32 $0x1;
	[dreg:$0xd] =	wrdreg s25  }
0x20: {  	s16 =	simm.s32 $0x1C6C0;
	s20 =	simm.s32 $0x2;
	[dreg:$0xf] =	wrdreg s0  }
0x21: {  	s21 =	simm.s32 $0x16020;
	s23 =	simm.s32 $0x5;
	[dreg:$0x11] =	wrdreg s11  }
0x22: {  	s26 =	simm.s32 $0x3;
	[dreg:$0x15] =	wrdreg s17;
	s19 =	sadd.s32 $0xB640, s5  }
0x23: {  	s25 =	sadd.s32 $0xC000, s5;
	s5 =	simm.s32 $0x186C0;
	s11 =	simm.s32 $0x13880  }
0x24: {  	s17 =	simm.s32 $0x4;
	s0 =	simm.s32 $0x20;
	[dreg:$0x16] =	wrdreg s19  }
0x25: {  	s1 =	simm.s32 $0x0;
	[dreg:$0x1a] =	wrdreg s25;
	s25 =	simm.s32 $0x13A80  }
.LBB2_1:
0x26: {  	s14 =	rddreg [dreg:$0x5]  }
0x27: {  	[tilespmem:s5], [sflag:$0x7] =	stream.linear.gather [hbm4b:s14+s4], $0x1F40, $0x38;
	[tilespmem:$0x1E6C0] =	vst v63  }
0x28: {  	_ =	swait.ge [sflag:s8], $0x1F40  }
0x29: {  	[sflag:s8] =	ssyncset.done $0x0  }
0x2a: {  	[sflag:s8] =	ssyncadd.s32 $0xFFFFE0C0  }
0x2b: {  	[spmem:s6] =	stream.linear.scatter [tilespmem:s5], [sflag:$0x1], $0x1F40, $0x38;
	[tilespmem:$0x1E6C0] =	vst v63  }
0x2c: {  	_ = 	snop  }
0x2d: {  	[spmem:s7] =	stream.linear.scatter [tilespmem:s5], [sflag:$0x1], $0x1F40, $0x38;
	[tilespmem:$0x1E6C0] =	vst v63  }
0x2e: {  	_ = 	snop  }
0x2f: {  	[spmem:s18] =	stream.linear.scatter [tilespmem:s5], [sflag:$0x1], $0x1F40, $0x38;
	[tilespmem:$0x1E6C0] =	vst v63  }
0x30: {  	_ = 	snop  }
0x31: {  	[spmem:s22] =	stream.linear.scatter [tilespmem:s5], [sflag:$0x1], $0x1F40, $0x38;
	[tilespmem:$0x1E6C0] =	vst v63  }
0x32: {  	_ = 	snop  }
0x33: {  	[spmem:s24] =	stream.linear.scatter [tilespmem:s5], [sflag:$0x1], $0x1F40, $0x38;
	[tilespmem:$0x1E6C0] =	vst v63  }
0x34: {  	s15 =	rddreg [dreg:$0x6]  }
0x35: {  	[tilespmem:s9], [sflag:$0x7] =	stream.linear.gather [hbm4b:s15+s4], $0x1F40, $0x38;
	[tilespmem:$0x1E6C0] =	vst v63  }
0x36: {  	_ =	swait.ge [sflag:s8], $0x1F40  }
0x37: {  	[sflag:s8] =	ssyncset.done $0x0  }
0x38: {  	s19 =	rddreg [dreg:$0x10];
	[sflag:s8] =	ssyncadd.s32 $0xFFFFE0C0  }
0x39: {  	[spmem:s19] =	stream.linear.scatter [tilespmem:s9], [sflag:$0x7], $0x1F40, $0x38;
	[tilespmem:$0x1E6C0] =	vst v63  }
0x3a: {  	_ =	swait.ge [sflag:s8], $0x1F40  }
0x3b: {  	[sflag:s8] =	ssyncset.done $0x0  }
0x3c: {  	s15 =	rddreg [dreg:$0x7];
	[sflag:s8] =	ssyncadd.s32 $0xFFFFE0C0  }
0x3d: {  	[tilespmem:s9], [sflag:$0x7] =	stream.linear.gather [hbm4b:s15+s4], $0x1F40, $0x38;
	[tilespmem:$0x1E6C0] =	vst v63  }
0x3e: {  	_ =	swait.ge [sflag:s8], $0x1F40  }
0x3f: {  	[sflag:s8] =	ssyncset.done $0x0  }
0x40: {  	s19 =	rddreg [dreg:$0x11];
	[sflag:s8] =	ssyncadd.s32 $0xFFFFE0C0  }
0x41: {  	[spmem:s19] =	stream.linear.scatter [tilespmem:s9], [sflag:$0x7], $0x1F40, $0x38;
	[tilespmem:$0x1E6C0] =	vst v63  }
0x42: {  	_ =	swait.ge [sflag:s8], $0x1F40  }
0x43: {  	[sflag:s8] =	ssyncset.done $0x0  }
0x44: {  	s15 =	rddreg [dreg:$0x8];
	[sflag:s8] =	ssyncadd.s32 $0xFFFFE0C0  }
0x45: {  	[tilespmem:s9], [sflag:$0x7] =	stream.linear.gather [hbm4b:s15+s4], $0x1F40, $0x38;
	[tilespmem:$0x1E6C0] =	vst v63  }
0x46: {  	_ =	swait.ge [sflag:s8], $0x1F40  }
0x47: {  	[sflag:s8] =	ssyncset.done $0x0  }
0x48: {  	s19 =	rddreg [dreg:$0x12];
	[sflag:s8] =	ssyncadd.s32 $0xFFFFE0C0  }
0x49: {  	[spmem:s19] =	stream.linear.scatter [tilespmem:s9], [sflag:$0x7], $0x1F40, $0x38;
	[tilespmem:$0x1E6C0] =	vst v63  }
0x4a: {  	_ =	swait.ge [sflag:s8], $0x1F40  }
0x4b: {  	[sflag:s8] =	ssyncset.done $0x0  }
0x4c: {  	s15 =	rddreg [dreg:$0x9];
	[sflag:s8] =	ssyncadd.s32 $0xFFFFE0C0  }
0x4d: {  	[tilespmem:s9], [sflag:$0x7] =	stream.linear.gather [hbm4b:s15+s4], $0x1F40, $0x38;
	[tilespmem:$0x1E6C0] =	vst v63  }
0x4e: {  	_ =	swait.ge [sflag:s8], $0x1F40  }
0x4f: {  	[sflag:s8] =	ssyncset.done $0x0  }
0x50: {  	s19 =	rddreg [dreg:$0x13];
	[sflag:s8] =	ssyncadd.s32 $0xFFFFE0C0  }
0x51: {  	[spmem:s19] =	stream.linear.scatter [tilespmem:s9], [sflag:$0x7], $0x1F40, $0x38;
	[tilespmem:$0x1E6C0] =	vst v63  }
0x52: {  	_ =	swait.ge [sflag:s8], $0x1F40  }
0x53: {  	[sflag:s8] =	ssyncset.done $0x0  }
0x54: {  	s15 =	rddreg [dreg:$0xa];
	[sflag:s8] =	ssyncadd.s32 $0xFFFFE0C0  }
0x55: {  	[tilespmem:s9], [sflag:$0x7] =	stream.linear.gather [hbm4b:s15+s4], $0x1F40, $0x38;
	[tilespmem:$0x1E6C0] =	vst v63  }
0x56: {  	_ =	swait.ge [sflag:s8], $0x1F40  }
0x57: {  	[sflag:s8] =	ssyncset.done $0x0  }
0x58: {  	s19 =	rddreg [dreg:$0x14];
	[sflag:s8] =	ssyncadd.s32 $0xFFFFE0C0  }
0x59: {  	[spmem:s19] =	stream.linear.scatter [tilespmem:s9], [sflag:$0x7], $0x1F40, $0x38;
	[tilespmem:$0x1E6C0] =	vst v63  }
0x5a: {  	_ =	swait.ge [sflag:s8], $0x1F40  }
0x5b: {  	[sflag:s8] =	ssyncset.done $0x0  }
0x5c: {  	[sflag:s8] =	ssyncadd.s32 $0xFFFFE0C0  }
0x5d: {  	_ =	swait.ge [sflag:s10], $0x1F40  }
0x5e: {  	[sflag:s10] =	ssyncset.done $0x0  }
0x5f: {  	[sflag:s10] =	ssyncadd.s32 $0xFFFFE0C0  }
0x60: {  	_ =	swait.ge [sflag:s10], $0x1F40  }
0x61: {  	[sflag:s10] =	ssyncset.done $0x0  }
0x62: {  	[sflag:s10] =	ssyncadd.s32 $0xFFFFE0C0  }
0x63: {  	_ =	swait.ge [sflag:s10], $0x1F40  }
0x64: {  	[sflag:s10] =	ssyncset.done $0x0  }
0x65: {  	[sflag:s10] =	ssyncadd.s32 $0xFFFFE0C0  }
0x66: {  	_ =	swait.ge [sflag:s10], $0x1F40  }
0x67: {  	[sflag:s10] =	ssyncset.done $0x0  }
0x68: {  	[sflag:s10] =	ssyncadd.s32 $0xFFFFE0C0  }
0x69: {  	_ =	swait.ge [sflag:s10], $0x1F40  }
0x6a: {  	[sflag:s10] =	ssyncset.done $0x0  }
0x6b: {  	[sflag:s10] =	ssyncadd.s32 $0xFFFFE0C0  }
0x6c: {  	[bflag:$0x0] =	sbarrier.arrive $0xFFFF  }
0x6d: {  	s15 =	rddreg [dreg:$0x15]  }
0x6e: {  	[tilespmem:s11], [sflag:$0x7] =	stream.linear.gather [hbm4b:s15+s4], $0x2700, $0x38;
	[tilespmem:$0x1E6C0] =	vst v63  }
0x6f: {  	_ =	swait.ge [sflag:s8], $0x2700  }
0x70: {  	[sflag:s8] =	ssyncset.done $0x0  }
0x71: {  	s19 =	rddreg [dreg:$0x16];
	[sflag:s8] =	ssyncadd.s32 $0xFFFFD900  }
0x72: {  	[tilespmem:s12], [sflag:$0x7] =	stream.linear.gather [hbm4b:s19+s4], $0x2700, $0x38;
	[tilespmem:$0x1E6C0] =	vst v63  }
0x73: {  	_ =	swait.ge [sflag:s8], $0x2700  }
0x74: {  	[sflag:s8] =	ssyncset.done $0x0  }
0x75: {  	[sflag:s8] =	ssyncadd.s32 $0xFFFFD900  }
0x76: {  	[tilespmem:s5], [sflag:$0x1] =	stream.indirect.gather [spmem:s3], $0x40, s11, s13, $0xb8;
	[tilespmem:$0x1E6C0] =	vst v63  }
0x77: {  	s15 =	simm.s32 $0x13900  }
0x78: {  	[tilespmem:s9], [sflag:$0x2] =	stream.indirect.gather [spmem:s3], $0x40, s15, s13, $0xb8;
	[tilespmem:$0x1E6C0] =	vst v63  }
0x79: {  	s19 =	simm.s32 $0x13980  }
0x7a: {  	[tilespmem:s16], [sflag:$0x3] =	stream.indirect.gather [spmem:s3], $0x40, s19, s13, $0xb8;
	[tilespmem:$0x1E6C0] =	vst v63  }
0x7b: {  	_ =	swait.ge [sflag:s10], $0x2000  }
0x7c: {  	[sflag:s10] =	ssyncset.done $0x0  }
0x7d: {  	[sflag:s10] =	ssyncadd.s32 $0xFFFFE000  }
0x7e: {  	[spmem:s2] =	stream.indirect.scatter.add.f32 [tilespmem:s5], [sflag:$0x4], $0x40, s12, s13, $0xb8;
	[tilespmem:$0x1E6C0] =	vst v63  }
0x7f: {  	_ =	swait.ge [sflag:s17], $0x2000  }
0x80: {  	[sflag:s17] =	ssyncset.done $0x0  }
0x81: {  	s15 =	simm.s32 $0x13A00;
	[sflag:s17] =	ssyncadd.s32 $0xFFFFE000  }
0x82: {  	[tilespmem:s5], [sflag:$0x1] =	stream.indirect.gather [spmem:s3], $0x40, s15, s13, $0xb8;
	[tilespmem:$0x1E6C0] =	vst v63  }
0x83: {  	_ =	swait.ge [sflag:s20], $0x2000  }
0x84: {  	[sflag:s20] =	ssyncset.done $0x0  }
0x85: {  	[sflag:s20] =	ssyncadd.s32 $0xFFFFE000  }
0x86: {  	[spmem:s2] =	stream.indirect.scatter.add.f32 [tilespmem:s9], [sflag:$0x5], $0x40, s21, s13, $0xb8;
	[tilespmem:$0x1E6C0] =	vst v63  }
0x87: {  	_ =	swait.ge [sflag:s23], $0x2000  }
0x88: {  	[sflag:s23] =	ssyncset.done $0x0  }
0x89: {  	[sflag:s23] =	ssyncadd.s32 $0xFFFFE000  }
0x8a: {  	[tilespmem:s9], [sflag:$0x2] =	stream.indirect.gather [spmem:s3], $0x40, s25, s13, $0xb8;
	[tilespmem:$0x1E6C0] =	vst v63  }
0x8b: {  	_ =	swait.ge [sflag:s26], $0x2000  }
0x8c: {  	[sflag:s26] =	ssyncset.done $0x0  }
0x8d: {  	[sflag:s26] =	ssyncadd.s32 $0xFFFFE000  }
0x8e: {  	[spmem:s2] =	stream.indirect.scatter.add.f32 [tilespmem:s16], [sflag:$0x6], $0x40, s28, s13, $0xb8;
	[tilespmem:$0x1E6C0] =	vst v63  }
0x8f: {  	_ =	swait.ge [sflag:s29], $0x2000  }
0x90: {  	[sflag:s29] =	ssyncset.done $0x0  }
0x91: {  	s19 =	simm.s32 $0x13B00;
	[sflag:s29] =	ssyncadd.s32 $0xFFFFE000  }
0x92: {  	[tilespmem:s16], [sflag:$0x3] =	stream.indirect.gather [spmem:s3], $0x40, s19, s13, $0xb8;
	[tilespmem:$0x1E6C0] =	vst v63  }
0x93: {  	_ =	swait.ge [sflag:s10], $0x2000  }
0x94: {  	[sflag:s10] =	ssyncset.done $0x0  }
0x95: {  	s15 =	simm.s32 $0x16120;
	[sflag:s10] =	ssyncadd.s32 $0xFFFFE000  }
0x96: {  	[spmem:s2] =	stream.indirect.scatter.add.f32 [tilespmem:s5], [sflag:$0x4], $0x40, s15, s13, $0xb8;
	[tilespmem:$0x1E6C0] =	vst v63  }
0x97: {  	_ =	swait.ge [sflag:s17], $0x2000  }
0x98: {  	[sflag:s17] =	ssyncset.done $0x0  }
0x99: {  	s19 =	simm.s32 $0x13B80;
	[sflag:s17] =	ssyncadd.s32 $0xFFFFE000  }
0x9a: {  	[tilespmem:s5], [sflag:$0x1] =	stream.indirect.gather [spmem:s3], $0x40, s19, s13, $0xb8;
	[tilespmem:$0x1E6C0] =	vst v63  }
0x9b: {  	_ =	swait.ge [sflag:s20], $0x2000  }
0x9c: {  	[sflag:s20] =	ssyncset.done $0x0  }
0x9d: {  	s15 =	simm.s32 $0x161A0;
	[sflag:s20] =	ssyncadd.s32 $0xFFFFE000  }
0x9e: {  	[spmem:s2] =	stream.indirect.scatter.add.f32 [tilespmem:s9], [sflag:$0x5], $0x40, s15, s13, $0xb8;
	[tilespmem:$0x1E6C0] =	vst v63  }
0x9f: {  	_ =	swait.ge [sflag:s23], $0x2000  }
0xa0: {  	[sflag:s23] =	ssyncset.done $0x0  }
0xa1: {  	s19 =	simm.s32 $0x13C00;
	[sflag:s23] =	ssyncadd.s32 $0xFFFFE000  }
0xa2: {  	[tilespmem:s9], [sflag:$0x2] =	stream.indirect.gather [spmem:s3], $0x40, s19, s13, $0xb8;
	[tilespmem:$0x1E6C0] =	vst v63  }
0xa3: {  	_ =	swait.ge [sflag:s26], $0x2000  }
0xa4: {  	[sflag:s26] =	ssyncset.done $0x0  }
0xa5: {  	s14 =	simm.s32 $0x600;
	s15 =	simm.s32 $0x16220;
	[sflag:s26] =	ssyncadd.s32 $0xFFFFE000  }
.LBB2_2:
0xa6: {  	[spmem:s2] =	stream.indirect.scatter.add.f32 [tilespmem:s16], [sflag:$0x6], $0x40, s15, s13, $0xb8;
	[tilespmem:$0x1E6C0] =	vst v63  }
0xa7: {  	s15 =	smov.u32 s14;
	s14 =	sadd.s32 $0x600, s14;
	_ =	swait.ge [sflag:s29], $0x2000  }
0xa8: {  	s15 =	sshra.s32 s15, $0x2;
	p0 =	sne.s32 s14, $0x9000;
	[sflag:s29] =	ssyncset.done $0x0  }
0xa9: {  	s19 =	sadd.s32 $0x13B00, s15;
	[sflag:s29] =	ssyncadd.s32 $0xFFFFE000  }
0xaa: {  	[tilespmem:s16], [sflag:$0x3] =	stream.indirect.gather [spmem:s3], $0x40, s19, s13, $0xb8;
	[tilespmem:$0x1E6C0] =	vst v63  }
0xab: {  	_ =	swait.ge [sflag:s10], $0x2000  }
0xac: {  	[sflag:s10] =	ssyncset.done $0x0  }
0xad: {  	s19 =	sadd.s32 $0x16120, s15;
	[sflag:s10] =	ssyncadd.s32 $0xFFFFE000  }
0xae: {  	[spmem:s2] =	stream.indirect.scatter.add.f32 [tilespmem:s5], [sflag:$0x4], $0x40, s19, s13, $0xb8;
	[tilespmem:$0x1E6C0] =	vst v63  }
0xaf: {  	_ =	swait.ge [sflag:s17], $0x2000  }
0xb0: {  	[sflag:s17] =	ssyncset.done $0x0  }
0xb1: {  	s19 =	sadd.s32 $0x13B80, s15;
	[sflag:s17] =	ssyncadd.s32 $0xFFFFE000  }
0xb2: {  	[tilespmem:s5], [sflag:$0x1] =	stream.indirect.gather [spmem:s3], $0x40, s19, s13, $0xb8;
	[tilespmem:$0x1E6C0] =	vst v63  }
0xb3: {  	_ =	swait.ge [sflag:s20], $0x2000  }
0xb4: {  	[sflag:s20] =	ssyncset.done $0x0  }
0xb5: {  	s19 =	sadd.s32 $0x161A0, s15;
	[sflag:s20] =	ssyncadd.s32 $0xFFFFE000  }
0xb6: {  	[spmem:s2] =	stream.indirect.scatter.add.f32 [tilespmem:s9], [sflag:$0x5], $0x40, s19, s13, $0xb8;
	[tilespmem:$0x1E6C0] =	vst v63  }
0xb7: {  	_ =	swait.ge [sflag:s23], $0x2000  }
0xb8: {  	[sflag:s23] =	ssyncset.done $0x0  }
.Ltmp0:
0xb9: {  	s19 =	sadd.s32 $0x13C00, s15;
	[sflag:s23] =	ssyncadd.s32 $0xFFFFE000;
	(pc) =	sbr.rel @p0 .LBB2_2-.Ltmp0, $4  }
0xba: {  	[tilespmem:s9], [sflag:$0x2] =	stream.indirect.gather [spmem:s3], $0x40, s19, s13, $0xb8;
	[tilespmem:$0x1E6C0] =	vst v63  }
0xbb: {  	_ =	swait.ge [sflag:s26], $0x2000  }
0xbc: {  	[sflag:s26] =	ssyncset.done $0x0  }
0xbd: {  	s15 =	sadd.s32 $0x16220, s15;
	[sflag:s26] =	ssyncadd.s32 $0xFFFFE000  }
0xbe: {  	[spmem:s2] =	stream.indirect.scatter.add.f32 [tilespmem:s16], [sflag:$0x6], $0x40, s15, s13, $0xb8;
	[tilespmem:$0x1E6C0] =	vst v63  }
0xbf: {  	_ =	swait.ge [sflag:s29], $0x2000  }
0xc0: {  	s14 =	sshra.s32 s14, $0x2;
	[sflag:s29] =	ssyncset.done $0x0  }
0xc1: {  	s19 =	sadd.s32 $0x13B00, s14;
	[sflag:s29] =	ssyncadd.s32 $0xFFFFE000  }
0xc2: {  	[tilespmem:s16], [sflag:$0x3] =	stream.indirect.gather [spmem:s3], $0x40, s19, s13, $0xb8;
	[tilespmem:$0x1E6C0] =	vst v63  }
0xc3: {  	_ =	swait.ge [sflag:s10], $0x2000  }
0xc4: {  	[sflag:s10] =	ssyncset.done $0x0  }
0xc5: {  	s19 =	sadd.s32 $0x16120, s14;
	[sflag:s10] =	ssyncadd.s32 $0xFFFFE000  }
0xc6: {  	[spmem:s2] =	stream.indirect.scatter.add.f32 [tilespmem:s5], [sflag:$0x4], $0x40, s19, s13, $0xb8;
	[tilespmem:$0x1E6C0] =	vst v63  }
0xc7: {  	_ =	swait.ge [sflag:s17], $0x2000  }
0xc8: {  	[sflag:s17] =	ssyncset.done $0x0  }
0xc9: {  	[sflag:s17] =	ssyncadd.s32 $0xFFFFE000  }
0xca: {  	_ =	swait.ge [sflag:s20], $0x2000  }
0xcb: {  	[sflag:s20] =	ssyncset.done $0x0  }
0xcc: {  	s19 =	sadd.s32 $0x161A0, s14;
	[sflag:s20] =	ssyncadd.s32 $0xFFFFE000  }
0xcd: {  	[spmem:s2] =	stream.indirect.scatter.add.f32 [tilespmem:s9], [sflag:$0x5], $0x40, s19, s13, $0xb8;
	[tilespmem:$0x1E6C0] =	vst v63  }
0xce: {  	_ =	swait.ge [sflag:s23], $0x2000  }
0xcf: {  	[sflag:s23] =	ssyncset.done $0x0  }
0xd0: {  	[sflag:s23] =	ssyncadd.s32 $0xFFFFE000  }
0xd1: {  	_ =	swait.ge [sflag:s26], $0x2000  }
0xd2: {  	[sflag:s26] =	ssyncset.done $0x0  }
0xd3: {  	s14 =	sadd.s32 $0x16220, s14;
	[sflag:s26] =	ssyncadd.s32 $0xFFFFE000  }
0xd4: {  	[spmem:s2] =	stream.indirect.scatter.add.f32 [tilespmem:s16], [sflag:$0x6], $0x40, s14, s13, $0xb8;
	[tilespmem:$0x1E6C0] =	vst v63  }
0xd5: {  	_ =	swait.ge [sflag:s29], $0x2000  }
0xd6: {  	[sflag:s29] =	ssyncset.done $0x0  }
0xd7: {  	s14 =	simm.s32 $0x0;
	s19 =	rddreg [dreg:$0x17];
	[sflag:s29] =	ssyncadd.s32 $0xFFFFE000  }
0xd8: {  	[tilespmem:s11], [sflag:$0x7] =	stream.linear.gather [hbm4b:s19+s14], $0x2700, $0x38;
	[tilespmem:$0x1E6C0] =	vst v63  }
0xd9: {  	_ =	swait.ge [sflag:s8], $0x2700  }
0xda: {  	[sflag:s8] =	ssyncset.done $0x0  }
0xdb: {  	s19 =	rddreg [dreg:$0x18];
	[sflag:s8] =	ssyncadd.s32 $0xFFFFD900  }
0xdc: {  	[tilespmem:s12], [sflag:$0x7] =	stream.linear.gather [hbm4b:s19+s14], $0x2700, $0x38;
	[tilespmem:$0x1E6C0] =	vst v63  }
0xdd: {  	_ =	swait.ge [sflag:s8], $0x2700  }
0xde: {  	[sflag:s8] =	ssyncset.done $0x0  }
0xdf: {  	s19 =	rddreg [dreg:$0x19];
	[sflag:s8] =	ssyncadd.s32 $0xFFFFD900  }
0xe0: {  	[tilespmem:s30], [sflag:$0x7] =	stream.linear.gather [hbm4b:s19+s14], $0x20, $0x38;
	[tilespmem:$0x1E6C0] =	vst v63  }
0xe1: {  	_ =	swait.ge [sflag:s8], $0x20  }
0xe2: {  	[sflag:s8] =	ssyncset.done $0x0  }
0xe3: {  	s19 =	rddreg [dreg:$0x1a];
	[sflag:s8] =	ssyncadd.s32 $0xFFFFFFE0  }
0xe4: {  	[tilespmem:s31], [sflag:$0x7] =	stream.linear.gather [hbm4b:s19+s14], $0x20, $0x38;
	[tilespmem:$0x1E6C0] =	vst v63  }
0xe5: {  	_ =	swait.ge [sflag:s8], $0x20  }
0xe6: {  	[sflag:s8] =	ssyncset.done $0x0  }
0xe7: {  	[sflag:s8] =	ssyncadd.s32 $0xFFFFFFE0  }
0xe8: {  	[tilespmem:s5], [sflag:$0x1] =	stream.indirect.gather [spmem:s3], $0x40, s11, s13, $0xb8;
	[tilespmem:$0x1E6C0] =	vst v63  }
0xe9: {  	s15 =	simm.s32 $0x13900  }
0xea: {  	[tilespmem:s9], [sflag:$0x2] =	stream.indirect.gather [spmem:s3], $0x40, s15, s13, $0xb8;
	[tilespmem:$0x1E6C0] =	vst v63  }
0xeb: {  	s19 =	simm.s32 $0x13980  }
0xec: {  	[tilespmem:s16], [sflag:$0x3] =	stream.indirect.gather [spmem:s3], $0x40, s19, s13, $0xb8;
	[tilespmem:$0x1E6C0] =	vst v63  }
0xed: {  	_ =	swait.ge [sflag:s10], $0x2000  }
0xee: {  	[sflag:s10] =	ssyncset.done $0x0  }
0xef: {  	[sflag:s10] =	ssyncadd.s32 $0xFFFFE000  }
0xf0: {  	[spmem:s2] =	stream.indirect.scatter.add.f32 [tilespmem:s5], [sflag:$0x4], $0x40, s12, s13, $0xb8;
	[tilespmem:$0x1E6C0] =	vst v63  }
0xf1: {  	_ =	swait.ge [sflag:s17], $0x2000  }
0xf2: {  	[sflag:s17] =	ssyncset.done $0x0  }
0xf3: {  	s15 =	simm.s32 $0x13A00;
	[sflag:s17] =	ssyncadd.s32 $0xFFFFE000  }
0xf4: {  	[tilespmem:s5], [sflag:$0x1] =	stream.indirect.gather [spmem:s3], $0x40, s15, s13, $0xb8;
	[tilespmem:$0x1E6C0] =	vst v63  }
0xf5: {  	_ =	swait.ge [sflag:s20], $0x2000  }
0xf6: {  	[sflag:s20] =	ssyncset.done $0x0  }
0xf7: {  	[sflag:s20] =	ssyncadd.s32 $0xFFFFE000  }
0xf8: {  	[spmem:s2] =	stream.indirect.scatter.add.f32 [tilespmem:s9], [sflag:$0x5], $0x40, s21, s13, $0xb8;
	[tilespmem:$0x1E6C0] =	vst v63  }
0xf9: {  	_ =	swait.ge [sflag:s23], $0x2000  }
0xfa: {  	[sflag:s23] =	ssyncset.done $0x0  }
0xfb: {  	[sflag:s23] =	ssyncadd.s32 $0xFFFFE000  }
0xfc: {  	[tilespmem:s9], [sflag:$0x2] =	stream.indirect.gather [spmem:s3], $0x40, s25, s13, $0xb8;
	[tilespmem:$0x1E6C0] =	vst v63  }
0xfd: {  	_ =	swait.ge [sflag:s26], $0x2000  }
0xfe: {  	[sflag:s26] =	ssyncset.done $0x0  }
0xff: {  	[sflag:s26] =	ssyncadd.s32 $0xFFFFE000  }
0x100: {  	[spmem:s2] =	stream.indirect.scatter.add.f32 [tilespmem:s16], [sflag:$0x6], $0x40, s28, s13, $0xb8;
	[tilespmem:$0x1E6C0] =	vst v63  }
0x101: {  	_ =	swait.ge [sflag:s29], $0x2000  }
0x102: {  	[sflag:s29] =	ssyncset.done $0x0  }
0x103: {  	s19 =	simm.s32 $0x13B00;
	[sflag:s29] =	ssyncadd.s32 $0xFFFFE000  }
0x104: {  	[tilespmem:s16], [sflag:$0x3] =	stream.indirect.gather [spmem:s3], $0x40, s19, s13, $0xb8;
	[tilespmem:$0x1E6C0] =	vst v63  }
0x105: {  	_ =	swait.ge [sflag:s10], $0x2000  }
0x106: {  	[sflag:s10] =	ssyncset.done $0x0  }
0x107: {  	s15 =	simm.s32 $0x16120;
	[sflag:s10] =	ssyncadd.s32 $0xFFFFE000  }
0x108: {  	[spmem:s2] =	stream.indirect.scatter.add.f32 [tilespmem:s5], [sflag:$0x4], $0x40, s15, s13, $0xb8;
	[tilespmem:$0x1E6C0] =	vst v63  }
0x109: {  	_ =	swait.ge [sflag:s17], $0x2000  }
0x10a: {  	[sflag:s17] =	ssyncset.done $0x0  }
0x10b: {  	s19 =	simm.s32 $0x13B80;
	[sflag:s17] =	ssyncadd.s32 $0xFFFFE000  }
0x10c: {  	[tilespmem:s5], [sflag:$0x1] =	stream.indirect.gather [spmem:s3], $0x40, s19, s13, $0xb8;
	[tilespmem:$0x1E6C0] =	vst v63  }
0x10d: {  	_ =	swait.ge [sflag:s20], $0x2000  }
0x10e: {  	[sflag:s20] =	ssyncset.done $0x0  }
0x10f: {  	s15 =	simm.s32 $0x161A0;
	[sflag:s20] =	ssyncadd.s32 $0xFFFFE000  }
0x110: {  	[spmem:s2] =	stream.indirect.scatter.add.f32 [tilespmem:s9], [sflag:$0x5], $0x40, s15, s13, $0xb8;
	[tilespmem:$0x1E6C0] =	vst v63  }
0x111: {  	_ =	swait.ge [sflag:s23], $0x2000  }
0x112: {  	[sflag:s23] =	ssyncset.done $0x0  }
0x113: {  	s19 =	simm.s32 $0x13C00;
	[sflag:s23] =	ssyncadd.s32 $0xFFFFE000  }
0x114: {  	[tilespmem:s9], [sflag:$0x2] =	stream.indirect.gather [spmem:s3], $0x40, s19, s13, $0xb8;
	[tilespmem:$0x1E6C0] =	vst v63  }
0x115: {  	_ =	swait.ge [sflag:s26], $0x2000  }
0x116: {  	[sflag:s26] =	ssyncset.done $0x0  }
0x117: {  	s14 =	simm.s32 $0x600;
	s15 =	simm.s32 $0x16220;
	[sflag:s26] =	ssyncadd.s32 $0xFFFFE000  }
.LBB2_4:
0x118: {  	[spmem:s2] =	stream.indirect.scatter.add.f32 [tilespmem:s16], [sflag:$0x6], $0x40, s15, s13, $0xb8;
	[tilespmem:$0x1E6C0] =	vst v63  }
0x119: {  	s15 =	smov.u32 s14;
	s14 =	sadd.s32 $0x600, s14;
	_ =	swait.ge [sflag:s29], $0x2000  }
0x11a: {  	s15 =	sshra.s32 s15, $0x2;
	p0 =	sne.s32 s14, $0x9000;
	[sflag:s29] =	ssyncset.done $0x0  }
0x11b: {  	s19 =	sadd.s32 $0x13B00, s15;
	[sflag:s29] =	ssyncadd.s32 $0xFFFFE000  }
0x11c: {  	[tilespmem:s16], [sflag:$0x3] =	stream.indirect.gather [spmem:s3], $0x40, s19, s13, $0xb8;
	[tilespmem:$0x1E6C0] =	vst v63  }
0x11d: {  	_ =	swait.ge [sflag:s10], $0x2000  }
0x11e: {  	[sflag:s10] =	ssyncset.done $0x0  }
0x11f: {  	s19 =	sadd.s32 $0x16120, s15;
	[sflag:s10] =	ssyncadd.s32 $0xFFFFE000  }
0x120: {  	[spmem:s2] =	stream.indirect.scatter.add.f32 [tilespmem:s5], [sflag:$0x4], $0x40, s19, s13, $0xb8;
	[tilespmem:$0x1E6C0] =	vst v63  }
0x121: {  	_ =	swait.ge [sflag:s17], $0x2000  }
0x122: {  	[sflag:s17] =	ssyncset.done $0x0  }
0x123: {  	s19 =	sadd.s32 $0x13B80, s15;
	[sflag:s17] =	ssyncadd.s32 $0xFFFFE000  }
0x124: {  	[tilespmem:s5], [sflag:$0x1] =	stream.indirect.gather [spmem:s3], $0x40, s19, s13, $0xb8;
	[tilespmem:$0x1E6C0] =	vst v63  }
0x125: {  	_ =	swait.ge [sflag:s20], $0x2000  }
0x126: {  	[sflag:s20] =	ssyncset.done $0x0  }
0x127: {  	s19 =	sadd.s32 $0x161A0, s15;
	[sflag:s20] =	ssyncadd.s32 $0xFFFFE000  }
0x128: {  	[spmem:s2] =	stream.indirect.scatter.add.f32 [tilespmem:s9], [sflag:$0x5], $0x40, s19, s13, $0xb8;
	[tilespmem:$0x1E6C0] =	vst v63  }
0x129: {  	_ =	swait.ge [sflag:s23], $0x2000  }
0x12a: {  	[sflag:s23] =	ssyncset.done $0x0  }
.Ltmp1:
0x12b: {  	s19 =	sadd.s32 $0x13C00, s15;
	[sflag:s23] =	ssyncadd.s32 $0xFFFFE000;
	(pc) =	sbr.rel @p0 .LBB2_4-.Ltmp1, $4  }
0x12c: {  	[tilespmem:s9], [sflag:$0x2] =	stream.indirect.gather [spmem:s3], $0x40, s19, s13, $0xb8;
	[tilespmem:$0x1E6C0] =	vst v63  }
0x12d: {  	_ =	swait.ge [sflag:s26], $0x2000  }
0x12e: {  	[sflag:s26] =	ssyncset.done $0x0  }
0x12f: {  	s15 =	sadd.s32 $0x16220, s15;
	[sflag:s26] =	ssyncadd.s32 $0xFFFFE000  }
0x130: {  	[spmem:s2] =	stream.indirect.scatter.add.f32 [tilespmem:s16], [sflag:$0x6], $0x40, s15, s13, $0xb8;
	[tilespmem:$0x1E6C0] =	vst v63  }
0x131: {  	_ =	swait.ge [sflag:s29], $0x2000  }
0x132: {  	s14 =	sshra.s32 s14, $0x2;
	[sflag:s29] =	ssyncset.done $0x0  }
0x133: {  	s19 =	sadd.s32 $0x13B00, s14;
	[sflag:s29] =	ssyncadd.s32 $0xFFFFE000  }
0x134: {  	[tilespmem:s16], [sflag:$0x3] =	stream.indirect.gather [spmem:s3], $0x40, s19, s13, $0xb8;
	[tilespmem:$0x1E6C0] =	vst v63  }
0x135: {  	_ =	swait.ge [sflag:s10], $0x2000  }
0x136: {  	[sflag:s10] =	ssyncset.done $0x0  }
0x137: {  	s19 =	sadd.s32 $0x16120, s14;
	[sflag:s10] =	ssyncadd.s32 $0xFFFFE000  }
0x138: {  	[spmem:s2] =	stream.indirect.scatter.add.f32 [tilespmem:s5], [sflag:$0x4], $0x40, s19, s13, $0xb8;
	[tilespmem:$0x1E6C0] =	vst v63  }
0x139: {  	_ =	swait.ge [sflag:s17], $0x2000  }
0x13a: {  	[sflag:s17] =	ssyncset.done $0x0  }
0x13b: {  	[sflag:s17] =	ssyncadd.s32 $0xFFFFE000  }
0x13c: {  	_ =	swait.ge [sflag:s20], $0x2000  }
0x13d: {  	[sflag:s20] =	ssyncset.done $0x0  }
0x13e: {  	s19 =	sadd.s32 $0x161A0, s14;
	[sflag:s20] =	ssyncadd.s32 $0xFFFFE000  }
0x13f: {  	[spmem:s2] =	stream.indirect.scatter.add.f32 [tilespmem:s9], [sflag:$0x5], $0x40, s19, s13, $0xb8;
	[tilespmem:$0x1E6C0] =	vst v63  }
0x140: {  	_ =	swait.ge [sflag:s23], $0x2000  }
0x141: {  	[sflag:s23] =	ssyncset.done $0x0  }
0x142: {  	[sflag:s23] =	ssyncadd.s32 $0xFFFFE000  }
0x143: {  	_ =	swait.ge [sflag:s26], $0x2000  }
0x144: {  	[sflag:s26] =	ssyncset.done $0x0  }
0x145: {  	s14 =	sadd.s32 $0x16220, s14;
	[sflag:s26] =	ssyncadd.s32 $0xFFFFE000  }
0x146: {  	[spmem:s2] =	stream.indirect.scatter.add.f32 [tilespmem:s16], [sflag:$0x6], $0x40, s14, s13, $0xb8;
	[tilespmem:$0x1E6C0] =	vst v63  }
0x147: {  	_ =	swait.ge [sflag:s29], $0x2000  }
0x148: {  	[sflag:s29] =	ssyncset.done $0x0  }
0x149: {  	[sflag:s29] =	ssyncadd.s32 $0xFFFFE000  }
0x14a: {  	[tilespmem:s5], [sflag:$0x1] =	stream.indirect.gather [spmem:s3], $0x40, s30, s0, $0xb8;
	[tilespmem:$0x1E6C0] =	vst v63  }
0x14b: {  	_ =	swait.ge [sflag:s10], $0x800  }
0x14c: {  	[sflag:s10] =	ssyncset.done $0x0  }
0x14d: {  	[sflag:s10] =	ssyncadd.s32 $0xFFFFF800  }
0x14e: {  	[spmem:s2] =	stream.indirect.scatter.add.f32 [tilespmem:s5], [sflag:$0x4], $0x40, s31, s0, $0xb8;
	[tilespmem:$0x1E6C0] =	vst v63  }
0x14f: {  	_ =	swait.ge [sflag:s17], $0x800  }
0x150: {  	[sflag:s17] =	ssyncset.done $0x0  }
0x151: {  	[sflag:s17] =	ssyncadd.s32 $0xFFFFF800  }
0x152: {  	[bflag:$0x0] =	sbarrier.arrive $0xFFFF  }
0x153: {  	[tilespmem:s5], [sflag:$0x7] =	stream.linear.gather [spmem:s6], $0x1F40, $0x38;
	[tilespmem:$0x1E6C0] =	vst v63  }
0x154: {  	_ =	swait.ge [sflag:s8], $0x1F40  }
0x155: {  	[sflag:s8] =	ssyncset.done $0x0  }
0x156: {  	s15 =	rddreg [dreg:$0xb];
	[sflag:s8] =	ssyncadd.s32 $0xFFFFE0C0  }
0x157: {  	[hbm4b:s15+s4] =	stream.linear.scatter [tilespmem:s5], [sflag:$0x7], $0x1F40, $0x38;
	[tilespmem:$0x1E6C0] =	vst v63  }
0x158: {  	_ =	swait.ge [sflag:s8], $0x1F40  }
0x159: {  	[sflag:s8] =	ssyncset.done $0x0  }
0x15a: {  	[sflag:s8] =	ssyncadd.s32 $0xFFFFE0C0  }
0x15b: {  	[tilespmem:s5], [sflag:$0x7] =	stream.linear.gather [spmem:s7], $0x1F40, $0x38;
	[tilespmem:$0x1E6C0] =	vst v63  }
0x15c: {  	_ =	swait.ge [sflag:s8], $0x1F40  }
0x15d: {  	[sflag:s8] =	ssyncset.done $0x0  }
0x15e: {  	s19 =	rddreg [dreg:$0xc];
	[sflag:s8] =	ssyncadd.s32 $0xFFFFE0C0  }
0x15f: {  	[hbm4b:s19+s4] =	stream.linear.scatter [tilespmem:s5], [sflag:$0x7], $0x1F40, $0x38;
	[tilespmem:$0x1E6C0] =	vst v63  }
0x160: {  	_ =	swait.ge [sflag:s8], $0x1F40  }
0x161: {  	[sflag:s8] =	ssyncset.done $0x0  }
0x162: {  	[sflag:s8] =	ssyncadd.s32 $0xFFFFE0C0  }
0x163: {  	[tilespmem:s5], [sflag:$0x7] =	stream.linear.gather [spmem:s18], $0x1F40, $0x38;
	[tilespmem:$0x1E6C0] =	vst v63  }
0x164: {  	_ =	swait.ge [sflag:s8], $0x1F40  }
0x165: {  	[sflag:s8] =	ssyncset.done $0x0  }
0x166: {  	s15 =	rddreg [dreg:$0xd];
	[sflag:s8] =	ssyncadd.s32 $0xFFFFE0C0  }
0x167: {  	[hbm4b:s15+s4] =	stream.linear.scatter [tilespmem:s5], [sflag:$0x7], $0x1F40, $0x38;
	[tilespmem:$0x1E6C0] =	vst v63  }
0x168: {  	_ =	swait.ge [sflag:s8], $0x1F40  }
0x169: {  	[sflag:s8] =	ssyncset.done $0x0  }
0x16a: {  	[sflag:s8] =	ssyncadd.s32 $0xFFFFE0C0  }
0x16b: {  	[tilespmem:s5], [sflag:$0x7] =	stream.linear.gather [spmem:s22], $0x1F40, $0x38;
	[tilespmem:$0x1E6C0] =	vst v63  }
0x16c: {  	_ =	swait.ge [sflag:s8], $0x1F40  }
0x16d: {  	[sflag:s8] =	ssyncset.done $0x0  }
0x16e: {  	s19 =	rddreg [dreg:$0xe];
	[sflag:s8] =	ssyncadd.s32 $0xFFFFE0C0  }
0x16f: {  	[hbm4b:s19+s4] =	stream.linear.scatter [tilespmem:s5], [sflag:$0x7], $0x1F40, $0x38;
	[tilespmem:$0x1E6C0] =	vst v63  }
0x170: {  	_ =	swait.ge [sflag:s8], $0x1F40  }
0x171: {  	[sflag:s8] =	ssyncset.done $0x0  }
0x172: {  	[sflag:s8] =	ssyncadd.s32 $0xFFFFE0C0  }
0x173: {  	[tilespmem:s5], [sflag:$0x7] =	stream.linear.gather [spmem:s24], $0x1F40, $0x38;
	[tilespmem:$0x1E6C0] =	vst v63  }
0x174: {  	_ =	swait.ge [sflag:s8], $0x1F40  }
0x175: {  	[sflag:s8] =	ssyncset.done $0x0  }
0x176: {  	s15 =	rddreg [dreg:$0xf];
	[sflag:s8] =	ssyncadd.s32 $0xFFFFE0C0  }
0x177: {  	[hbm4b:s15+s4] =	stream.linear.scatter [tilespmem:s5], [sflag:$0x7], $0x1F40, $0x38;
	[tilespmem:$0x1E6C0] =	vst v63  }
0x178: {  	_ =	swait.ge [sflag:s8], $0x1F40  }
0x179: {  	s1 =	sadd.s32 $0x1, s1;
	s19 =	rddreg [dreg:$0x1b]  }
0x17a: {  	p0 =	sne.s32 s1, s19  }
.Ltmp2:
0x17b: {  	_ = 	snop;
	(pc) =	sbr.rel @p0 .LBB2_1-.Ltmp2, $3  }
0x17c: {  	_ =	sdelay $0x1  }
0x17d: {  	[sflag:s8] =	ssyncset.done $0x0  }
0x17e: {  	[sflag:s8] =	ssyncadd.s32 $0xFFFFE0C0  }
0x17f: {  	_ =	sfence.sel $0x180000  }
0x180: {  	[bflag:$0x0] =	sbarrier.arrive $0xFFFF  }
0x181: {  	_ =	strace $0x9000004A  }
0x182: {  	s0 =	stileid.u32;
	[bflag:$0x2] =	sbarrier.arrive $0xFFFF  }
0x183: {  	p0 =	sne.s32 s0, $0x0;
	s0 =	rddreg [dreg:$0x4]  }
0x184: {  	s0 =	sadd.s32 @!p0 $0x100000, s0  }
0x185: {  	[sflag:s0] =	ssyncadd.tile.s32 @!p0 $0x1;
	_ =	shalt  }
.Lfunc_end2:
_tile_overlayer_lowered:
.L_overlay_start_2:
0x186: {  	(tag) =	ssettag $0x2  }
0x187: {  	s0 =	rddreg [dreg:$0x0];
	s2 =	stileid.u32  }
0x188: {  	s1 =	rddreg [dreg:$0x1];
	p0 =	sne.s32 s2, $0x0  }
0x189: {  	s3 =	rddreg [dreg:$0x2];
	[bflag:$0x3] =	sbarrier.arrive $0xFFFF;
	s2 =	simm.s32 @!p0 $0x1C07  }
0x18a: {  	[timem:s3], [sflag:s2] =	dma.local @!p0 [hbm:s0], s1  }
0x18b: {  	s0 =	simm.s32 @!p0 $0x7  }
0x18c: {  	_ =	swait.ge @!p0 [sflag:s0], s1  }
0x18d: {  	s1 =	ssub.s32 @!p0 $0x0, s1;
	[sflag:s0] =	ssyncset.done @!p0 $0x0  }
0x18e: {  	[sflag:s0] =	ssyncadd.s32 @!p0 s1  }
0x18f: {  	[bflag:$0x3] =	sbarrier.arrive $0xFFFF  }
0x190: {  	_ =	shalt  }

// kernel: kernel.7.cloned.1.call-start
scs
__scs_entry_jumppad:
0x0: {  	(pc) =	sbr.rel $0x88, $3  }
0x1: {  	(tag) =	ssettag $0x0;
	lr =	simm.s32 $0x1  }
0x2: {  	[smem:$0x3F9C] =	sst lr;
	_ =	strace $0xD0000000  }
0x3: {  	_ = 	snop  }
0x4: {  	_ = 	snop  }
0x5: {  	_ = 	snop  }
0x6: {  	_ = 	snop  }
0x7: {  	_ = 	snop  }
__scs_overlays_trampoline_lowered:
0x8: {  	[smem:$0x3FAB] =	sst s0  }
0x9: {  	[smem:$0x3FAC] =	sst s1  }
0xa: {  	[smem:$0x3FAD] =	sst s2  }
0xb: {  	[smem:$0x3FAE] =	sst s3  }
0xc: {  	[smem:$0x3FAF] =	sst s4  }
0xd: {  	[smem:$0x3FB0] =	sst s5  }
0xe: {  	[smem:$0x3FB1] =	sst s6  }
0xf: {  	[smem:$0x3FB2] =	sst s7  }
0x10: {  	[smem:$0x3FB3] =	sst s8  }
0x11: {  	[smem:$0x3FB4] =	sst s9;
	s0 =	simm.s32 @!p0 $0x0  }
0x12: {  	s1 =	sld [smem:$0x3F9A];
	s0 =	simm.s32 @p0 $0x1  }
0x13: {  	[smem:$0x3FB5] =	sst s0;
	s0 =	simm.s32 @!p1 $0x0  }
0x14: {  	s2 =	sld [smem:$0x3F99];
	s0 =	simm.s32 @p1 $0x1  }
0x15: {  	[smem:$0x3FB6] =	sst s0;
	s0 =	simm.s32 @!p2 $0x0  }
0x16: {  	s3 =	sld [smem:$0x3FDB];
	s0 =	simm.s32 @p2 $0x1  }
0x17: {  	s4 =	simm.s32 $0x1BF5;
	[smem:$0x3FB8] =	sst s0  }
0x18: {  	s0 =	sld [smem:$0x3F9B];
	_ =	swait.ge [sflag:s4], $0x0  }
0x19: {  	s7 =	sld [smem:$0x3F9C]  }
0x1a: {  	s8 =	sadd.s32 $0xFFFFE003, lr  }
0x1b: {  	s9 =	sadd.s32 $0xFFFFFEF7, lr;
	s5 =	simm.s32 $0xFFFFFFFF;
	p2 =	slt.u32 s8, $0xFFFFF086  }
0x1c: {  	p1 =	slt.u32 s9, $0xF7A;
	s5 =	simm.s32 @!p2 $0x0  }
0x1d: {  	s5 =	simm.s32 @p1 $0x1;
	p0 =	seq.s32 s7, s2  }
0x1e: {  	s7 =	smul.u32 @!p0 $0xF7A, s2;
	p2 =	seq.s32 @!p0 s5, $0x0  }
0x1f: {  	s9 =	smul.u32 $0xF7A, s1;
	s8 =	simm.s32 @!p0 $0x1BF5;
	p2 =	por !p2, p0  }
0x20: {  	[sflag:s8] =	ssyncset.s32 @!p0 $0xFFFFF086;
	s6 =	sadd.s32 @!p0 s3, s7;
	s7 =	simm.s32 @!p0 $0x108  }
0x21: {  	s3 =	sadd.s32 s3, s9;
	s6 =	sadd.s32 @!p0 $0x88, s6;
	s7 =	simm.s32 @p2 $0x1082  }
0x22: {  	[simem:s7], [sflag:s8] =	dma.local @!p0 [hbm:s6], $0xF7A  }
0x23: {  	s9 =	sor.u32 $0xD0000000, s2;
	s6 =	simm.s32 $0x108;
	_ =	swait.ge @!p0 [sflag:s8], $0x0  }
0x24: {  	s3 =	sadd.s32 $0x88, s3;
	s6 =	simm.s32 @!p1 $0x1082;
	[sflag:s4] =	ssyncset.s32 $0xFFFFF086  }
0x25: {  	[simem:s6], [sflag:s4] =	dma.local [hbm:s3], $0xF7A  }
0x26: {  	[smem:$0x3F9C] =	sst s1;
	(tag) =	ssettag s2;
	_ =	strace s9  }
0x27: {  	s1 =	sld [smem:$0x3FAC]  }
0x28: {  	s2 =	sld [smem:$0x3FAD]  }
0x29: {  	s4 =	sld [smem:$0x3FAF]  }
0x2a: {  	p0 =	seq.s32 s5, $0x0;
	s5 =	sld [smem:$0x3FB0]  }
0x2b: {  	s6 =	sld [smem:$0x3FB1]  }
0x2c: {  	s7 =	sld [smem:$0x3FB2]  }
0x2d: {  	s3 =	simm.s32 $0x108;
	s8 =	sld [smem:$0x3FB3]  }
0x2e: {  	s3 =	simm.s32 @!p0 $0x1082;
	s9 =	sld [smem:$0x3FB4]  }
0x2f: {  	lr =	sadd.s32 s0, s3;
	s0 =	sld [smem:$0x3FAB]  }
0x30: {  	s3 =	sld [smem:$0x3FAE]  }
0x31: {  	[smem:$0x3FB7] =	sst s10  }
0x32: {  	s10 =	sld [smem:$0x3FB5];
	_ =	sdelay $0x3  }
0x33: {  	p0 =	seq.s32 s10, $0x1;
	s10 =	sld [smem:$0x3FB7];
	_ =	sdelay $0x3  }
0x34: {  	[smem:$0x3FB7] =	sst s10  }
0x35: {  	s10 =	sld [smem:$0x3FB6];
	_ =	sdelay $0x3  }
0x36: {  	p1 =	seq.s32 s10, $0x1;
	s10 =	sld [smem:$0x3FB7];
	_ =	sdelay $0x3  }
0x37: {  	[smem:$0x3FB7] =	sst s10  }
0x38: {  	s10 =	sld [smem:$0x3FB8]  }
0x39: {  	_ = 	snop;
	(pc) =	sbr.ind lr, $3  }
0x3a: {  	_ = 	snop  }
0x3b: {  	_ = 	snop  }
0x3c: {  	p2 =	seq.s32 s10, $0x1;
	s10 =	sld [smem:$0x3FB7]  }
0x3d: {  	_ =	shalt  }
0x3e: {  	_ =	shalt  }
0x3f: {  	_ =	shalt  }
0x40: {  	_ =	shalt  }
0x41: {  	_ =	shalt  }
0x42: {  	_ =	shalt  }
0x43: {  	_ =	shalt  }
0x44: {  	_ =	shalt  }
0x45: {  	_ =	shalt  }
0x46: {  	_ =	shalt  }
0x47: {  	_ =	shalt  }
0x48: {  	_ =	shalt  }
0x49: {  	_ =	shalt  }
0x4a: {  	_ =	shalt  }
0x4b: {  	_ =	shalt  }
0x4c: {  	_ =	shalt  }
0x4d: {  	_ =	shalt  }
0x4e: {  	_ =	shalt  }
0x4f: {  	_ =	shalt  }
0x50: {  	_ =	shalt  }
0x51: {  	_ =	shalt  }
0x52: {  	_ =	shalt  }
0x53: {  	_ =	shalt  }
0x54: {  	_ =	shalt  }
0x55: {  	_ =	shalt  }
0x56: {  	_ =	shalt  }
0x57: {  	_ =	shalt  }
0x58: {  	_ =	shalt  }
0x59: {  	_ =	shalt  }
0x5a: {  	_ =	shalt  }
0x5b: {  	_ =	shalt  }
0x5c: {  	_ =	shalt  }
0x5d: {  	_ =	shalt  }
0x5e: {  	_ =	shalt  }
0x5f: {  	_ =	shalt  }
0x60: {  	_ =	shalt  }
0x61: {  	_ =	shalt  }
0x62: {  	_ =	shalt  }
0x63: {  	_ =	shalt  }
0x64: {  	_ =	shalt  }
0x65: {  	_ =	shalt  }
0x66: {  	_ =	shalt  }
0x67: {  	_ =	shalt  }
0x68: {  	_ =	shalt  }
0x69: {  	_ =	shalt  }
0x6a: {  	_ =	shalt  }
0x6b: {  	_ =	shalt  }
0x6c: {  	_ =	shalt  }
0x6d: {  	_ =	shalt  }
0x6e: {  	_ =	shalt  }
0x6f: {  	_ =	shalt  }
0x70: {  	_ =	shalt  }
0x71: {  	_ =	shalt  }
0x72: {  	_ =	shalt  }
0x73: {  	_ =	shalt  }
0x74: {  	_ =	shalt  }
0x75: {  	_ =	shalt  }
0x76: {  	_ =	shalt  }
0x77: {  	_ =	shalt  }
0x78: {  	_ =	shalt  }
0x79: {  	_ =	shalt  }
0x7a: {  	_ =	shalt  }
0x7b: {  	_ =	shalt  }
0x7c: {  	_ =	shalt  }
0x7d: {  	_ =	shalt  }
0x7e: {  	_ =	shalt  }
0x7f: {  	_ =	shalt  }
0x80: {  	_ =	shalt  }
0x81: {  	_ =	shalt  }
0x82: {  	_ =	shalt  }
0x83: {  	_ =	shalt  }
0x84: {  	_ =	shalt  }
0x85: {  	_ =	shalt  }
0x86: {  	_ =	shalt  }
0x87: {  	_ =	shalt  }
.Lfunc_end0:
.L_simem_size_0:
called_computation_lowered:
.L_overlay_start_0:
0x88: {  	s2 =	sld [smem:$0x3FD9]  }
0x89: {  	s3 =	sld [smem:$0x3FFE];
	_ =	sdelay $0x1  }
0x8a: {  	s1 =	srdreg.scid  }
0x8b: {  	s0 =	sand.u32 $0x1, s1  }
0x8c: {  	s17 =	sshll.u32 s0, $0xA;
	s2 =	sadd.s32 s3, s2  }
0x8d: {  	s2 =	sadd.s32 s2, s17  }
0x8e: {  	[smem:$0x3FC3] =	sst s2  }
0x8f: {  	_ = 	snop  }
0x90: {  	s2 =	sld [smem:$0x3FD0];
	(tm) =	ssettm $0x1  }
0x91: {  	s18 =	sld [smem:$0x3FFB];
	_ =	sdelay $0x3  }
0x92: {  	_ =	strace s18  }
0x93: {  	s3 =	sld [smem:$0x3FFC];
	_ =	sdelay $0x3  }
0x94: {  	_ =	strace s3  }
0x95: {  	s3 =	sld [smem:$0x3FFD];
	_ =	sdelay $0x3  }
0x96: {  	_ =	strace s3  }
0x97: {  	_ =	strace $0x8FFFFFFF  }
0x98: {  	s19 =	sld [smem:$0x3FDB];
	_ =	sdelay $0x1  }
0x99: {  	s4 =	simm.s32 $_scs_section_size  }
0x9a: {  	s5 =	simm.s32 $_size__tile_overlayer_lowered;
	s6 =	simm.s32 $_tile_overlayer_lowered  }
0x9b: {  	s22 =	simm.s32 $0x1BFF;
	s21 =	sshll.u32 s6, $0x1;
	s3 =	sadd.s32 s4, s19  }
0x9c: {  	s7 =	simm.s32 $0x0;
	s20 =	sshll.u32 s5, $0x1;
	s5 =	sadd.s32 s21, s3  }
0x9d: {  	[timem:s7], [sflag:s22] =	dma.local [hbm:s5], s20  }
0x9e: {  	_ =	swait.ge [sflag:s22], s20  }
0x9f: {  	s4 =	ssub.s32 $0x0, s20;
	[sflag:s22] =	ssyncset.done $0x0  }
0xa0: {  	[sflag:s22] =	ssyncadd.s32 s4;
	_ =	sdelay $0x1  }
0xa1: {  	s23 =	simm.s32 $0x1B8B  }
0xa2: {  	_ =	swait.ge [sflag:s23], $0x1  }
0xa3: {  	[sflag:s23] =	ssyncset.done $0x0  }
0xa4: {  	s25 =	simm.s32 $0x1B8E;
	s24 =	sld [smem:$0x3FFE];
	[sflag:s23] =	ssyncadd.s32 $0xFFFFFFFF  }
0xa5: {  	s26 =	simm.s32 $execute0_lowered;
	[smem:$0x3FD2] =	sst s25  }
0xa6: {  	s5 =	sshll.u32 s26, $0x1;
	_ =	strace $0x80000046;
	[dreg:$0x1] =	wrdreg $0xFFFFFFFF  }
0xa7: {  	s28 =	simm.s32 $_size_execute0_lowered;
	s3 =	sadd.s32 s3, s5;
	[dreg:$0x0] =	wrdreg $0x0  }
0xa8: {  	s5 =	sshll.u32 s28, $0x1;
	[dreg:$0x2] =	wrdreg s3  }
0xa9: {  	[dreg:$0x3] =	wrdreg s5  }
0xaa: {  	[dreg:$0x4] =	wrdreg $0xC0  }
0xab: {  	_ =	task [dreg:s7], $0x5FFFF  }
0xac: {  	[dreg:$0x1] =	wrdreg $0xFFFFFFFF  }
0xad: {  	[dreg:$0x0] =	wrdreg $0x60  }
0xae: {  	[dreg:$0x2] =	wrdreg s24  }
0xaf: {  	[dreg:$0x3] =	wrdreg s2  }
0xb0: {  	[dreg:$0x4] =	wrdreg $0x0  }
0xb1: {  	[dreg:$0x5] =	wrdreg $0x9  }
0xb2: {  	_ =	task.clear_ibuf [dreg:s7], $0x6FFFF;
	_ =	strace $0x90000046  }
0xb3: {  	s29 =	simm.s32 $0x9;
	_ =	strace $0x80000048  }
0xb4: {  	_ =	swait.ge [sflag:s29], $0x1  }
0xb5: {  	[sflag:s29] =	ssyncadd.s32 $0xFFFFFFFF  }
0xb6: {  	_ =	strace $0x90000048  }
0xb7: {  	_ =	sfence  }
0xb8: {  	s30 =	sld [smem:$0x0];
	_ =	sdelay $0x2  }
0xb9: {  	s31 =	sshll.u32 s1, $0xD;
	s1 =	sshrl.u32 s1, $0x2  }
0xba: {  	s3 =	sand.u32 $0x4000, s31;
	s1 =	sadd.s32 s1, s30  }
0xbb: {  	s0 =	sor.u32 s3, s0;
	s1 =	sshll.u32 s1, $0x11  }
0xbc: {  	s0 =	sor.u32 s1, s0  }
0xbd: {  	s0 =	sadd.s32 $0x8F2B, s0  }
0xbe: {  	[sflag:s0] =	ssyncadd.remote.s32 $0x1  }
0xbf: {  	_ =	sfence.sel $0xFFFF  }
0xc0: {  	[dreg:$0x0] =	wrdreg $0xFFFFFFFF;
	(pc) =	sbr.abs _section_cstart, $3  }
0xc1: {  	[dreg:$0x1] =	wrdreg $0xFFFFFFFF  }
0xc2: {  	_ =	task.clear_ibuf [dreg:s7], $0x2FFFF;
	_ =	strace $0x9FFFFFFF  }
0xc3: {  	(tm) =	ssettm $0x7FFFFFFF  }
tec
execute0_lowered:
.L_overlay_start_1:
0x0: {  	(tag) =	ssettag $0x1  }
0x1: {  	s6 =	rddreg [dreg:$0x0]  }
0x2: {  	s7 =	rddreg [dreg:$0x1]  }
0x3: {  	s2 =	rddreg [dreg:$0x2]  }
0x4: {  	s0 =	rddreg [dreg:$0x3];
	s4 =	srdreg.scid  }
0x5: {  	s1 =	stileid.u32;
	s3 =	simm.s32 $0x0;
	s13 =	simm.s32 $0x2780  }
0x6: {  	s14 =	simm.s32 $0x80;
	s15 =	simm.s32 $0x2800;
	s16 =	simm.s32 $0x1  }
0x7: {  	s17 =	simm.s32 $0x2;
	s18 =	simm.s32 $0x10;
	s19 =	simm.s32 $0x4E80  }
0x8: {  	s20 =	simm.s32 $0x0;
	s5 =	sand.u32 $0x1, s4;
	s8 =	smul.u32 $0x4E20, s1  }
0x9: {  	[smem:$0x7FF] =	sst s3;
	s4 =	sadd.s32 $0x15A00, s6;
	s10 =	smul.u32 $0x2780, s1  }
0xa: {  	s31 =	sshll.u32 s1, $0x6;
	s9 =	smul.u32 $0x2710, s5;
	_ =	strace $0x80000047  }
0xb: {  	s11 =	ssub.s32 $0x2, s5;
	s28 =	smul.u32 $0x27800, s5;
	s5 =	sadd.s32 $0x15400, s6  }
0xc: {  	s12 =	sshrl.u32 s11, $0x1;
	s30 =	sadd.s32 s10, s2;
	s8 =	sadd.s32 s8, s9  }
0xd: {  	s11 =	ssub.s32 s11, s12;
	s29 =	sadd.s32 s10, s28;
	s8 =	sshrl.u32 s8, $0x3  }
0xe: {  	s9 =	simm.s32 $0x4E90;
	s10 =	simm.s32 $0x3;
	s6 =	sadd.s32 s6, s8  }
0xf: {  	s12 =	sshrl.u32 s30, $0x3;
	s8 =	sshrl.u32 s29, $0x3;
	s6 =	sadd.s32 $0xB640, s6  }
0x10: {  	s7 =	sadd.s32 s7, s8;
	s8 =	smax.u32 s11, $0x1;
	s11 =	sor.u32 $0x1C03, s31  }
.LBB2_1:
0x11: {  	[tilespmem:s9], [sflag:$0x3] =	stream.linear.gather [hbm4b:s4+s3], $0x800, $0x38;
	[tilespmem:$0x5690] =	vst v63  }
0x12: {  	_ =	swait.ge [sflag:s10], $0x800  }
0x13: {  	[sflag:s10] =	ssyncset.done $0x0  }
0x14: {  	[sflag:s10] =	ssyncadd.s32 $0xFFFFF800  }
0x15: {  	[spmem:s12], [sflag:s11] =	dma.local [hbm:s5], $0x4F0  }
0x16: {  	_ =	swait.ge [sflag:s10], $0x4F0  }
0x17: {  	[sflag:s10] =	ssyncset.done $0x0  }
0x18: {  	[sflag:s10] =	ssyncadd.s32 $0xFFFFFB10  }
0x19: {  	[bflag:$0x0] =	sbarrier.arrive $0xFFFF  }
0x1a: {  	[tilespmem:s13], [sflag:$0x3] =	stream.linear.gather [hbm4b:s6+s3], $0x2710, $0x38;
	[tilespmem:$0x5690] =	vst v63  }
0x1b: {  	_ =	swait.ge [sflag:s10], $0x2710  }
0x1c: {  	[sflag:s10] =	ssyncset.done $0x0  }
0x1d: {  	[sflag:s10] =	ssyncadd.s32 $0xFFFFD8F0  }
0x1e: {  	[spmem:s2] =	stream.indirect.scatter.add.f32 [tilespmem:s9], [sflag:$0x1], $0x10, s13, s14, $0xb8;
	[tilespmem:$0x5690] =	vst v63  }
0x1f: {  	_ = 	snop  }
0x20: {  	[spmem:s2] =	stream.indirect.scatter.add.f32 [tilespmem:s9], [sflag:$0x2], $0x10, s15, s14, $0xb8;
	[tilespmem:$0x5690] =	vst v63  }
0x21: {  	_ =	swait.ge [sflag:s16], $0x800  }
0x22: {  	[sflag:s16] =	ssyncset.done $0x0  }
0x23: {  	s21 =	simm.s32 $0x2880;
	[sflag:s16] =	ssyncadd.s32 $0xFFFFF800  }
0x24: {  	[spmem:s2] =	stream.indirect.scatter.add.f32 [tilespmem:s9], [sflag:$0x1], $0x10, s21, s14, $0xb8;
	[tilespmem:$0x5690] =	vst v63  }
0x25: {  	_ =	swait.ge [sflag:s17], $0x800  }
0x26: {  	[sflag:s17] =	ssyncset.done $0x0  }
0x27: {  	s22 =	simm.s32 $0x2900;
	s21 =	simm.s32 $0xFFFF6C00;
	[sflag:s17] =	ssyncadd.s32 $0xFFFFF800  }
.LBB2_2:
0x28: {  	[spmem:s2] =	stream.indirect.scatter.add.f32 [tilespmem:s9], [sflag:$0x2], $0x10, s22, s14, $0xb8;
	[tilespmem:$0x5690] =	vst v63  }
0x29: {  	s22 =	smov.u32 s21  }
0x2a: {  	p0 =	sne.s32 s21, $0xFFFFFC00;
	s21 =	sadd.s32 $0x400, s21;
	_ =	swait.ge [sflag:s16], $0x800  }
0x2b: {  	s22 =	sshra.s32 s22, $0x2;
	[sflag:s16] =	ssyncset.done $0x0  }
.Ltmp0:
0x2c: {  	s23 =	sadd.s32 $0x4E80, s22;
	[sflag:s16] =	ssyncadd.s32 $0xFFFFF800;
	(pc) =	sbr.rel @p0 .LBB2_2-.Ltmp0, $4  }
0x2d: {  	[spmem:s2] =	stream.indirect.scatter.add.f32 [tilespmem:s9], [sflag:$0x1], $0x10, s23, s14, $0xb8;
	[tilespmem:$0x5690] =	vst v63  }
0x2e: {  	_ =	swait.ge [sflag:s17], $0x800  }
0x2f: {  	[sflag:s17] =	ssyncset.done $0x0  }
0x30: {  	s22 =	sadd.s32 $0x4F00, s22;
	[sflag:s17] =	ssyncadd.s32 $0xFFFFF800  }
0x31: {  	[spmem:s2] =	stream.indirect.scatter.add.f32 [tilespmem:s9], [sflag:$0x2], $0x10, s22, s14, $0xb8;
	[tilespmem:$0x5690] =	vst v63  }
0x32: {  	_ =	swait.ge [sflag:s16], $0x800  }
0x33: {  	[sflag:s16] =	ssyncset.done $0x0  }
0x34: {  	[sflag:s16] =	ssyncadd.s32 $0xFFFFF800  }
0x35: {  	_ =	swait.ge [sflag:s17], $0x800  }
0x36: {  	[sflag:s17] =	ssyncset.done $0x0  }
0x37: {  	[sflag:s17] =	ssyncadd.s32 $0xFFFFF800  }
0x38: {  	[spmem:s2] =	stream.indirect.scatter.add.f32 [tilespmem:s9], [sflag:$0x3], $0x10, s19, s18, $0xb8;
	[tilespmem:$0x5690] =	vst v63  }
0x39: {  	_ =	swait.ge [sflag:s10], $0x100  }
0x3a: {  	s20 =	sadd.s32 $0x1, s20;
	[sflag:s10] =	ssyncset.done $0x0  }
0x3b: {  	p0 =	sne.s32 s20, s8;
	[sflag:s10] =	ssyncadd.s32 $0xFFFFFF00  }
.Ltmp1:
0x3c: {  	[bflag:$0x0] =	sbarrier.arrive $0xFFFF;
	(pc) =	sbr.rel @p0 .LBB2_1-.Ltmp1, $4  }
0x3d: {  	[hbm:s7], [sflag:s11] =	dma.local [spmem:s12], $0x4F0  }
0x3e: {  	_ =	swait.ge [sflag:s10], $0x4F0  }
0x3f: {  	[sflag:s10] =	ssyncset.done $0x0  }
0x40: {  	[sflag:s10] =	ssyncadd.s32 $0xFFFFFB10  }
0x41: {  	_ =	sfence.sel $0x180000  }
0x42: {  	[bflag:$0x0] =	sbarrier.arrive $0xFFFF  }
0x43: {  	p0 =	sne.s32 s1, $0x0;
	_ =	strace $0x90000047  }
0x44: {  	s0 =	sadd.s32 @!p0 $0x100000, s0;
	[bflag:$0x2] =	sbarrier.arrive $0xFFFF  }
0x45: {  	[sflag:s0] =	ssyncadd.tile.s32 @!p0 $0x1;
	_ =	shalt  }
.Lfunc_end2:
_tile_overlayer_lowered:
.L_overlay_start_2:
0x46: {  	(tag) =	ssettag $0x2  }
0x47: {  	s0 =	rddreg [dreg:$0x0];
	s2 =	stileid.u32  }
0x48: {  	s1 =	rddreg [dreg:$0x1];
	p0 =	sne.s32 s2, $0x0  }
0x49: {  	s3 =	rddreg [dreg:$0x2];
	[bflag:$0x3] =	sbarrier.arrive $0xFFFF;
	s2 =	simm.s32 @!p0 $0x1C03  }
0x4a: {  	[timem:s3], [sflag:s2] =	dma.local @!p0 [hbm:s0], s1  }
0x4b: {  	s0 =	simm.s32 @!p0 $0x3  }
0x4c: {  	_ =	swait.ge @!p0 [sflag:s0], s1  }
0x4d: {  	s1 =	ssub.s32 @!p0 $0x0, s1;
	[sflag:s0] =	ssyncset.done @!p0 $0x0  }
0x4e: {  	[sflag:s0] =	ssyncadd.s32 @!p0 s1  }
0x4f: {  	[bflag:$0x3] =	sbarrier.arrive $0xFFFF  }
0x50: {  	_ =	shalt  }

</sc_bundles>
